<compile_context>
chip_gen: v7x
topology: tpu7x:2x2x1
jax: 0.10.2.dev20260603
libtpu: 0.0.44.dev20260713+nightly
codegen_flags: <defaults>
</compile_context>

<pallas_src>
import functools
import math

import jax
import jax.numpy as jnp
from jax import lax
from jax.experimental import pallas as pl
from jax.experimental.pallas import tpu as pltpu
from jax.experimental.pallas import tpu_sc as plsc

D_MODEL = 64
SCALE = math.sqrt(D_MODEL)

NC = 2
NS = 16
NW = NC * NS

SEQ = 200
BATCH = 4096
IDXW = 128
CHUNK = 512
GPC = CHUNK // IDXW
QPT = BATCH // CHUNK
BPW = SEQ * QPT // NW
SLAB = CHUNK * D_MODEL // 8


def _emb_kernel(table_hbm, idx_hbm, out_hbm, idx_v, rows_v, stage_v, sem, osem):
    wid = lax.axis_index("s") * NC + lax.axis_index("c")
    lane = lax.broadcasted_iota(jnp.int32, (16,), 0)

    def block_body(bi, _):
        bid = wid * BPW + bi
        t = bid // QPT
        q = lax.rem(bid, QPT)
        pltpu.sync_copy(
            idx_hbm.at[t >> 3, pl.ds(q * GPC, GPC), pl.ds((t & 7) * IDXW, IDXW)],
            idx_v,
        )
        copies = []
        for j in range(GPC):
            copies.append(
                pltpu.async_copy(
                    table_hbm.at[idx_v.at[j]],
                    rows_v.at[pl.ds(j * IDXW, IDXW)],
                    sem,
                )
            )
        for c in copies:
            c.wait()

        def rot_body(rot, _):
            m = (lane + rot) & 15
            mr = m >> 3
            goff = ((m & 7) << 7) + lane
            for half in range(2):
                for d0g in range(4):
                    d0 = d0g * 16
                    colv = m + d0
                    rv = mr + d0g * 2
                    gathered = []
                    for j0g in range(16):
                        j0 = (half * 16 + j0g) * 16
                        vals = plsc.load_gather(rows_v, [j0 + lane, colv])
                        gathered.append(vals * SCALE)
                    for j0g in range(16):
                        j0 = (half * 16 + j0g) * 16
                        clv = jnp.full((16,), j0 >> 7, jnp.int32)
                        plsc.store_scatter(
                            stage_v, [rv, clv, goff + (j0 & 127)], gathered[j0g]
                        )
            return 0

        lax.fori_loop(0, 16, rot_body, 0)

        ocopies = []
        for rr in range(8):
            ocopies.append(
                pltpu.async_copy(
                    stage_v.at[rr],
                    out_hbm.at[t, rr, pl.ds(q * GPC, GPC)],
                    osem,
                )
            )
        for c in ocopies:
            c.wait()
        return 0

    lax.fori_loop(0, BPW, block_body, 0)


@jax.jit
def kernel(x, table):
    xt = jnp.swapaxes(x, 0, 1)
    idx3 = xt.reshape(SEQ // 8, 8, BATCH // IDXW, IDXW).transpose(0, 2, 1, 3)
    idx3 = idx3.reshape(SEQ // 8, BATCH // IDXW, 8 * IDXW)
    mesh = plsc.VectorSubcoreMesh(core_axis_name="c", subcore_axis_name="s")
    out3 = pl.kernel(
        _emb_kernel,
        out_type=jax.ShapeDtypeStruct((SEQ, 8, BATCH // IDXW, 8 * IDXW), jnp.float32),
        mesh=mesh,
        scratch_types=[
            pltpu.VMEM((GPC, IDXW), jnp.int32),
            pltpu.VMEM((CHUNK, D_MODEL), jnp.float32),
            pltpu.VMEM((8, GPC, 8 * IDXW), jnp.float32),
            pltpu.SemaphoreType.DMA,
            pltpu.SemaphoreType.DMA,
        ],
        compiler_params=pltpu.CompilerParams(
            use_tc_tiling_on_sc=False, needs_layout_passes=False
        ),
    )(table, idx3)
    out5 = out3.reshape(SEQ, 8, BATCH // IDXW, 8, IDXW)
    return lax.reshape(out5, (BATCH, SEQ, D_MODEL), dimensions=(2, 4, 0, 1, 3))

# --- scband reference (transcript-rebuilt; emitter-appended) ---
"""Pipeline reference for scband-input-embeddings-41558103556658 (READ-ONLY COPY).

The authoritative reference and input builder live on the scoring server;
editing this copy changes nothing except your own understanding.
"""

import jax, jax.numpy as jnp
import numpy as np
import math

D_MODEL = 64
VOCAB_SIZE = 1000000

def setup_inputs(seed: int = 0) -> dict:
    key = jax.random.key(seed)
    k1, k2 = jax.random.split(key)
    x = jax.random.randint(k1, (4096, 200), 0, VOCAB_SIZE, dtype=jnp.int64 if jax.config.jax_enable_x64 else jnp.int32)
    table = jax.random.normal(k2, (VOCAB_SIZE, D_MODEL), dtype=jnp.float32)
    return {"x": x, "table": table}

def reference(x, table):
    emb = jnp.take(table, x, axis=0)
    return emb * math.sqrt(D_MODEL)

if __name__ == "__main__":
    import jax
    _d = setup_inputs()
    print(jax.jit(kernel)(*tuple(_d.values())))

</pallas_src>

<mosaic_0001>
#map = affine_map<(d0, d1) -> (0, 0)>
#map1 = affine_map<(d0, d1) -> (0, 0, 0)>
#map2 = affine_map<(d0, d1) -> (0, 0, 0, 0)>
module attributes {stable_mosaic.version = 14 : i64} {
  func.func @_emb_kernel(%arg0: i32, %arg1: i32, %arg2: memref<1000000x64xf32, #tpu.memory_space<hbm>>, %arg3: memref<25x32x1024xi32, #tpu.memory_space<hbm>>, %arg4: memref<200x8x32x1024xf32, #tpu.memory_space<hbm>>, %arg5: memref<4x128xi32, #tpu.memory_space<vmem>>, %arg6: memref<512x64xf32, #tpu.memory_space<vmem>>, %arg7: memref<8x4x1024xf32, #tpu.memory_space<vmem>>, %arg8: memref<!tpu.dma_semaphore, #tpu.memory_space<semaphore_mem>>, %arg9: memref<!tpu.dma_semaphore, #tpu.memory_space<semaphore_mem>>) attributes {dimension_semantics = [#tpu.dimension_semantics<core_parallel>, #tpu.dimension_semantics<subcore_parallel>], iteration_bounds = array<i64: 2, 16>, scalar_prefetch = 0 : i64, scratch_operands = 5 : i64, tpu.core_type = #tpu.core_type<sc_vector_subcore>, window_params = [{transform_indices = #map}, {transform_indices = #map1}, {transform_indices = #map2}]} {
    %mul3A = arith.constant 2 : i32
    %mul3A_0 = arith.muli %arg1, %mul3A : i32
    %add3A = arith.addi %mul3A_0, %arg0 : i32
    %iota3A = tpu.iota {dimensions = array<i32: 0>} : vector<16xi32>
    %scan3A = arith.constant 0 : i32
    %scan3A_1 = arith.constant 0 : i32
    %scan3A_2 = arith.constant 50 : i32
    %scan3A_3 = arith.addi %scan3A_1, %scan3A_2 : i32
    %scan3A_4 = arith.constant 1 : i32
    %scan3A_5 = scf.for %scan3A_7 = %scan3A_1 to %scan3A_3 step %scan3A_4 iter_args(%scan3A_8 = %scan3A) -> (i32)  : i32 {
      %mul3A_9 = arith.constant 50 : i32
      %mul3A_10 = arith.muli %add3A, %mul3A_9 : i32
      %add3A_11 = arith.addi %mul3A_10, %scan3A_7 : i32
      %jit3A = arith.constant 8 : i32
      %div3A = arith.divsi %add3A_11, %jit3A : i32
      %sign3A = arith.constant 0 : i32
      %sign3A_12 = arith.cmpi sgt, %add3A_11, %sign3A : i32
      %sign3A_13 = arith.extui %sign3A_12 : i1 to i32
      %sign3A_14 = arith.constant 0 : i32
      %sign3A_15 = arith.cmpi slt, %add3A_11, %sign3A_14 : i32
      %sign3A_16 = arith.extui %sign3A_15 : i1 to i32
      %sign3A_17 = arith.subi %sign3A_13, %sign3A_16 : i32
      %sign3A_18 = arith.constant 0 : i32
      %sign3A_19 = arith.cmpi sgt, %jit3A, %sign3A_18 : i32
      %sign3A_20 = arith.extui %sign3A_19 : i1 to i32
      %sign3A_21 = arith.constant 0 : i32
      %sign3A_22 = arith.cmpi slt, %jit3A, %sign3A_21 : i32
      %sign3A_23 = arith.extui %sign3A_22 : i1 to i32
      %sign3A_24 = arith.subi %sign3A_20, %sign3A_23 : i32
      %ne3A = arith.cmpi ne, %sign3A_17, %sign3A_24 : i32
      %rem3A = arith.remsi %add3A_11, %jit3A : i32
      %ne3A_25 = arith.constant 0 : i32
      %ne3A_26 = arith.cmpi ne, %rem3A, %ne3A_25 : i32
      %and3A = arith.andi %ne3A, %ne3A_26 : i1
      %sub3A = arith.constant 1 : i32
      %sub3A_27 = arith.subi %div3A, %sub3A : i32
      %select_n3A = arith.select %and3A, %sub3A_27, %div3A : i32
      %rem3A_28 = arith.constant 8 : i32
      %rem3A_29 = arith.remsi %add3A_11, %rem3A_28 : i32
      %shift_right_arithmetic3A = arith.constant 3 : i32
      %shift_right_arithmetic3A_30 = arith.shrsi %select_n3A, %shift_right_arithmetic3A : i32
      %mul3A_31 = arith.constant 4 : i32
      %mul3A_32 = arith.muli %rem3A_29, %mul3A_31 : i32
      %and3A_33 = arith.constant 7 : i32
      %and3A_34 = arith.andi %select_n3A, %and3A_33 : i32
      %mul3A_35 = arith.constant 128 : i32
      %mul3A_36 = arith.muli %and3A_34, %mul3A_35 : i32
      "tpu.region"() ({
        %run_scoped3A = tpu.sem_alloc : memref<!tpu.dma_semaphore, #tpu.memory_space<semaphore_mem>>
        %dma_start3A_395 = tpu.memref_slice %arg3[%shift_right_arithmetic3A_30, %mul3A_32, %mul3A_36] : memref<25x32x1024xi32, #tpu.memory_space<hbm>> -> memref<1x4x128xi32, #tpu.memory_space<hbm>>
        %dma_start3A_396 = tpu.memref_squeeze %dma_start3A_395 : memref<1x4x128xi32, #tpu.memory_space<hbm>> -> memref<4x128xi32, #tpu.memory_space<hbm>>
        %dma_start3A_397 = tpu.memref_slice %arg3[%shift_right_arithmetic3A_30, %mul3A_32, %mul3A_36] : memref<25x32x1024xi32, #tpu.memory_space<hbm>> -> memref<1x4x128xi32, #tpu.memory_space<hbm>>
        %dma_start3A_398 = tpu.memref_squeeze %dma_start3A_397 : memref<1x4x128xi32, #tpu.memory_space<hbm>> -> memref<4x128xi32, #tpu.memory_space<hbm>>
        tpu.enqueue_dma source(%dma_start3A_398 : memref<4x128xi32, #tpu.memory_space<hbm>>) target(%arg5 : memref<4x128xi32, #tpu.memory_space<vmem>>) target_semaphore(%run_scoped3A : memref<!tpu.dma_semaphore, #tpu.memory_space<semaphore_mem>>)
        %dma_wait3A_399 = tpu.memref_slice %arg3[%shift_right_arithmetic3A_30, %mul3A_32, %mul3A_36] : memref<25x32x1024xi32, #tpu.memory_space<hbm>> -> memref<1x4x128xi32, #tpu.memory_space<hbm>>
        %dma_wait3A_400 = tpu.memref_squeeze %dma_wait3A_399 : memref<1x4x128xi32, #tpu.memory_space<hbm>> -> memref<4x128xi32, #tpu.memory_space<hbm>>
        %dma_wait3A_401 = tpu.memref_slice %arg3[%shift_right_arithmetic3A_30, %mul3A_32, %mul3A_36] : memref<25x32x1024xi32, #tpu.memory_space<hbm>> -> memref<1x4x128xi32, #tpu.memory_space<hbm>>
        %dma_wait3A_402 = tpu.memref_squeeze %dma_wait3A_401 : memref<1x4x128xi32, #tpu.memory_space<hbm>> -> memref<4x128xi32, #tpu.memory_space<hbm>>
        tpu.wait_dma2 semaphore(%run_scoped3A : memref<!tpu.dma_semaphore, #tpu.memory_space<semaphore_mem>>) src(%dma_wait3A_402 : memref<4x128xi32, #tpu.memory_space<hbm>>) dst(%arg5 : memref<4x128xi32, #tpu.memory_space<vmem>>)
        tpu.yield
      }) : () -> ()
      %dma_start3A = arith.constant 0 : i32
      %dma_start3A_37 = arith.constant 0 : i32
      %dma_start3A_38 = arith.constant 0 : i32
      %dma_start3A_39 = tpu.memref_slice %arg6[%dma_start3A_37, %dma_start3A_38] : memref<512x64xf32, #tpu.memory_space<vmem>> -> memref<128x64xf32, #tpu.memory_space<vmem>>
      %dma_start3A_40 = arith.constant 0 : i32
      %dma_start3A_41 = tpu.memref_slice %arg5[%dma_start3A, %dma_start3A_40] : memref<4x128xi32, #tpu.memory_space<vmem>> -> memref<1x128xi32, #tpu.memory_space<vmem>>
      %dma_start3A_42 = tpu.memref_squeeze %dma_start3A_41 : memref<1x128xi32, #tpu.memory_space<vmem>> -> memref<128xi32, #tpu.memory_space<vmem>>
      %dma_start3A_43 = arith.constant 0 : i32
      %dma_start3A_44 = arith.constant 0 : i32
      %dma_start3A_45 = tpu.memref_slice %arg2[%dma_start3A_43, %dma_start3A_44] : memref<1000000x64xf32, #tpu.memory_space<hbm>> -> memref<1000000x64xf32, #tpu.memory_space<hbm>>
      tpu.enqueue_indirect_dma source(%dma_start3A_45 : memref<1000000x64xf32, #tpu.memory_space<hbm>>) target(%dma_start3A_39 : memref<128x64xf32, #tpu.memory_space<vmem>>) offsets(%dma_start3A_42 : memref<128xi32, #tpu.memory_space<vmem>>) semaphore(%arg8 : memref<!tpu.dma_semaphore, #tpu.memory_space<semaphore_mem>>)
      %dma_start3A_46 = arith.constant 1 : i32
      %dma_start3A_47 = arith.constant 128 : i32
      %dma_start3A_48 = arith.constant 0 : i32
      %dma_start3A_49 = tpu.memref_slice %arg6[%dma_start3A_47, %dma_start3A_48] : memref<512x64xf32, #tpu.memory_space<vmem>> -> memref<128x64xf32, #tpu.memory_space<vmem>>
      %dma_start3A_50 = arith.constant 0 : i32
      %dma_start3A_51 = tpu.memref_slice %arg5[%dma_start3A_46, %dma_start3A_50] : memref<4x128xi32, #tpu.memory_space<vmem>> -> memref<1x128xi32, #tpu.memory_space<vmem>>
      %dma_start3A_52 = tpu.memref_squeeze %dma_start3A_51 : memref<1x128xi32, #tpu.memory_space<vmem>> -> memref<128xi32, #tpu.memory_space<vmem>>
      %dma_start3A_53 = arith.constant 0 : i32
      %dma_start3A_54 = arith.constant 0 : i32
      %dma_start3A_55 = tpu.memref_slice %arg2[%dma_start3A_53, %dma_start3A_54] : memref<1000000x64xf32, #tpu.memory_space<hbm>> -> memref<1000000x64xf32, #tpu.memory_space<hbm>>
      tpu.enqueue_indirect_dma source(%dma_start3A_55 : memref<1000000x64xf32, #tpu.memory_space<hbm>>) target(%dma_start3A_49 : memref<128x64xf32, #tpu.memory_space<vmem>>) offsets(%dma_start3A_52 : memref<128xi32, #tpu.memory_space<vmem>>) semaphore(%arg8 : memref<!tpu.dma_semaphore, #tpu.memory_space<semaphore_mem>>)
      %dma_start3A_56 = arith.constant 2 : i32
      %dma_start3A_57 = arith.constant 256 : i32
      %dma_start3A_58 = arith.constant 0 : i32
      %dma_start3A_59 = tpu.memref_slice %arg6[%dma_start3A_57, %dma_start3A_58] : memref<512x64xf32, #tpu.memory_space<vmem>> -> memref<128x64xf32, #tpu.memory_space<vmem>>
      %dma_start3A_60 = arith.constant 0 : i32
      %dma_start3A_61 = tpu.memref_slice %arg5[%dma_start3A_56, %dma_start3A_60] : memref<4x128xi32, #tpu.memory_space<vmem>> -> memref<1x128xi32, #tpu.memory_space<vmem>>
      %dma_start3A_62 = tpu.memref_squeeze %dma_start3A_61 : memref<1x128xi32, #tpu.memory_space<vmem>> -> memref<128xi32, #tpu.memory_space<vmem>>
      %dma_start3A_63 = arith.constant 0 : i32
      %dma_start3A_64 = arith.constant 0 : i32
      %dma_start3A_65 = tpu.memref_slice %arg2[%dma_start3A_63, %dma_start3A_64] : memref<1000000x64xf32, #tpu.memory_space<hbm>> -> memref<1000000x64xf32, #tpu.memory_space<hbm>>
      tpu.enqueue_indirect_dma source(%dma_start3A_65 : memref<1000000x64xf32, #tpu.memory_space<hbm>>) target(%dma_start3A_59 : memref<128x64xf32, #tpu.memory_space<vmem>>) offsets(%dma_start3A_62 : memref<128xi32, #tpu.memory_space<vmem>>) semaphore(%arg8 : memref<!tpu.dma_semaphore, #tpu.memory_space<semaphore_mem>>)
      %dma_start3A_66 = arith.constant 3 : i32
      %dma_start3A_67 = arith.constant 384 : i32
      %dma_start3A_68 = arith.constant 0 : i32
      %dma_start3A_69 = tpu.memref_slice %arg6[%dma_start3A_67, %dma_start3A_68] : memref<512x64xf32, #tpu.memory_space<vmem>> -> memref<128x64xf32, #tpu.memory_space<vmem>>
      %dma_start3A_70 = arith.constant 0 : i32
      %dma_start3A_71 = tpu.memref_slice %arg5[%dma_start3A_66, %dma_start3A_70] : memref<4x128xi32, #tpu.memory_space<vmem>> -> memref<1x128xi32, #tpu.memory_space<vmem>>
      %dma_start3A_72 = tpu.memref_squeeze %dma_start3A_71 : memref<1x128xi32, #tpu.memory_space<vmem>> -> memref<128xi32, #tpu.memory_space<vmem>>
      %dma_start3A_73 = arith.constant 0 : i32
      %dma_start3A_74 = arith.constant 0 : i32
      %dma_start3A_75 = tpu.memref_slice %arg2[%dma_start3A_73, %dma_start3A_74] : memref<1000000x64xf32, #tpu.memory_space<hbm>> -> memref<1000000x64xf32, #tpu.memory_space<hbm>>
      tpu.enqueue_indirect_dma source(%dma_start3A_75 : memref<1000000x64xf32, #tpu.memory_space<hbm>>) target(%dma_start3A_69 : memref<128x64xf32, #tpu.memory_space<vmem>>) offsets(%dma_start3A_72 : memref<128xi32, #tpu.memory_space<vmem>>) semaphore(%arg8 : memref<!tpu.dma_semaphore, #tpu.memory_space<semaphore_mem>>)
      %dma_wait3A = arith.constant 0 : i32
      %dma_wait3A_76 = arith.constant 0 : i32
      %dma_wait3A_77 = arith.constant 0 : i32
      %dma_wait3A_78 = tpu.memref_slice %arg6[%dma_wait3A_76, %dma_wait3A_77] : memref<512x64xf32, #tpu.memory_space<vmem>> -> memref<128x64xf32, #tpu.memory_space<vmem>>
      %dma_wait3A_79 = arith.constant 0 : i32
      %dma_wait3A_80 = tpu.memref_slice %arg5[%dma_wait3A, %dma_wait3A_79] : memref<4x128xi32, #tpu.memory_space<vmem>> -> memref<1x128xi32, #tpu.memory_space<vmem>>
      %dma_wait3A_81 = tpu.memref_squeeze %dma_wait3A_80 : memref<1x128xi32, #tpu.memory_space<vmem>> -> memref<128xi32, #tpu.memory_space<vmem>>
      %dma_wait3A_82 = arith.constant 0 : i32
      %dma_wait3A_83 = arith.constant 0 : i32
      %dma_wait3A_84 = tpu.memref_slice %arg2[%dma_wait3A_82, %dma_wait3A_83] : memref<1000000x64xf32, #tpu.memory_space<hbm>> -> memref<1000000x64xf32, #tpu.memory_space<hbm>>
      tpu.wait_indirect_dma semaphore(%arg8 : memref<!tpu.dma_semaphore, #tpu.memory_space<semaphore_mem>>) src(%dma_wait3A_84 : memref<1000000x64xf32, #tpu.memory_space<hbm>>) dst(%dma_wait3A_78 : memref<128x64xf32, #tpu.memory_space<vmem>>)
      %dma_wait3A_85 = arith.constant 1 : i32
      %dma_wait3A_86 = arith.constant 128 : i32
      %dma_wait3A_87 = arith.constant 0 : i32
      %dma_wait3A_88 = tpu.memref_slice %arg6[%dma_wait3A_86, %dma_wait3A_87] : memref<512x64xf32, #tpu.memory_space<vmem>> -> memref<128x64xf32, #tpu.memory_space<vmem>>
      %dma_wait3A_89 = arith.constant 0 : i32
      %dma_wait3A_90 = tpu.memref_slice %arg5[%dma_wait3A_85, %dma_wait3A_89] : memref<4x128xi32, #tpu.memory_space<vmem>> -> memref<1x128xi32, #tpu.memory_space<vmem>>
      %dma_wait3A_91 = tpu.memref_squeeze %dma_wait3A_90 : memref<1x128xi32, #tpu.memory_space<vmem>> -> memref<128xi32, #tpu.memory_space<vmem>>
      %dma_wait3A_92 = arith.constant 0 : i32
      %dma_wait3A_93 = arith.constant 0 : i32
      %dma_wait3A_94 = tpu.memref_slice %arg2[%dma_wait3A_92, %dma_wait3A_93] : memref<1000000x64xf32, #tpu.memory_space<hbm>> -> memref<1000000x64xf32, #tpu.memory_space<hbm>>
      tpu.wait_indirect_dma semaphore(%arg8 : memref<!tpu.dma_semaphore, #tpu.memory_space<semaphore_mem>>) src(%dma_wait3A_94 : memref<1000000x64xf32, #tpu.memory_space<hbm>>) dst(%dma_wait3A_88 : memref<128x64xf32, #tpu.memory_space<vmem>>)
      %dma_wait3A_95 = arith.constant 2 : i32
      %dma_wait3A_96 = arith.constant 256 : i32
      %dma_wait3A_97 = arith.constant 0 : i32
      %dma_wait3A_98 = tpu.memref_slice %arg6[%dma_wait3A_96, %dma_wait3A_97] : memref<512x64xf32, #tpu.memory_space<vmem>> -> memref<128x64xf32, #tpu.memory_space<vmem>>
      %dma_wait3A_99 = arith.constant 0 : i32
      %dma_wait3A_100 = tpu.memref_slice %arg5[%dma_wait3A_95, %dma_wait3A_99] : memref<4x128xi32, #tpu.memory_space<vmem>> -> memref<1x128xi32, #tpu.memory_space<vmem>>
      %dma_wait3A_101 = tpu.memref_squeeze %dma_wait3A_100 : memref<1x128xi32, #tpu.memory_space<vmem>> -> memref<128xi32, #tpu.memory_space<vmem>>
      %dma_wait3A_102 = arith.constant 0 : i32
      %dma_wait3A_103 = arith.constant 0 : i32
      %dma_wait3A_104 = tpu.memref_slice %arg2[%dma_wait3A_102, %dma_wait3A_103] : memref<1000000x64xf32, #tpu.memory_space<hbm>> -> memref<1000000x64xf32, #tpu.memory_space<hbm>>
      tpu.wait_indirect_dma semaphore(%arg8 : memref<!tpu.dma_semaphore, #tpu.memory_space<semaphore_mem>>) src(%dma_wait3A_104 : memref<1000000x64xf32, #tpu.memory_space<hbm>>) dst(%dma_wait3A_98 : memref<128x64xf32, #tpu.memory_space<vmem>>)
      %dma_wait3A_105 = arith.constant 3 : i32
      %dma_wait3A_106 = arith.constant 384 : i32
      %dma_wait3A_107 = arith.constant 0 : i32
      %dma_wait3A_108 = tpu.memref_slice %arg6[%dma_wait3A_106, %dma_wait3A_107] : memref<512x64xf32, #tpu.memory_space<vmem>> -> memref<128x64xf32, #tpu.memory_space<vmem>>
      %dma_wait3A_109 = arith.constant 0 : i32
      %dma_wait3A_110 = tpu.memref_slice %arg5[%dma_wait3A_105, %dma_wait3A_109] : memref<4x128xi32, #tpu.memory_space<vmem>> -> memref<1x128xi32, #tpu.memory_space<vmem>>
      %dma_wait3A_111 = tpu.memref_squeeze %dma_wait3A_110 : memref<1x128xi32, #tpu.memory_space<vmem>> -> memref<128xi32, #tpu.memory_space<vmem>>
      %dma_wait3A_112 = arith.constant 0 : i32
      %dma_wait3A_113 = arith.constant 0 : i32
      %dma_wait3A_114 = tpu.memref_slice %arg2[%dma_wait3A_112, %dma_wait3A_113] : memref<1000000x64xf32, #tpu.memory_space<hbm>> -> memref<1000000x64xf32, #tpu.memory_space<hbm>>
      tpu.wait_indirect_dma semaphore(%arg8 : memref<!tpu.dma_semaphore, #tpu.memory_space<semaphore_mem>>) src(%dma_wait3A_114 : memref<1000000x64xf32, #tpu.memory_space<hbm>>) dst(%dma_wait3A_108 : memref<128x64xf32, #tpu.memory_space<vmem>>)
      %scan3A_115 = arith.constant 0 : i32
      %scan3A_116 = arith.constant 0 : i32
      %scan3A_117 = arith.constant 16 : i32
      %scan3A_118 = arith.addi %scan3A_116, %scan3A_117 : i32
      %scan3A_119 = arith.constant 1 : i32
      %scan3A_120 = scf.for %scan3A_395 = %scan3A_116 to %scan3A_118 step %scan3A_119 iter_args(%scan3A_396 = %scan3A_115) -> (i32)  : i32 {
        %add3A_397 = vector.broadcast %scan3A_395 : i32 to vector<16xi32>
        %add3A_398 = arith.addi %iota3A, %add3A_397 : vector<16xi32>
        %and3A_399 = arith.constant 15 : i32
        %and3A_400 = vector.broadcast %and3A_399 : i32 to vector<16xi32>
        %and3A_401 = arith.andi %add3A_398, %and3A_400 : vector<16xi32>
        %shift_right_arithmetic3A_402 = arith.constant 3 : i32
        %shift_right_arithmetic3A_403 = vector.broadcast %shift_right_arithmetic3A_402 : i32 to vector<16xi32>
        %shift_right_arithmetic3A_404 = arith.shrsi %and3A_401, %shift_right_arithmetic3A_403 : vector<16xi32>
        %and3A_405 = arith.constant 7 : i32
        %and3A_406 = vector.broadcast %and3A_405 : i32 to vector<16xi32>
        %and3A_407 = arith.andi %and3A_401, %and3A_406 : vector<16xi32>
        %shift_left3A = arith.constant 7 : i32
        %shift_left3A_408 = vector.broadcast %shift_left3A : i32 to vector<16xi32>
        %shift_left3A_409 = arith.shli %and3A_407, %shift_left3A_408 : vector<16xi32>
        %add3A_410 = arith.addi %shift_left3A_409, %iota3A : vector<16xi32>
        %add3A_411 = arith.constant 0 : i32
        %add3A_412 = vector.broadcast %add3A_411 : i32 to vector<16xi32>
        %add3A_413 = arith.addi %and3A_401, %add3A_412 : vector<16xi32>
        %add3A_414 = arith.constant 0 : i32
        %add3A_415 = vector.broadcast %add3A_414 : i32 to vector<16xi32>
        %add3A_416 = arith.addi %shift_right_arithmetic3A_404, %add3A_415 : vector<16xi32>
        %add3A_417 = arith.constant 0 : i32
        %add3A_418 = vector.broadcast %add3A_417 : i32 to vector<16xi32>
        %add3A_419 = arith.addi %add3A_418, %iota3A : vector<16xi32>
        %gather3A = tpu.vector_load_idx %arg6[%add3A_419, %add3A_413] : memref<512x64xf32, #tpu.memory_space<vmem>>[vector<16xi32>, vector<16xi32>], vector<16xf32>,
        %mul3A_420 = arith.constant 8.000000e+00 : f32
        %mul3A_421 = vector.broadcast %mul3A_420 : f32 to vector<16xf32>
        %mul3A_422 = arith.mulf %gather3A, %mul3A_421 : vector<16xf32>
        %add3A_423 = arith.constant 16 : i32
        %add3A_424 = vector.broadcast %add3A_423 : i32 to vector<16xi32>
        %add3A_425 = arith.addi %add3A_424, %iota3A : vector<16xi32>
        %gather3A_426 = tpu.vector_load_idx %arg6[%add3A_425, %add3A_413] : memref<512x64xf32, #tpu.memory_space<vmem>>[vector<16xi32>, vector<16xi32>], vector<16xf32>,
        %mul3A_427 = arith.constant 8.000000e+00 : f32
        %mul3A_428 = vector.broadcast %mul3A_427 : f32 to vector<16xf32>
        %mul3A_429 = arith.mulf %gather3A_426, %mul3A_428 : vector<16xf32>
        %add3A_430 = arith.constant 32 : i32
        %add3A_431 = vector.broadcast %add3A_430 : i32 to vector<16xi32>
        %add3A_432 = arith.addi %add3A_431, %iota3A : vector<16xi32>
        %gather3A_433 = tpu.vector_load_idx %arg6[%add3A_432, %add3A_413] : memref<512x64xf32, #tpu.memory_space<vmem>>[vector<16xi32>, vector<16xi32>], vector<16xf32>,
        %mul3A_434 = arith.constant 8.000000e+00 : f32
        %mul3A_435 = vector.broadcast %mul3A_434 : f32 to vector<16xf32>
        %mul3A_436 = arith.mulf %gather3A_433, %mul3A_435 : vector<16xf32>
        %add3A_437 = arith.constant 48 : i32
        %add3A_438 = vector.broadcast %add3A_437 : i32 to vector<16xi32>
        %add3A_439 = arith.addi %add3A_438, %iota3A : vector<16xi32>
        %gather3A_440 = tpu.vector_load_idx %arg6[%add3A_439, %add3A_413] : memref<512x64xf32, #tpu.memory_space<vmem>>[vector<16xi32>, vector<16xi32>], vector<16xf32>,
        %mul3A_441 = arith.constant 8.000000e+00 : f32
        %mul3A_442 = vector.broadcast %mul3A_441 : f32 to vector<16xf32>
        %mul3A_443 = arith.mulf %gather3A_440, %mul3A_442 : vector<16xf32>
        %add3A_444 = arith.constant 64 : i32
        %add3A_445 = vector.broadcast %add3A_444 : i32 to vector<16xi32>
        %add3A_446 = arith.addi %add3A_445, %iota3A : vector<16xi32>
        %gather3A_447 = tpu.vector_load_idx %arg6[%add3A_446, %add3A_413] : memref<512x64xf32, #tpu.memory_space<vmem>>[vector<16xi32>, vector<16xi32>], vector<16xf32>,
        %mul3A_448 = arith.constant 8.000000e+00 : f32
        %mul3A_449 = vector.broadcast %mul3A_448 : f32 to vector<16xf32>
        %mul3A_450 = arith.mulf %gather3A_447, %mul3A_449 : vector<16xf32>
        %add3A_451 = arith.constant 80 : i32
        %add3A_452 = vector.broadcast %add3A_451 : i32 to vector<16xi32>
        %add3A_453 = arith.addi %add3A_452, %iota3A : vector<16xi32>
        %gather3A_454 = tpu.vector_load_idx %arg6[%add3A_453, %add3A_413] : memref<512x64xf32, #tpu.memory_space<vmem>>[vector<16xi32>, vector<16xi32>], vector<16xf32>,
        %mul3A_455 = arith.constant 8.000000e+00 : f32
        %mul3A_456 = vector.broadcast %mul3A_455 : f32 to vector<16xf32>
        %mul3A_457 = arith.mulf %gather3A_454, %mul3A_456 : vector<16xf32>
        %add3A_458 = arith.constant 96 : i32
        %add3A_459 = vector.broadcast %add3A_458 : i32 to vector<16xi32>
        %add3A_460 = arith.addi %add3A_459, %iota3A : vector<16xi32>
        %gather3A_461 = tpu.vector_load_idx %arg6[%add3A_460, %add3A_413] : memref<512x64xf32, #tpu.memory_space<vmem>>[vector<16xi32>, vector<16xi32>], vector<16xf32>,
        %mul3A_462 = arith.constant 8.000000e+00 : f32
        %mul3A_463 = vector.broadcast %mul3A_462 : f32 to vector<16xf32>
        %mul3A_464 = arith.mulf %gather3A_461, %mul3A_463 : vector<16xf32>
        %add3A_465 = arith.constant 112 : i32
        %add3A_466 = vector.broadcast %add3A_465 : i32 to vector<16xi32>
        %add3A_467 = arith.addi %add3A_466, %iota3A : vector<16xi32>
        %gather3A_468 = tpu.vector_load_idx %arg6[%add3A_467, %add3A_413] : memref<512x64xf32, #tpu.memory_space<vmem>>[vector<16xi32>, vector<16xi32>], vector<16xf32>,
        %mul3A_469 = arith.constant 8.000000e+00 : f32
        %mul3A_470 = vector.broadcast %mul3A_469 : f32 to vector<16xf32>
        %mul3A_471 = arith.mulf %gather3A_468, %mul3A_470 : vector<16xf32>
        %add3A_472 = arith.constant 128 : i32
        %add3A_473 = vector.broadcast %add3A_472 : i32 to vector<16xi32>
        %add3A_474 = arith.addi %add3A_473, %iota3A : vector<16xi32>
        %gather3A_475 = tpu.vector_load_idx %arg6[%add3A_474, %add3A_413] : memref<512x64xf32, #tpu.memory_space<vmem>>[vector<16xi32>, vector<16xi32>], vector<16xf32>,
        %mul3A_476 = arith.constant 8.000000e+00 : f32
        %mul3A_477 = vector.broadcast %mul3A_476 : f32 to vector<16xf32>
        %mul3A_478 = arith.mulf %gather3A_475, %mul3A_477 : vector<16xf32>
        %add3A_479 = arith.constant 144 : i32
        %add3A_480 = vector.broadcast %add3A_479 : i32 to vector<16xi32>
        %add3A_481 = arith.addi %add3A_480, %iota3A : vector<16xi32>
        %gather3A_482 = tpu.vector_load_idx %arg6[%add3A_481, %add3A_413] : memref<512x64xf32, #tpu.memory_space<vmem>>[vector<16xi32>, vector<16xi32>], vector<16xf32>,
        %mul3A_483 = arith.constant 8.000000e+00 : f32
        %mul3A_484 = vector.broadcast %mul3A_483 : f32 to vector<16xf32>
        %mul3A_485 = arith.mulf %gather3A_482, %mul3A_484 : vector<16xf32>
        %add3A_486 = arith.constant 160 : i32
        %add3A_487 = vector.broadcast %add3A_486 : i32 to vector<16xi32>
        %add3A_488 = arith.addi %add3A_487, %iota3A : vector<16xi32>
        %gather3A_489 = tpu.vector_load_idx %arg6[%add3A_488, %add3A_413] : memref<512x64xf32, #tpu.memory_space<vmem>>[vector<16xi32>, vector<16xi32>], vector<16xf32>,
        %mul3A_490 = arith.constant 8.000000e+00 : f32
        %mul3A_491 = vector.broadcast %mul3A_490 : f32 to vector<16xf32>
        %mul3A_492 = arith.mulf %gather3A_489, %mul3A_491 : vector<16xf32>
        %add3A_493 = arith.constant 176 : i32
        %add3A_494 = vector.broadcast %add3A_493 : i32 to vector<16xi32>
        %add3A_495 = arith.addi %add3A_494, %iota3A : vector<16xi32>
        %gather3A_496 = tpu.vector_load_idx %arg6[%add3A_495, %add3A_413] : memref<512x64xf32, #tpu.memory_space<vmem>>[vector<16xi32>, vector<16xi32>], vector<16xf32>,
        %mul3A_497 = arith.constant 8.000000e+00 : f32
        %mul3A_498 = vector.broadcast %mul3A_497 : f32 to vector<16xf32>
        %mul3A_499 = arith.mulf %gather3A_496, %mul3A_498 : vector<16xf32>
        %add3A_500 = arith.constant 192 : i32
        %add3A_501 = vector.broadcast %add3A_500 : i32 to vector<16xi32>
        %add3A_502 = arith.addi %add3A_501, %iota3A : vector<16xi32>
        %gather3A_503 = tpu.vector_load_idx %arg6[%add3A_502, %add3A_413] : memref<512x64xf32, #tpu.memory_space<vmem>>[vector<16xi32>, vector<16xi32>], vector<16xf32>,
        %mul3A_504 = arith.constant 8.000000e+00 : f32
        %mul3A_505 = vector.broadcast %mul3A_504 : f32 to vector<16xf32>
        %mul3A_506 = arith.mulf %gather3A_503, %mul3A_505 : vector<16xf32>
        %add3A_507 = arith.constant 208 : i32
        %add3A_508 = vector.broadcast %add3A_507 : i32 to vector<16xi32>
        %add3A_509 = arith.addi %add3A_508, %iota3A : vector<16xi32>
        %gather3A_510 = tpu.vector_load_idx %arg6[%add3A_509, %add3A_413] : memref<512x64xf32, #tpu.memory_space<vmem>>[vector<16xi32>, vector<16xi32>], vector<16xf32>,
        %mul3A_511 = arith.constant 8.000000e+00 : f32
        %mul3A_512 = vector.broadcast %mul3A_511 : f32 to vector<16xf32>
        %mul3A_513 = arith.mulf %gather3A_510, %mul3A_512 : vector<16xf32>
        %add3A_514 = arith.constant 224 : i32
        %add3A_515 = vector.broadcast %add3A_514 : i32 to vector<16xi32>
        %add3A_516 = arith.addi %add3A_515, %iota3A : vector<16xi32>
        %gather3A_517 = tpu.vector_load_idx %arg6[%add3A_516, %add3A_413] : memref<512x64xf32, #tpu.memory_space<vmem>>[vector<16xi32>, vector<16xi32>], vector<16xf32>,
        %mul3A_518 = arith.constant 8.000000e+00 : f32
        %mul3A_519 = vector.broadcast %mul3A_518 : f32 to vector<16xf32>
        %mul3A_520 = arith.mulf %gather3A_517, %mul3A_519 : vector<16xf32>
        %add3A_521 = arith.constant 240 : i32
        %add3A_522 = vector.broadcast %add3A_521 : i32 to vector<16xi32>
        %add3A_523 = arith.addi %add3A_522, %iota3A : vector<16xi32>
        %gather3A_524 = tpu.vector_load_idx %arg6[%add3A_523, %add3A_413] : memref<512x64xf32, #tpu.memory_space<vmem>>[vector<16xi32>, vector<16xi32>], vector<16xf32>,
        %mul3A_525 = arith.constant 8.000000e+00 : f32
        %mul3A_526 = vector.broadcast %mul3A_525 : f32 to vector<16xf32>
        %mul3A_527 = arith.mulf %gather3A_524, %mul3A_526 : vector<16xf32>
        %broadcast_in_dim3A = arith.constant 0 : i32
        %broadcast_in_dim3A_528 = vector.broadcast %broadcast_in_dim3A : i32 to vector<16xi32>
        %add3A_529 = arith.constant 0 : i32
        %add3A_530 = vector.broadcast %add3A_529 : i32 to vector<16xi32>
        %add3A_531 = arith.addi %add3A_410, %add3A_530 : vector<16xi32>
        tpu.vector_store_idx %arg7[%add3A_416, %broadcast_in_dim3A_528, %add3A_531], %mul3A_422 : memref<8x4x1024xf32, #tpu.memory_space<vmem>>[vector<16xi32>, vector<16xi32>, vector<16xi32>], vector<16xf32>,
        %broadcast_in_dim3A_532 = arith.constant 0 : i32
        %broadcast_in_dim3A_533 = vector.broadcast %broadcast_in_dim3A_532 : i32 to vector<16xi32>
        %add3A_534 = arith.constant 16 : i32
        %add3A_535 = vector.broadcast %add3A_534 : i32 to vector<16xi32>
        %add3A_536 = arith.addi %add3A_410, %add3A_535 : vector<16xi32>
        tpu.vector_store_idx %arg7[%add3A_416, %broadcast_in_dim3A_533, %add3A_536], %mul3A_429 : memref<8x4x1024xf32, #tpu.memory_space<vmem>>[vector<16xi32>, vector<16xi32>, vector<16xi32>], vector<16xf32>,
        %broadcast_in_dim3A_537 = arith.constant 0 : i32
        %broadcast_in_dim3A_538 = vector.broadcast %broadcast_in_dim3A_537 : i32 to vector<16xi32>
        %add3A_539 = arith.constant 32 : i32
        %add3A_540 = vector.broadcast %add3A_539 : i32 to vector<16xi32>
        %add3A_541 = arith.addi %add3A_410, %add3A_540 : vector<16xi32>
        tpu.vector_store_idx %arg7[%add3A_416, %broadcast_in_dim3A_538, %add3A_541], %mul3A_436 : memref<8x4x1024xf32, #tpu.memory_space<vmem>>[vector<16xi32>, vector<16xi32>, vector<16xi32>], vector<16xf32>,
        %broadcast_in_dim3A_542 = arith.constant 0 : i32
        %broadcast_in_dim3A_543 = vector.broadcast %broadcast_in_dim3A_542 : i32 to vector<16xi32>
        %add3A_544 = arith.constant 48 : i32
        %add3A_545 = vector.broadcast %add3A_544 : i32 to vector<16xi32>
        %add3A_546 = arith.addi %add3A_410, %add3A_545 : vector<16xi32>
        tpu.vector_store_idx %arg7[%add3A_416, %broadcast_in_dim3A_543, %add3A_546], %mul3A_443 : memref<8x4x1024xf32, #tpu.memory_space<vmem>>[vector<16xi32>, vector<16xi32>, vector<16xi32>], vector<16xf32>,
        %broadcast_in_dim3A_547 = arith.constant 0 : i32
        %broadcast_in_dim3A_548 = vector.broadcast %broadcast_in_dim3A_547 : i32 to vector<16xi32>
        %add3A_549 = arith.constant 64 : i32
        %add3A_550 = vector.broadcast %add3A_549 : i32 to vector<16xi32>
        %add3A_551 = arith.addi %add3A_410, %add3A_550 : vector<16xi32>
        tpu.vector_store_idx %arg7[%add3A_416, %broadcast_in_dim3A_548, %add3A_551], %mul3A_450 : memref<8x4x1024xf32, #tpu.memory_space<vmem>>[vector<16xi32>, vector<16xi32>, vector<16xi32>], vector<16xf32>,
        %broadcast_in_dim3A_552 = arith.constant 0 : i32
        %broadcast_in_dim3A_553 = vector.broadcast %broadcast_in_dim3A_552 : i32 to vector<16xi32>
        %add3A_554 = arith.constant 80 : i32
        %add3A_555 = vector.broadcast %add3A_554 : i32 to vector<16xi32>
        %add3A_556 = arith.addi %add3A_410, %add3A_555 : vector<16xi32>
        tpu.vector_store_idx %arg7[%add3A_416, %broadcast_in_dim3A_553, %add3A_556], %mul3A_457 : memref<8x4x1024xf32, #tpu.memory_space<vmem>>[vector<16xi32>, vector<16xi32>, vector<16xi32>], vector<16xf32>,
        %broadcast_in_dim3A_557 = arith.constant 0 : i32
        %broadcast_in_dim3A_558 = vector.broadcast %broadcast_in_dim3A_557 : i32 to vector<16xi32>
        %add3A_559 = arith.constant 96 : i32
        %add3A_560 = vector.broadcast %add3A_559 : i32 to vector<16xi32>
        %add3A_561 = arith.addi %add3A_410, %add3A_560 : vector<16xi32>
        tpu.vector_store_idx %arg7[%add3A_416, %broadcast_in_dim3A_558, %add3A_561], %mul3A_464 : memref<8x4x1024xf32, #tpu.memory_space<vmem>>[vector<16xi32>, vector<16xi32>, vector<16xi32>], vector<16xf32>,
        %broadcast_in_dim3A_562 = arith.constant 0 : i32
        %broadcast_in_dim3A_563 = vector.broadcast %broadcast_in_dim3A_562 : i32 to vector<16xi32>
        %add3A_564 = arith.constant 112 : i32
        %add3A_565 = vector.broadcast %add3A_564 : i32 to vector<16xi32>
        %add3A_566 = arith.addi %add3A_410, %add3A_565 : vector<16xi32>
        tpu.vector_store_idx %arg7[%add3A_416, %broadcast_in_dim3A_563, %add3A_566], %mul3A_471 : memref<8x4x1024xf32, #tpu.memory_space<vmem>>[vector<16xi32>, vector<16xi32>, vector<16xi32>], vector<16xf32>,
        %broadcast_in_dim3A_567 = arith.constant 1 : i32
        %broadcast_in_dim3A_568 = vector.broadcast %broadcast_in_dim3A_567 : i32 to vector<16xi32>
        %add3A_569 = arith.constant 0 : i32
        %add3A_570 = vector.broadcast %add3A_569 : i32 to vector<16xi32>
        %add3A_571 = arith.addi %add3A_410, %add3A_570 : vector<16xi32>
        tpu.vector_store_idx %arg7[%add3A_416, %broadcast_in_dim3A_568, %add3A_571], %mul3A_478 : memref<8x4x1024xf32, #tpu.memory_space<vmem>>[vector<16xi32>, vector<16xi32>, vector<16xi32>], vector<16xf32>,
        %broadcast_in_dim3A_572 = arith.constant 1 : i32
        %broadcast_in_dim3A_573 = vector.broadcast %broadcast_in_dim3A_572 : i32 to vector<16xi32>
        %add3A_574 = arith.constant 16 : i32
        %add3A_575 = vector.broadcast %add3A_574 : i32 to vector<16xi32>
        %add3A_576 = arith.addi %add3A_410, %add3A_575 : vector<16xi32>
        tpu.vector_store_idx %arg7[%add3A_416, %broadcast_in_dim3A_573, %add3A_576], %mul3A_485 : memref<8x4x1024xf32, #tpu.memory_space<vmem>>[vector<16xi32>, vector<16xi32>, vector<16xi32>], vector<16xf32>,
        %broadcast_in_dim3A_577 = arith.constant 1 : i32
        %broadcast_in_dim3A_578 = vector.broadcast %broadcast_in_dim3A_577 : i32 to vector<16xi32>
        %add3A_579 = arith.constant 32 : i32
        %add3A_580 = vector.broadcast %add3A_579 : i32 to vector<16xi32>
        %add3A_581 = arith.addi %add3A_410, %add3A_580 : vector<16xi32>
        tpu.vector_store_idx %arg7[%add3A_416, %broadcast_in_dim3A_578, %add3A_581], %mul3A_492 : memref<8x4x1024xf32, #tpu.memory_space<vmem>>[vector<16xi32>, vector<16xi32>, vector<16xi32>], vector<16xf32>,
        %broadcast_in_dim3A_582 = arith.constant 1 : i32
        %broadcast_in_dim3A_583 = vector.broadcast %broadcast_in_dim3A_582 : i32 to vector<16xi32>
        %add3A_584 = arith.constant 48 : i32
        %add3A_585 = vector.broadcast %add3A_584 : i32 to vector<16xi32>
        %add3A_586 = arith.addi %add3A_410, %add3A_585 : vector<16xi32>
        tpu.vector_store_idx %arg7[%add3A_416, %broadcast_in_dim3A_583, %add3A_586], %mul3A_499 : memref<8x4x1024xf32, #tpu.memory_space<vmem>>[vector<16xi32>, vector<16xi32>, vector<16xi32>], vector<16xf32>,
        %broadcast_in_dim3A_587 = arith.constant 1 : i32
        %broadcast_in_dim3A_588 = vector.broadcast %broadcast_in_dim3A_587 : i32 to vector<16xi32>
        %add3A_589 = arith.constant 64 : i32
        %add3A_590 = vector.broadcast %add3A_589 : i32 to vector<16xi32>
        %add3A_591 = arith.addi %add3A_410, %add3A_590 : vector<16xi32>
        tpu.vector_store_idx %arg7[%add3A_416, %broadcast_in_dim3A_588, %add3A_591], %mul3A_506 : memref<8x4x1024xf32, #tpu.memory_space<vmem>>[vector<16xi32>, vector<16xi32>, vector<16xi32>], vector<16xf32>,
        %broadcast_in_dim3A_592 = arith.constant 1 : i32
        %broadcast_in_dim3A_593 = vector.broadcast %broadcast_in_dim3A_592 : i32 to vector<16xi32>
        %add3A_594 = arith.constant 80 : i32
        %add3A_595 = vector.broadcast %add3A_594 : i32 to vector<16xi32>
        %add3A_596 = arith.addi %add3A_410, %add3A_595 : vector<16xi32>
        tpu.vector_store_idx %arg7[%add3A_416, %broadcast_in_dim3A_593, %add3A_596], %mul3A_513 : memref<8x4x1024xf32, #tpu.memory_space<vmem>>[vector<16xi32>, vector<16xi32>, vector<16xi32>], vector<16xf32>,
        %broadcast_in_dim3A_597 = arith.constant 1 : i32
        %broadcast_in_dim3A_598 = vector.broadcast %broadcast_in_dim3A_597 : i32 to vector<16xi32>
        %add3A_599 = arith.constant 96 : i32
        %add3A_600 = vector.broadcast %add3A_599 : i32 to vector<16xi32>
        %add3A_601 = arith.addi %add3A_410, %add3A_600 : vector<16xi32>
        tpu.vector_store_idx %arg7[%add3A_416, %broadcast_in_dim3A_598, %add3A_601], %mul3A_520 : memref<8x4x1024xf32, #tpu.memory_space<vmem>>[vector<16xi32>, vector<16xi32>, vector<16xi32>], vector<16xf32>,
        %broadcast_in_dim3A_602 = arith.constant 1 : i32
        %broadcast_in_dim3A_603 = vector.broadcast %broadcast_in_dim3A_602 : i32 to vector<16xi32>
        %add3A_604 = arith.constant 112 : i32
        %add3A_605 = vector.broadcast %add3A_604 : i32 to vector<16xi32>
        %add3A_606 = arith.addi %add3A_410, %add3A_605 : vector<16xi32>
        tpu.vector_store_idx %arg7[%add3A_416, %broadcast_in_dim3A_603, %add3A_606], %mul3A_527 : memref<8x4x1024xf32, #tpu.memory_space<vmem>>[vector<16xi32>, vector<16xi32>, vector<16xi32>], vector<16xf32>,
        %add3A_607 = arith.constant 16 : i32
        %add3A_608 = vector.broadcast %add3A_607 : i32 to vector<16xi32>
        %add3A_609 = arith.addi %and3A_401, %add3A_608 : vector<16xi32>
        %add3A_610 = arith.constant 2 : i32
        %add3A_611 = vector.broadcast %add3A_610 : i32 to vector<16xi32>
        %add3A_612 = arith.addi %shift_right_arithmetic3A_404, %add3A_611 : vector<16xi32>
        %add3A_613 = arith.constant 0 : i32
        %add3A_614 = vector.broadcast %add3A_613 : i32 to vector<16xi32>
        %add3A_615 = arith.addi %add3A_614, %iota3A : vector<16xi32>
        %gather3A_616 = tpu.vector_load_idx %arg6[%add3A_615, %add3A_609] : memref<512x64xf32, #tpu.memory_space<vmem>>[vector<16xi32>, vector<16xi32>], vector<16xf32>,
        %mul3A_617 = arith.constant 8.000000e+00 : f32
        %mul3A_618 = vector.broadcast %mul3A_617 : f32 to vector<16xf32>
        %mul3A_619 = arith.mulf %gather3A_616, %mul3A_618 : vector<16xf32>
        %add3A_620 = arith.constant 16 : i32
        %add3A_621 = vector.broadcast %add3A_620 : i32 to vector<16xi32>
        %add3A_622 = arith.addi %add3A_621, %iota3A : vector<16xi32>
        %gather3A_623 = tpu.vector_load_idx %arg6[%add3A_622, %add3A_609] : memref<512x64xf32, #tpu.memory_space<vmem>>[vector<16xi32>, vector<16xi32>], vector<16xf32>,
        %mul3A_624 = arith.constant 8.000000e+00 : f32
        %mul3A_625 = vector.broadcast %mul3A_624 : f32 to vector<16xf32>
        %mul3A_626 = arith.mulf %gather3A_623, %mul3A_625 : vector<16xf32>
        %add3A_627 = arith.constant 32 : i32
        %add3A_628 = vector.broadcast %add3A_627 : i32 to vector<16xi32>
        %add3A_629 = arith.addi %add3A_628, %iota3A : vector<16xi32>
        %gather3A_630 = tpu.vector_load_idx %arg6[%add3A_629, %add3A_609] : memref<512x64xf32, #tpu.memory_space<vmem>>[vector<16xi32>, vector<16xi32>], vector<16xf32>,
        %mul3A_631 = arith.constant 8.000000e+00 : f32
        %mul3A_632 = vector.broadcast %mul3A_631 : f32 to vector<16xf32>
        %mul3A_633 = arith.mulf %gather3A_630, %mul3A_632 : vector<16xf32>
        %add3A_634 = arith.constant 48 : i32
        %add3A_635 = vector.broadcast %add3A_634 : i32 to vector<16xi32>
        %add3A_636 = arith.addi %add3A_635, %iota3A : vector<16xi32>
        %gather3A_637 = tpu.vector_load_idx %arg6[%add3A_636, %add3A_609] : memref<512x64xf32, #tpu.memory_space<vmem>>[vector<16xi32>, vector<16xi32>], vector<16xf32>,
        %mul3A_638 = arith.constant 8.000000e+00 : f32
        %mul3A_639 = vector.broadcast %mul3A_638 : f32 to vector<16xf32>
        %mul3A_640 = arith.mulf %gather3A_637, %mul3A_639 : vector<16xf32>
        %add3A_641 = arith.constant 64 : i32
        %add3A_642 = vector.broadcast %add3A_641 : i32 to vector<16xi32>
        %add3A_643 = arith.addi %add3A_642, %iota3A : vector<16xi32>
        %gather3A_644 = tpu.vector_load_idx %arg6[%add3A_643, %add3A_609] : memref<512x64xf32, #tpu.memory_space<vmem>>[vector<16xi32>, vector<16xi32>], vector<16xf32>,
        %mul3A_645 = arith.constant 8.000000e+00 : f32
        %mul3A_646 = vector.broadcast %mul3A_645 : f32 to vector<16xf32>
        %mul3A_647 = arith.mulf %gather3A_644, %mul3A_646 : vector<16xf32>
        %add3A_648 = arith.constant 80 : i32
        %add3A_649 = vector.broadcast %add3A_648 : i32 to vector<16xi32>
        %add3A_650 = arith.addi %add3A_649, %iota3A : vector<16xi32>
        %gather3A_651 = tpu.vector_load_idx %arg6[%add3A_650, %add3A_609] : memref<512x64xf32, #tpu.memory_space<vmem>>[vector<16xi32>, vector<16xi32>], vector<16xf32>,
        %mul3A_652 = arith.constant 8.000000e+00 : f32
        %mul3A_653 = vector.broadcast %mul3A_652 : f32 to vector<16xf32>
        %mul3A_654 = arith.mulf %gather3A_651, %mul3A_653 : vector<16xf32>
        %add3A_655 = arith.constant 96 : i32
        %add3A_656 = vector.broadcast %add3A_655 : i32 to vector<16xi32>
        %add3A_657 = arith.addi %add3A_656, %iota3A : vector<16xi32>
        %gather3A_658 = tpu.vector_load_idx %arg6[%add3A_657, %add3A_609] : memref<512x64xf32, #tpu.memory_space<vmem>>[vector<16xi32>, vector<16xi32>], vector<16xf32>,
        %mul3A_659 = arith.constant 8.000000e+00 : f32
        %mul3A_660 = vector.broadcast %mul3A_659 : f32 to vector<16xf32>
        %mul3A_661 = arith.mulf %gather3A_658, %mul3A_660 : vector<16xf32>
        %add3A_662 = arith.constant 112 : i32
        %add3A_663 = vector.broadcast %add3A_662 : i32 to vector<16xi32>
        %add3A_664 = arith.addi %add3A_663, %iota3A : vector<16xi32>
        %gather3A_665 = tpu.vector_load_idx %arg6[%add3A_664, %add3A_609] : memref<512x64xf32, #tpu.memory_space<vmem>>[vector<16xi32>, vector<16xi32>], vector<16xf32>,
        %mul3A_666 = arith.constant 8.000000e+00 : f32
        %mul3A_667 = vector.broadcast %mul3A_666 : f32 to vector<16xf32>
        %mul3A_668 = arith.mulf %gather3A_665, %mul3A_667 : vector<16xf32>
        %add3A_669 = arith.constant 128 : i32
        %add3A_670 = vector.broadcast %add3A_669 : i32 to vector<16xi32>
        %add3A_671 = arith.addi %add3A_670, %iota3A : vector<16xi32>
        %gather3A_672 = tpu.vector_load_idx %arg6[%add3A_671, %add3A_609] : memref<512x64xf32, #tpu.memory_space<vmem>>[vector<16xi32>, vector<16xi32>], vector<16xf32>,
        %mul3A_673 = arith.constant 8.000000e+00 : f32
        %mul3A_674 = vector.broadcast %mul3A_673 : f32 to vector<16xf32>
        %mul3A_675 = arith.mulf %gather3A_672, %mul3A_674 : vector<16xf32>
        %add3A_676 = arith.constant 144 : i32
        %add3A_677 = vector.broadcast %add3A_676 : i32 to vector<16xi32>
        %add3A_678 = arith.addi %add3A_677, %iota3A : vector<16xi32>
        %gather3A_679 = tpu.vector_load_idx %arg6[%add3A_678, %add3A_609] : memref<512x64xf32, #tpu.memory_space<vmem>>[vector<16xi32>, vector<16xi32>], vector<16xf32>,
        %mul3A_680 = arith.constant 8.000000e+00 : f32
        %mul3A_681 = vector.broadcast %mul3A_680 : f32 to vector<16xf32>
        %mul3A_682 = arith.mulf %gather3A_679, %mul3A_681 : vector<16xf32>
        %add3A_683 = arith.constant 160 : i32
        %add3A_684 = vector.broadcast %add3A_683 : i32 to vector<16xi32>
        %add3A_685 = arith.addi %add3A_684, %iota3A : vector<16xi32>
        %gather3A_686 = tpu.vector_load_idx %arg6[%add3A_685, %add3A_609] : memref<512x64xf32, #tpu.memory_space<vmem>>[vector<16xi32>, vector<16xi32>], vector<16xf32>,
        %mul3A_687 = arith.constant 8.000000e+00 : f32
        %mul3A_688 = vector.broadcast %mul3A_687 : f32 to vector<16xf32>
        %mul3A_689 = arith.mulf %gather3A_686, %mul3A_688 : vector<16xf32>
        %add3A_690 = arith.constant 176 : i32
        %add3A_691 = vector.broadcast %add3A_690 : i32 to vector<16xi32>
        %add3A_692 = arith.addi %add3A_691, %iota3A : vector<16xi32>
        %gather3A_693 = tpu.vector_load_idx %arg6[%add3A_692, %add3A_609] : memref<512x64xf32, #tpu.memory_space<vmem>>[vector<16xi32>, vector<16xi32>], vector<16xf32>,
        %mul3A_694 = arith.constant 8.000000e+00 : f32
        %mul3A_695 = vector.broadcast %mul3A_694 : f32 to vector<16xf32>
        %mul3A_696 = arith.mulf %gather3A_693, %mul3A_695 : vector<16xf32>
        %add3A_697 = arith.constant 192 : i32
        %add3A_698 = vector.broadcast %add3A_697 : i32 to vector<16xi32>
        %add3A_699 = arith.addi %add3A_698, %iota3A : vector<16xi32>
        %gather3A_700 = tpu.vector_load_idx %arg6[%add3A_699, %add3A_609] : memref<512x64xf32, #tpu.memory_space<vmem>>[vector<16xi32>, vector<16xi32>], vector<16xf32>,
        %mul3A_701 = arith.constant 8.000000e+00 : f32
        %mul3A_702 = vector.broadcast %mul3A_701 : f32 to vector<16xf32>
        %mul3A_703 = arith.mulf %gather3A_700, %mul3A_702 : vector<16xf32>
        %add3A_704 = arith.constant 208 : i32
        %add3A_705 = vector.broadcast %add3A_704 : i32 to vector<16xi32>
        %add3A_706 = arith.addi %add3A_705, %iota3A : vector<16xi32>
        %gather3A_707 = tpu.vector_load_idx %arg6[%add3A_706, %add3A_609] : memref<512x64xf32, #tpu.memory_space<vmem>>[vector<16xi32>, vector<16xi32>], vector<16xf32>,
        %mul3A_708 = arith.constant 8.000000e+00 : f32
        %mul3A_709 = vector.broadcast %mul3A_708 : f32 to vector<16xf32>
        %mul3A_710 = arith.mulf %gather3A_707, %mul3A_709 : vector<16xf32>
        %add3A_711 = arith.constant 224 : i32
        %add3A_712 = vector.broadcast %add3A_711 : i32 to vector<16xi32>
        %add3A_713 = arith.addi %add3A_712, %iota3A : vector<16xi32>
        %gather3A_714 = tpu.vector_load_idx %arg6[%add3A_713, %add3A_609] : memref<512x64xf32, #tpu.memory_space<vmem>>[vector<16xi32>, vector<16xi32>], vector<16xf32>,
        %mul3A_715 = arith.constant 8.000000e+00 : f32
        %mul3A_716 = vector.broadcast %mul3A_715 : f32 to vector<16xf32>
        %mul3A_717 = arith.mulf %gather3A_714, %mul3A_716 : vector<16xf32>
        %add3A_718 = arith.constant 240 : i32
        %add3A_719 = vector.broadcast %add3A_718 : i32 to vector<16xi32>
        %add3A_720 = arith.addi %add3A_719, %iota3A : vector<16xi32>
        %gather3A_721 = tpu.vector_load_idx %arg6[%add3A_720, %add3A_609] : memref<512x64xf32, #tpu.memory_space<vmem>>[vector<16xi32>, vector<16xi32>], vector<16xf32>,
        %mul3A_722 = arith.constant 8.000000e+00 : f32
        %mul3A_723 = vector.broadcast %mul3A_722 : f32 to vector<16xf32>
        %mul3A_724 = arith.mulf %gather3A_721, %mul3A_723 : vector<16xf32>
        %broadcast_in_dim3A_725 = arith.constant 0 : i32
        %broadcast_in_dim3A_726 = vector.broadcast %broadcast_in_dim3A_725 : i32 to vector<16xi32>
        %add3A_727 = arith.constant 0 : i32
        %add3A_728 = vector.broadcast %add3A_727 : i32 to vector<16xi32>
        %add3A_729 = arith.addi %add3A_410, %add3A_728 : vector<16xi32>
        tpu.vector_store_idx %arg7[%add3A_612, %broadcast_in_dim3A_726, %add3A_729], %mul3A_619 : memref<8x4x1024xf32, #tpu.memory_space<vmem>>[vector<16xi32>, vector<16xi32>, vector<16xi32>], vector<16xf32>,
        %broadcast_in_dim3A_730 = arith.constant 0 : i32
        %broadcast_in_dim3A_731 = vector.broadcast %broadcast_in_dim3A_730 : i32 to vector<16xi32>
        %add3A_732 = arith.constant 16 : i32
        %add3A_733 = vector.broadcast %add3A_732 : i32 to vector<16xi32>
        %add3A_734 = arith.addi %add3A_410, %add3A_733 : vector<16xi32>
        tpu.vector_store_idx %arg7[%add3A_612, %broadcast_in_dim3A_731, %add3A_734], %mul3A_626 : memref<8x4x1024xf32, #tpu.memory_space<vmem>>[vector<16xi32>, vector<16xi32>, vector<16xi32>], vector<16xf32>,
        %broadcast_in_dim3A_735 = arith.constant 0 : i32
        %broadcast_in_dim3A_736 = vector.broadcast %broadcast_in_dim3A_735 : i32 to vector<16xi32>
        %add3A_737 = arith.constant 32 : i32
        %add3A_738 = vector.broadcast %add3A_737 : i32 to vector<16xi32>
        %add3A_739 = arith.addi %add3A_410, %add3A_738 : vector<16xi32>
        tpu.vector_store_idx %arg7[%add3A_612, %broadcast_in_dim3A_736, %add3A_739], %mul3A_633 : memref<8x4x1024xf32, #tpu.memory_space<vmem>>[vector<16xi32>, vector<16xi32>, vector<16xi32>], vector<16xf32>,
        %broadcast_in_dim3A_740 = arith.constant 0 : i32
        %broadcast_in_dim3A_741 = vector.broadcast %broadcast_in_dim3A_740 : i32 to vector<16xi32>
        %add3A_742 = arith.constant 48 : i32
        %add3A_743 = vector.broadcast %add3A_742 : i32 to vector<16xi32>
        %add3A_744 = arith.addi %add3A_410, %add3A_743 : vector<16xi32>
        tpu.vector_store_idx %arg7[%add3A_612, %broadcast_in_dim3A_741, %add3A_744], %mul3A_640 : memref<8x4x1024xf32, #tpu.memory_space<vmem>>[vector<16xi32>, vector<16xi32>, vector<16xi32>], vector<16xf32>,
        %broadcast_in_dim3A_745 = arith.constant 0 : i32
        %broadcast_in_dim3A_746 = vector.broadcast %broadcast_in_dim3A_745 : i32 to vector<16xi32>
        %add3A_747 = arith.constant 64 : i32
        %add3A_748 = vector.broadcast %add3A_747 : i32 to vector<16xi32>
        %add3A_749 = arith.addi %add3A_410, %add3A_748 : vector<16xi32>
        tpu.vector_store_idx %arg7[%add3A_612, %broadcast_in_dim3A_746, %add3A_749], %mul3A_647 : memref<8x4x1024xf32, #tpu.memory_space<vmem>>[vector<16xi32>, vector<16xi32>, vector<16xi32>], vector<16xf32>,
        %broadcast_in_dim3A_750 = arith.constant 0 : i32
        %broadcast_in_dim3A_751 = vector.broadcast %broadcast_in_dim3A_750 : i32 to vector<16xi32>
        %add3A_752 = arith.constant 80 : i32
        %add3A_753 = vector.broadcast %add3A_752 : i32 to vector<16xi32>
        %add3A_754 = arith.addi %add3A_410, %add3A_753 : vector<16xi32>
        tpu.vector_store_idx %arg7[%add3A_612, %broadcast_in_dim3A_751, %add3A_754], %mul3A_654 : memref<8x4x1024xf32, #tpu.memory_space<vmem>>[vector<16xi32>, vector<16xi32>, vector<16xi32>], vector<16xf32>,
        %broadcast_in_dim3A_755 = arith.constant 0 : i32
        %broadcast_in_dim3A_756 = vector.broadcast %broadcast_in_dim3A_755 : i32 to vector<16xi32>
        %add3A_757 = arith.constant 96 : i32
        %add3A_758 = vector.broadcast %add3A_757 : i32 to vector<16xi32>
        %add3A_759 = arith.addi %add3A_410, %add3A_758 : vector<16xi32>
        tpu.vector_store_idx %arg7[%add3A_612, %broadcast_in_dim3A_756, %add3A_759], %mul3A_661 : memref<8x4x1024xf32, #tpu.memory_space<vmem>>[vector<16xi32>, vector<16xi32>, vector<16xi32>], vector<16xf32>,
        %broadcast_in_dim3A_760 = arith.constant 0 : i32
        %broadcast_in_dim3A_761 = vector.broadcast %broadcast_in_dim3A_760 : i32 to vector<16xi32>
        %add3A_762 = arith.constant 112 : i32
        %add3A_763 = vector.broadcast %add3A_762 : i32 to vector<16xi32>
        %add3A_764 = arith.addi %add3A_410, %add3A_763 : vector<16xi32>
        tpu.vector_store_idx %arg7[%add3A_612, %broadcast_in_dim3A_761, %add3A_764], %mul3A_668 : memref<8x4x1024xf32, #tpu.memory_space<vmem>>[vector<16xi32>, vector<16xi32>, vector<16xi32>], vector<16xf32>,
        %broadcast_in_dim3A_765 = arith.constant 1 : i32
        %broadcast_in_dim3A_766 = vector.broadcast %broadcast_in_dim3A_765 : i32 to vector<16xi32>
        %add3A_767 = arith.constant 0 : i32
        %add3A_768 = vector.broadcast %add3A_767 : i32 to vector<16xi32>
        %add3A_769 = arith.addi %add3A_410, %add3A_768 : vector<16xi32>
        tpu.vector_store_idx %arg7[%add3A_612, %broadcast_in_dim3A_766, %add3A_769], %mul3A_675 : memref<8x4x1024xf32, #tpu.memory_space<vmem>>[vector<16xi32>, vector<16xi32>, vector<16xi32>], vector<16xf32>,
        %broadcast_in_dim3A_770 = arith.constant 1 : i32
        %broadcast_in_dim3A_771 = vector.broadcast %broadcast_in_dim3A_770 : i32 to vector<16xi32>
        %add3A_772 = arith.constant 16 : i32
        %add3A_773 = vector.broadcast %add3A_772 : i32 to vector<16xi32>
        %add3A_774 = arith.addi %add3A_410, %add3A_773 : vector<16xi32>
        tpu.vector_store_idx %arg7[%add3A_612, %broadcast_in_dim3A_771, %add3A_774], %mul3A_682 : memref<8x4x1024xf32, #tpu.memory_space<vmem>>[vector<16xi32>, vector<16xi32>, vector<16xi32>], vector<16xf32>,
        %broadcast_in_dim3A_775 = arith.constant 1 : i32
        %broadcast_in_dim3A_776 = vector.broadcast %broadcast_in_dim3A_775 : i32 to vector<16xi32>
        %add3A_777 = arith.constant 32 : i32
        %add3A_778 = vector.broadcast %add3A_777 : i32 to vector<16xi32>
        %add3A_779 = arith.addi %add3A_410, %add3A_778 : vector<16xi32>
        tpu.vector_store_idx %arg7[%add3A_612, %broadcast_in_dim3A_776, %add3A_779], %mul3A_689 : memref<8x4x1024xf32, #tpu.memory_space<vmem>>[vector<16xi32>, vector<16xi32>, vector<16xi32>], vector<16xf32>,
        %broadcast_in_dim3A_780 = arith.constant 1 : i32
        %broadcast_in_dim3A_781 = vector.broadcast %broadcast_in_dim3A_780 : i32 to vector<16xi32>
        %add3A_782 = arith.constant 48 : i32
        %add3A_783 = vector.broadcast %add3A_782 : i32 to vector<16xi32>
        %add3A_784 = arith.addi %add3A_410, %add3A_783 : vector<16xi32>
        tpu.vector_store_idx %arg7[%add3A_612, %broadcast_in_dim3A_781, %add3A_784], %mul3A_696 : memref<8x4x1024xf32, #tpu.memory_space<vmem>>[vector<16xi32>, vector<16xi32>, vector<16xi32>], vector<16xf32>,
        %broadcast_in_dim3A_785 = arith.constant 1 : i32
        %broadcast_in_dim3A_786 = vector.broadcast %broadcast_in_dim3A_785 : i32 to vector<16xi32>
        %add3A_787 = arith.constant 64 : i32
        %add3A_788 = vector.broadcast %add3A_787 : i32 to vector<16xi32>
        %add3A_789 = arith.addi %add3A_410, %add3A_788 : vector<16xi32>
        tpu.vector_store_idx %arg7[%add3A_612, %broadcast_in_dim3A_786, %add3A_789], %mul3A_703 : memref<8x4x1024xf32, #tpu.memory_space<vmem>>[vector<16xi32>, vector<16xi32>, vector<16xi32>], vector<16xf32>,
        %broadcast_in_dim3A_790 = arith.constant 1 : i32
        %broadcast_in_dim3A_791 = vector.broadcast %broadcast_in_dim3A_790 : i32 to vector<16xi32>
        %add3A_792 = arith.constant 80 : i32
        %add3A_793 = vector.broadcast %add3A_792 : i32 to vector<16xi32>
        %add3A_794 = arith.addi %add3A_410, %add3A_793 : vector<16xi32>
        tpu.vector_store_idx %arg7[%add3A_612, %broadcast_in_dim3A_791, %add3A_794], %mul3A_710 : memref<8x4x1024xf32, #tpu.memory_space<vmem>>[vector<16xi32>, vector<16xi32>, vector<16xi32>], vector<16xf32>,
        %broadcast_in_dim3A_795 = arith.constant 1 : i32
        %broadcast_in_dim3A_796 = vector.broadcast %broadcast_in_dim3A_795 : i32 to vector<16xi32>
        %add3A_797 = arith.constant 96 : i32
        %add3A_798 = vector.broadcast %add3A_797 : i32 to vector<16xi32>
        %add3A_799 = arith.addi %add3A_410, %add3A_798 : vector<16xi32>
        tpu.vector_store_idx %arg7[%add3A_612, %broadcast_in_dim3A_796, %add3A_799], %mul3A_717 : memref<8x4x1024xf32, #tpu.memory_space<vmem>>[vector<16xi32>, vector<16xi32>, vector<16xi32>], vector<16xf32>,
        %broadcast_in_dim3A_800 = arith.constant 1 : i32
        %broadcast_in_dim3A_801 = vector.broadcast %broadcast_in_dim3A_800 : i32 to vector<16xi32>
        %add3A_802 = arith.constant 112 : i32
        %add3A_803 = vector.broadcast %add3A_802 : i32 to vector<16xi32>
        %add3A_804 = arith.addi %add3A_410, %add3A_803 : vector<16xi32>
        tpu.vector_store_idx %arg7[%add3A_612, %broadcast_in_dim3A_801, %add3A_804], %mul3A_724 : memref<8x4x1024xf32, #tpu.memory_space<vmem>>[vector<16xi32>, vector<16xi32>, vector<16xi32>], vector<16xf32>,
        %add3A_805 = arith.constant 32 : i32
        %add3A_806 = vector.broadcast %add3A_805 : i32 to vector<16xi32>
        %add3A_807 = arith.addi %and3A_401, %add3A_806 : vector<16xi32>
        %add3A_808 = arith.constant 4 : i32
        %add3A_809 = vector.broadcast %add3A_808 : i32 to vector<16xi32>
        %add3A_810 = arith.addi %shift_right_arithmetic3A_404, %add3A_809 : vector<16xi32>
        %add3A_811 = arith.constant 0 : i32
        %add3A_812 = vector.broadcast %add3A_811 : i32 to vector<16xi32>
        %add3A_813 = arith.addi %add3A_812, %iota3A : vector<16xi32>
        %gather3A_814 = tpu.vector_load_idx %arg6[%add3A_813, %add3A_807] : memref<512x64xf32, #tpu.memory_space<vmem>>[vector<16xi32>, vector<16xi32>], vector<16xf32>,
        %mul3A_815 = arith.constant 8.000000e+00 : f32
        %mul3A_816 = vector.broadcast %mul3A_815 : f32 to vector<16xf32>
        %mul3A_817 = arith.mulf %gather3A_814, %mul3A_816 : vector<16xf32>
        %add3A_818 = arith.constant 16 : i32
        %add3A_819 = vector.broadcast %add3A_818 : i32 to vector<16xi32>
        %add3A_820 = arith.addi %add3A_819, %iota3A : vector<16xi32>
        %gather3A_821 = tpu.vector_load_idx %arg6[%add3A_820, %add3A_807] : memref<512x64xf32, #tpu.memory_space<vmem>>[vector<16xi32>, vector<16xi32>], vector<16xf32>,
        %mul3A_822 = arith.constant 8.000000e+00 : f32
        %mul3A_823 = vector.broadcast %mul3A_822 : f32 to vector<16xf32>
        %mul3A_824 = arith.mulf %gather3A_821, %mul3A_823 : vector<16xf32>
        %add3A_825 = arith.constant 32 : i32
        %add3A_826 = vector.broadcast %add3A_825 : i32 to vector<16xi32>
        %add3A_827 = arith.addi %add3A_826, %iota3A : vector<16xi32>
        %gather3A_828 = tpu.vector_load_idx %arg6[%add3A_827, %add3A_807] : memref<512x64xf32, #tpu.memory_space<vmem>>[vector<16xi32>, vector<16xi32>], vector<16xf32>,
        %mul3A_829 = arith.constant 8.000000e+00 : f32
        %mul3A_830 = vector.broadcast %mul3A_829 : f32 to vector<16xf32>
        %mul3A_831 = arith.mulf %gather3A_828, %mul3A_830 : vector<16xf32>
        %add3A_832 = arith.constant 48 : i32
        %add3A_833 = vector.broadcast %add3A_832 : i32 to vector<16xi32>
        %add3A_834 = arith.addi %add3A_833, %iota3A : vector<16xi32>
        %gather3A_835 = tpu.vector_load_idx %arg6[%add3A_834, %add3A_807] : memref<512x64xf32, #tpu.memory_space<vmem>>[vector<16xi32>, vector<16xi32>], vector<16xf32>,
        %mul3A_836 = arith.constant 8.000000e+00 : f32
        %mul3A_837 = vector.broadcast %mul3A_836 : f32 to vector<16xf32>
        %mul3A_838 = arith.mulf %gather3A_835, %mul3A_837 : vector<16xf32>
        %add3A_839 = arith.constant 64 : i32
        %add3A_840 = vector.broadcast %add3A_839 : i32 to vector<16xi32>
        %add3A_841 = arith.addi %add3A_840, %iota3A : vector<16xi32>
        %gather3A_842 = tpu.vector_load_idx %arg6[%add3A_841, %add3A_807] : memref<512x64xf32, #tpu.memory_space<vmem>>[vector<16xi32>, vector<16xi32>], vector<16xf32>,
        %mul3A_843 = arith.constant 8.000000e+00 : f32
        %mul3A_844 = vector.broadcast %mul3A_843 : f32 to vector<16xf32>
        %mul3A_845 = arith.mulf %gather3A_842, %mul3A_844 : vector<16xf32>
        %add3A_846 = arith.constant 80 : i32
        %add3A_847 = vector.broadcast %add3A_846 : i32 to vector<16xi32>
        %add3A_848 = arith.addi %add3A_847, %iota3A : vector<16xi32>
        %gather3A_849 = tpu.vector_load_idx %arg6[%add3A_848, %add3A_807] : memref<512x64xf32, #tpu.memory_space<vmem>>[vector<16xi32>, vector<16xi32>], vector<16xf32>,
        %mul3A_850 = arith.constant 8.000000e+00 : f32
        %mul3A_851 = vector.broadcast %mul3A_850 : f32 to vector<16xf32>
        %mul3A_852 = arith.mulf %gather3A_849, %mul3A_851 : vector<16xf32>
        %add3A_853 = arith.constant 96 : i32
        %add3A_854 = vector.broadcast %add3A_853 : i32 to vector<16xi32>
        %add3A_855 = arith.addi %add3A_854, %iota3A : vector<16xi32>
        %gather3A_856 = tpu.vector_load_idx %arg6[%add3A_855, %add3A_807] : memref<512x64xf32, #tpu.memory_space<vmem>>[vector<16xi32>, vector<16xi32>], vector<16xf32>,
        %mul3A_857 = arith.constant 8.000000e+00 : f32
        %mul3A_858 = vector.broadcast %mul3A_857 : f32 to vector<16xf32>
        %mul3A_859 = arith.mulf %gather3A_856, %mul3A_858 : vector<16xf32>
        %add3A_860 = arith.constant 112 : i32
        %add3A_861 = vector.broadcast %add3A_860 : i32 to vector<16xi32>
        %add3A_862 = arith.addi %add3A_861, %iota3A : vector<16xi32>
        %gather3A_863 = tpu.vector_load_idx %arg6[%add3A_862, %add3A_807] : memref<512x64xf32, #tpu.memory_space<vmem>>[vector<16xi32>, vector<16xi32>], vector<16xf32>,
        %mul3A_864 = arith.constant 8.000000e+00 : f32
        %mul3A_865 = vector.broadcast %mul3A_864 : f32 to vector<16xf32>
        %mul3A_866 = arith.mulf %gather3A_863, %mul3A_865 : vector<16xf32>
        %add3A_867 = arith.constant 128 : i32
        %add3A_868 = vector.broadcast %add3A_867 : i32 to vector<16xi32>
        %add3A_869 = arith.addi %add3A_868, %iota3A : vector<16xi32>
        %gather3A_870 = tpu.vector_load_idx %arg6[%add3A_869, %add3A_807] : memref<512x64xf32, #tpu.memory_space<vmem>>[vector<16xi32>, vector<16xi32>], vector<16xf32>,
        %mul3A_871 = arith.constant 8.000000e+00 : f32
        %mul3A_872 = vector.broadcast %mul3A_871 : f32 to vector<16xf32>
        %mul3A_873 = arith.mulf %gather3A_870, %mul3A_872 : vector<16xf32>
        %add3A_874 = arith.constant 144 : i32
        %add3A_875 = vector.broadcast %add3A_874 : i32 to vector<16xi32>
        %add3A_876 = arith.addi %add3A_875, %iota3A : vector<16xi32>
        %gather3A_877 = tpu.vector_load_idx %arg6[%add3A_876, %add3A_807] : memref<512x64xf32, #tpu.memory_space<vmem>>[vector<16xi32>, vector<16xi32>], vector<16xf32>,
        %mul3A_878 = arith.constant 8.000000e+00 : f32
        %mul3A_879 = vector.broadcast %mul3A_878 : f32 to vector<16xf32>
        %mul3A_880 = arith.mulf %gather3A_877, %mul3A_879 : vector<16xf32>
        %add3A_881 = arith.constant 160 : i32
        %add3A_882 = vector.broadcast %add3A_881 : i32 to vector<16xi32>
        %add3A_883 = arith.addi %add3A_882, %iota3A : vector<16xi32>
        %gather3A_884 = tpu.vector_load_idx %arg6[%add3A_883, %add3A_807] : memref<512x64xf32, #tpu.memory_space<vmem>>[vector<16xi32>, vector<16xi32>], vector<16xf32>,
        %mul3A_885 = arith.constant 8.000000e+00 : f32
        %mul3A_886 = vector.broadcast %mul3A_885 : f32 to vector<16xf32>
        %mul3A_887 = arith.mulf %gather3A_884, %mul3A_886 : vector<16xf32>
        %add3A_888 = arith.constant 176 : i32
        %add3A_889 = vector.broadcast %add3A_888 : i32 to vector<16xi32>
        %add3A_890 = arith.addi %add3A_889, %iota3A : vector<16xi32>
        %gather3A_891 = tpu.vector_load_idx %arg6[%add3A_890, %add3A_807] : memref<512x64xf32, #tpu.memory_space<vmem>>[vector<16xi32>, vector<16xi32>], vector<16xf32>,
        %mul3A_892 = arith.constant 8.000000e+00 : f32
        %mul3A_893 = vector.broadcast %mul3A_892 : f32 to vector<16xf32>
        %mul3A_894 = arith.mulf %gather3A_891, %mul3A_893 : vector<16xf32>
        %add3A_895 = arith.constant 192 : i32
        %add3A_896 = vector.broadcast %add3A_895 : i32 to vector<16xi32>
        %add3A_897 = arith.addi %add3A_896, %iota3A : vector<16xi32>
        %gather3A_898 = tpu.vector_load_idx %arg6[%add3A_897, %add3A_807] : memref<512x64xf32, #tpu.memory_space<vmem>>[vector<16xi32>, vector<16xi32>], vector<16xf32>,
        %mul3A_899 = arith.constant 8.000000e+00 : f32
        %mul3A_900 = vector.broadcast %mul3A_899 : f32 to vector<16xf32>
        %mul3A_901 = arith.mulf %gather3A_898, %mul3A_900 : vector<16xf32>
        %add3A_902 = arith.constant 208 : i32
        %add3A_903 = vector.broadcast %add3A_902 : i32 to vector<16xi32>
        %add3A_904 = arith.addi %add3A_903, %iota3A : vector<16xi32>
        %gather3A_905 = tpu.vector_load_idx %arg6[%add3A_904, %add3A_807] : memref<512x64xf32, #tpu.memory_space<vmem>>[vector<16xi32>, vector<16xi32>], vector<16xf32>,
        %mul3A_906 = arith.constant 8.000000e+00 : f32
        %mul3A_907 = vector.broadcast %mul3A_906 : f32 to vector<16xf32>
        %mul3A_908 = arith.mulf %gather3A_905, %mul3A_907 : vector<16xf32>
        %add3A_909 = arith.constant 224 : i32
        %add3A_910 = vector.broadcast %add3A_909 : i32 to vector<16xi32>
        %add3A_911 = arith.addi %add3A_910, %iota3A : vector<16xi32>
        %gather3A_912 = tpu.vector_load_idx %arg6[%add3A_911, %add3A_807] : memref<512x64xf32, #tpu.memory_space<vmem>>[vector<16xi32>, vector<16xi32>], vector<16xf32>,
        %mul3A_913 = arith.constant 8.000000e+00 : f32
        %mul3A_914 = vector.broadcast %mul3A_913 : f32 to vector<16xf32>
        %mul3A_915 = arith.mulf %gather3A_912, %mul3A_914 : vector<16xf32>
        %add3A_916 = arith.constant 240 : i32
        %add3A_917 = vector.broadcast %add3A_916 : i32 to vector<16xi32>
        %add3A_918 = arith.addi %add3A_917, %iota3A : vector<16xi32>
        %gather3A_919 = tpu.vector_load_idx %arg6[%add3A_918, %add3A_807] : memref<512x64xf32, #tpu.memory_space<vmem>>[vector<16xi32>, vector<16xi32>], vector<16xf32>,
        %mul3A_920 = arith.constant 8.000000e+00 : f32
        %mul3A_921 = vector.broadcast %mul3A_920 : f32 to vector<16xf32>
        %mul3A_922 = arith.mulf %gather3A_919, %mul3A_921 : vector<16xf32>
        %broadcast_in_dim3A_923 = arith.constant 0 : i32
        %broadcast_in_dim3A_924 = vector.broadcast %broadcast_in_dim3A_923 : i32 to vector<16xi32>
        %add3A_925 = arith.constant 0 : i32
        %add3A_926 = vector.broadcast %add3A_925 : i32 to vector<16xi32>
        %add3A_927 = arith.addi %add3A_410, %add3A_926 : vector<16xi32>
        tpu.vector_store_idx %arg7[%add3A_810, %broadcast_in_dim3A_924, %add3A_927], %mul3A_817 : memref<8x4x1024xf32, #tpu.memory_space<vmem>>[vector<16xi32>, vector<16xi32>, vector<16xi32>], vector<16xf32>,
        %broadcast_in_dim3A_928 = arith.constant 0 : i32
        %broadcast_in_dim3A_929 = vector.broadcast %broadcast_in_dim3A_928 : i32 to vector<16xi32>
        %add3A_930 = arith.constant 16 : i32
        %add3A_931 = vector.broadcast %add3A_930 : i32 to vector<16xi32>
        %add3A_932 = arith.addi %add3A_410, %add3A_931 : vector<16xi32>
        tpu.vector_store_idx %arg7[%add3A_810, %broadcast_in_dim3A_929, %add3A_932], %mul3A_824 : memref<8x4x1024xf32, #tpu.memory_space<vmem>>[vector<16xi32>, vector<16xi32>, vector<16xi32>], vector<16xf32>,
        %broadcast_in_dim3A_933 = arith.constant 0 : i32
        %broadcast_in_dim3A_934 = vector.broadcast %broadcast_in_dim3A_933 : i32 to vector<16xi32>
        %add3A_935 = arith.constant 32 : i32
        %add3A_936 = vector.broadcast %add3A_935 : i32 to vector<16xi32>
        %add3A_937 = arith.addi %add3A_410, %add3A_936 : vector<16xi32>
        tpu.vector_store_idx %arg7[%add3A_810, %broadcast_in_dim3A_934, %add3A_937], %mul3A_831 : memref<8x4x1024xf32, #tpu.memory_space<vmem>>[vector<16xi32>, vector<16xi32>, vector<16xi32>], vector<16xf32>,
        %broadcast_in_dim3A_938 = arith.constant 0 : i32
        %broadcast_in_dim3A_939 = vector.broadcast %broadcast_in_dim3A_938 : i32 to vector<16xi32>
        %add3A_940 = arith.constant 48 : i32
        %add3A_941 = vector.broadcast %add3A_940 : i32 to vector<16xi32>
        %add3A_942 = arith.addi %add3A_410, %add3A_941 : vector<16xi32>
        tpu.vector_store_idx %arg7[%add3A_810, %broadcast_in_dim3A_939, %add3A_942], %mul3A_838 : memref<8x4x1024xf32, #tpu.memory_space<vmem>>[vector<16xi32>, vector<16xi32>, vector<16xi32>], vector<16xf32>,
        %broadcast_in_dim3A_943 = arith.constant 0 : i32
        %broadcast_in_dim3A_944 = vector.broadcast %broadcast_in_dim3A_943 : i32 to vector<16xi32>
        %add3A_945 = arith.constant 64 : i32
        %add3A_946 = vector.broadcast %add3A_945 : i32 to vector<16xi32>
        %add3A_947 = arith.addi %add3A_410, %add3A_946 : vector<16xi32>
        tpu.vector_store_idx %arg7[%add3A_810, %broadcast_in_dim3A_944, %add3A_947], %mul3A_845 : memref<8x4x1024xf32, #tpu.memory_space<vmem>>[vector<16xi32>, vector<16xi32>, vector<16xi32>], vector<16xf32>,
        %broadcast_in_dim3A_948 = arith.constant 0 : i32
        %broadcast_in_dim3A_949 = vector.broadcast %broadcast_in_dim3A_948 : i32 to vector<16xi32>
        %add3A_950 = arith.constant 80 : i32
        %add3A_951 = vector.broadcast %add3A_950 : i32 to vector<16xi32>
        %add3A_952 = arith.addi %add3A_410, %add3A_951 : vector<16xi32>
        tpu.vector_store_idx %arg7[%add3A_810, %broadcast_in_dim3A_949, %add3A_952], %mul3A_852 : memref<8x4x1024xf32, #tpu.memory_space<vmem>>[vector<16xi32>, vector<16xi32>, vector<16xi32>], vector<16xf32>,
        %broadcast_in_dim3A_953 = arith.constant 0 : i32
        %broadcast_in_dim3A_954 = vector.broadcast %broadcast_in_dim3A_953 : i32 to vector<16xi32>
        %add3A_955 = arith.constant 96 : i32
        %add3A_956 = vector.broadcast %add3A_955 : i32 to vector<16xi32>
        %add3A_957 = arith.addi %add3A_410, %add3A_956 : vector<16xi32>
        tpu.vector_store_idx %arg7[%add3A_810, %broadcast_in_dim3A_954, %add3A_957], %mul3A_859 : memref<8x4x1024xf32, #tpu.memory_space<vmem>>[vector<16xi32>, vector<16xi32>, vector<16xi32>], vector<16xf32>,
        %broadcast_in_dim3A_958 = arith.constant 0 : i32
        %broadcast_in_dim3A_959 = vector.broadcast %broadcast_in_dim3A_958 : i32 to vector<16xi32>
        %add3A_960 = arith.constant 112 : i32
        %add3A_961 = vector.broadcast %add3A_960 : i32 to vector<16xi32>
        %add3A_962 = arith.addi %add3A_410, %add3A_961 : vector<16xi32>
        tpu.vector_store_idx %arg7[%add3A_810, %broadcast_in_dim3A_959, %add3A_962], %mul3A_866 : memref<8x4x1024xf32, #tpu.memory_space<vmem>>[vector<16xi32>, vector<16xi32>, vector<16xi32>], vector<16xf32>,
        %broadcast_in_dim3A_963 = arith.constant 1 : i32
        %broadcast_in_dim3A_964 = vector.broadcast %broadcast_in_dim3A_963 : i32 to vector<16xi32>
        %add3A_965 = arith.constant 0 : i32
        %add3A_966 = vector.broadcast %add3A_965 : i32 to vector<16xi32>
        %add3A_967 = arith.addi %add3A_410, %add3A_966 : vector<16xi32>
        tpu.vector_store_idx %arg7[%add3A_810, %broadcast_in_dim3A_964, %add3A_967], %mul3A_873 : memref<8x4x1024xf32, #tpu.memory_space<vmem>>[vector<16xi32>, vector<16xi32>, vector<16xi32>], vector<16xf32>,
        %broadcast_in_dim3A_968 = arith.constant 1 : i32
        %broadcast_in_dim3A_969 = vector.broadcast %broadcast_in_dim3A_968 : i32 to vector<16xi32>
        %add3A_970 = arith.constant 16 : i32
        %add3A_971 = vector.broadcast %add3A_970 : i32 to vector<16xi32>
        %add3A_972 = arith.addi %add3A_410, %add3A_971 : vector<16xi32>
        tpu.vector_store_idx %arg7[%add3A_810, %broadcast_in_dim3A_969, %add3A_972], %mul3A_880 : memref<8x4x1024xf32, #tpu.memory_space<vmem>>[vector<16xi32>, vector<16xi32>, vector<16xi32>], vector<16xf32>,
        %broadcast_in_dim3A_973 = arith.constant 1 : i32
        %broadcast_in_dim3A_974 = vector.broadcast %broadcast_in_dim3A_973 : i32 to vector<16xi32>
        %add3A_975 = arith.constant 32 : i32
        %add3A_976 = vector.broadcast %add3A_975 : i32 to vector<16xi32>
        %add3A_977 = arith.addi %add3A_410, %add3A_976 : vector<16xi32>
        tpu.vector_store_idx %arg7[%add3A_810, %broadcast_in_dim3A_974, %add3A_977], %mul3A_887 : memref<8x4x1024xf32, #tpu.memory_space<vmem>>[vector<16xi32>, vector<16xi32>, vector<16xi32>], vector<16xf32>,
        %broadcast_in_dim3A_978 = arith.constant 1 : i32
        %broadcast_in_dim3A_979 = vector.broadcast %broadcast_in_dim3A_978 : i32 to vector<16xi32>
        %add3A_980 = arith.constant 48 : i32
        %add3A_981 = vector.broadcast %add3A_980 : i32 to vector<16xi32>
        %add3A_982 = arith.addi %add3A_410, %add3A_981 : vector<16xi32>
        tpu.vector_store_idx %arg7[%add3A_810, %broadcast_in_dim3A_979, %add3A_982], %mul3A_894 : memref<8x4x1024xf32, #tpu.memory_space<vmem>>[vector<16xi32>, vector<16xi32>, vector<16xi32>], vector<16xf32>,
        %broadcast_in_dim3A_983 = arith.constant 1 : i32
        %broadcast_in_dim3A_984 = vector.broadcast %broadcast_in_dim3A_983 : i32 to vector<16xi32>
        %add3A_985 = arith.constant 64 : i32
        %add3A_986 = vector.broadcast %add3A_985 : i32 to vector<16xi32>
        %add3A_987 = arith.addi %add3A_410, %add3A_986 : vector<16xi32>
        tpu.vector_store_idx %arg7[%add3A_810, %broadcast_in_dim3A_984, %add3A_987], %mul3A_901 : memref<8x4x1024xf32, #tpu.memory_space<vmem>>[vector<16xi32>, vector<16xi32>, vector<16xi32>], vector<16xf32>,
        %broadcast_in_dim3A_988 = arith.constant 1 : i32
        %broadcast_in_dim3A_989 = vector.broadcast %broadcast_in_dim3A_988 : i32 to vector<16xi32>
        %add3A_990 = arith.constant 80 : i32
        %add3A_991 = vector.broadcast %add3A_990 : i32 to vector<16xi32>
        %add3A_992 = arith.addi %add3A_410, %add3A_991 : vector<16xi32>
        tpu.vector_store_idx %arg7[%add3A_810, %broadcast_in_dim3A_989, %add3A_992], %mul3A_908 : memref<8x4x1024xf32, #tpu.memory_space<vmem>>[vector<16xi32>, vector<16xi32>, vector<16xi32>], vector<16xf32>,
        %broadcast_in_dim3A_993 = arith.constant 1 : i32
        %broadcast_in_dim3A_994 = vector.broadcast %broadcast_in_dim3A_993 : i32 to vector<16xi32>
        %add3A_995 = arith.constant 96 : i32
        %add3A_996 = vector.broadcast %add3A_995 : i32 to vector<16xi32>
        %add3A_997 = arith.addi %add3A_410, %add3A_996 : vector<16xi32>
        tpu.vector_store_idx %arg7[%add3A_810, %broadcast_in_dim3A_994, %add3A_997], %mul3A_915 : memref<8x4x1024xf32, #tpu.memory_space<vmem>>[vector<16xi32>, vector<16xi32>, vector<16xi32>], vector<16xf32>,
        %broadcast_in_dim3A_998 = arith.constant 1 : i32
        %broadcast_in_dim3A_999 = vector.broadcast %broadcast_in_dim3A_998 : i32 to vector<16xi32>
        %add3A_1000 = arith.constant 112 : i32
        %add3A_1001 = vector.broadcast %add3A_1000 : i32 to vector<16xi32>
        %add3A_1002 = arith.addi %add3A_410, %add3A_1001 : vector<16xi32>
        tpu.vector_store_idx %arg7[%add3A_810, %broadcast_in_dim3A_999, %add3A_1002], %mul3A_922 : memref<8x4x1024xf32, #tpu.memory_space<vmem>>[vector<16xi32>, vector<16xi32>, vector<16xi32>], vector<16xf32>,
        %add3A_1003 = arith.constant 48 : i32
        %add3A_1004 = vector.broadcast %add3A_1003 : i32 to vector<16xi32>
        %add3A_1005 = arith.addi %and3A_401, %add3A_1004 : vector<16xi32>
        %add3A_1006 = arith.constant 6 : i32
        %add3A_1007 = vector.broadcast %add3A_1006 : i32 to vector<16xi32>
        %add3A_1008 = arith.addi %shift_right_arithmetic3A_404, %add3A_1007 : vector<16xi32>
        %add3A_1009 = arith.constant 0 : i32
        %add3A_1010 = vector.broadcast %add3A_1009 : i32 to vector<16xi32>
        %add3A_1011 = arith.addi %add3A_1010, %iota3A : vector<16xi32>
        %gather3A_1012 = tpu.vector_load_idx %arg6[%add3A_1011, %add3A_1005] : memref<512x64xf32, #tpu.memory_space<vmem>>[vector<16xi32>, vector<16xi32>], vector<16xf32>,
        %mul3A_1013 = arith.constant 8.000000e+00 : f32
        %mul3A_1014 = vector.broadcast %mul3A_1013 : f32 to vector<16xf32>
        %mul3A_1015 = arith.mulf %gather3A_1012, %mul3A_1014 : vector<16xf32>
        %add3A_1016 = arith.constant 16 : i32
        %add3A_1017 = vector.broadcast %add3A_1016 : i32 to vector<16xi32>
        %add3A_1018 = arith.addi %add3A_1017, %iota3A : vector<16xi32>
        %gather3A_1019 = tpu.vector_load_idx %arg6[%add3A_1018, %add3A_1005] : memref<512x64xf32, #tpu.memory_space<vmem>>[vector<16xi32>, vector<16xi32>], vector<16xf32>,
        %mul3A_1020 = arith.constant 8.000000e+00 : f32
        %mul3A_1021 = vector.broadcast %mul3A_1020 : f32 to vector<16xf32>
        %mul3A_1022 = arith.mulf %gather3A_1019, %mul3A_1021 : vector<16xf32>
        %add3A_1023 = arith.constant 32 : i32
        %add3A_1024 = vector.broadcast %add3A_1023 : i32 to vector<16xi32>
        %add3A_1025 = arith.addi %add3A_1024, %iota3A : vector<16xi32>
        %gather3A_1026 = tpu.vector_load_idx %arg6[%add3A_1025, %add3A_1005] : memref<512x64xf32, #tpu.memory_space<vmem>>[vector<16xi32>, vector<16xi32>], vector<16xf32>,
        %mul3A_1027 = arith.constant 8.000000e+00 : f32
        %mul3A_1028 = vector.broadcast %mul3A_1027 : f32 to vector<16xf32>
        %mul3A_1029 = arith.mulf %gather3A_1026, %mul3A_1028 : vector<16xf32>
        %add3A_1030 = arith.constant 48 : i32
        %add3A_1031 = vector.broadcast %add3A_1030 : i32 to vector<16xi32>
        %add3A_1032 = arith.addi %add3A_1031, %iota3A : vector<16xi32>
        %gather3A_1033 = tpu.vector_load_idx %arg6[%add3A_1032, %add3A_1005] : memref<512x64xf32, #tpu.memory_space<vmem>>[vector<16xi32>, vector<16xi32>], vector<16xf32>,
        %mul3A_1034 = arith.constant 8.000000e+00 : f32
        %mul3A_1035 = vector.broadcast %mul3A_1034 : f32 to vector<16xf32>
        %mul3A_1036 = arith.mulf %gather3A_1033, %mul3A_1035 : vector<16xf32>
        %add3A_1037 = arith.constant 64 : i32
        %add3A_1038 = vector.broadcast %add3A_1037 : i32 to vector<16xi32>
        %add3A_1039 = arith.addi %add3A_1038, %iota3A : vector<16xi32>
        %gather3A_1040 = tpu.vector_load_idx %arg6[%add3A_1039, %add3A_1005] : memref<512x64xf32, #tpu.memory_space<vmem>>[vector<16xi32>, vector<16xi32>], vector<16xf32>,
        %mul3A_1041 = arith.constant 8.000000e+00 : f32
        %mul3A_1042 = vector.broadcast %mul3A_1041 : f32 to vector<16xf32>
        %mul3A_1043 = arith.mulf %gather3A_1040, %mul3A_1042 : vector<16xf32>
        %add3A_1044 = arith.constant 80 : i32
        %add3A_1045 = vector.broadcast %add3A_1044 : i32 to vector<16xi32>
        %add3A_1046 = arith.addi %add3A_1045, %iota3A : vector<16xi32>
        %gather3A_1047 = tpu.vector_load_idx %arg6[%add3A_1046, %add3A_1005] : memref<512x64xf32, #tpu.memory_space<vmem>>[vector<16xi32>, vector<16xi32>], vector<16xf32>,
        %mul3A_1048 = arith.constant 8.000000e+00 : f32
        %mul3A_1049 = vector.broadcast %mul3A_1048 : f32 to vector<16xf32>
        %mul3A_1050 = arith.mulf %gather3A_1047, %mul3A_1049 : vector<16xf32>
        %add3A_1051 = arith.constant 96 : i32
        %add3A_1052 = vector.broadcast %add3A_1051 : i32 to vector<16xi32>
        %add3A_1053 = arith.addi %add3A_1052, %iota3A : vector<16xi32>
        %gather3A_1054 = tpu.vector_load_idx %arg6[%add3A_1053, %add3A_1005] : memref<512x64xf32, #tpu.memory_space<vmem>>[vector<16xi32>, vector<16xi32>], vector<16xf32>,
        %mul3A_1055 = arith.constant 8.000000e+00 : f32
        %mul3A_1056 = vector.broadcast %mul3A_1055 : f32 to vector<16xf32>
        %mul3A_1057 = arith.mulf %gather3A_1054, %mul3A_1056 : vector<16xf32>
        %add3A_1058 = arith.constant 112 : i32
        %add3A_1059 = vector.broadcast %add3A_1058 : i32 to vector<16xi32>
        %add3A_1060 = arith.addi %add3A_1059, %iota3A : vector<16xi32>
        %gather3A_1061 = tpu.vector_load_idx %arg6[%add3A_1060, %add3A_1005] : memref<512x64xf32, #tpu.memory_space<vmem>>[vector<16xi32>, vector<16xi32>], vector<16xf32>,
        %mul3A_1062 = arith.constant 8.000000e+00 : f32
        %mul3A_1063 = vector.broadcast %mul3A_1062 : f32 to vector<16xf32>
        %mul3A_1064 = arith.mulf %gather3A_1061, %mul3A_1063 : vector<16xf32>
        %add3A_1065 = arith.constant 128 : i32
        %add3A_1066 = vector.broadcast %add3A_1065 : i32 to vector<16xi32>
        %add3A_1067 = arith.addi %add3A_1066, %iota3A : vector<16xi32>
        %gather3A_1068 = tpu.vector_load_idx %arg6[%add3A_1067, %add3A_1005] : memref<512x64xf32, #tpu.memory_space<vmem>>[vector<16xi32>, vector<16xi32>], vector<16xf32>,
        %mul3A_1069 = arith.constant 8.000000e+00 : f32
        %mul3A_1070 = vector.broadcast %mul3A_1069 : f32 to vector<16xf32>
        %mul3A_1071 = arith.mulf %gather3A_1068, %mul3A_1070 : vector<16xf32>
        %add3A_1072 = arith.constant 144 : i32
        %add3A_1073 = vector.broadcast %add3A_1072 : i32 to vector<16xi32>
        %add3A_1074 = arith.addi %add3A_1073, %iota3A : vector<16xi32>
        %gather3A_1075 = tpu.vector_load_idx %arg6[%add3A_1074, %add3A_1005] : memref<512x64xf32, #tpu.memory_space<vmem>>[vector<16xi32>, vector<16xi32>], vector<16xf32>,
        %mul3A_1076 = arith.constant 8.000000e+00 : f32
        %mul3A_1077 = vector.broadcast %mul3A_1076 : f32 to vector<16xf32>
        %mul3A_1078 = arith.mulf %gather3A_1075, %mul3A_1077 : vector<16xf32>
        %add3A_1079 = arith.constant 160 : i32
        %add3A_1080 = vector.broadcast %add3A_1079 : i32 to vector<16xi32>
        %add3A_1081 = arith.addi %add3A_1080, %iota3A : vector<16xi32>
        %gather3A_1082 = tpu.vector_load_idx %arg6[%add3A_1081, %add3A_1005] : memref<512x64xf32, #tpu.memory_space<vmem>>[vector<16xi32>, vector<16xi32>], vector<16xf32>,
        %mul3A_1083 = arith.constant 8.000000e+00 : f32
        %mul3A_1084 = vector.broadcast %mul3A_1083 : f32 to vector<16xf32>
        %mul3A_1085 = arith.mulf %gather3A_1082, %mul3A_1084 : vector<16xf32>
        %add3A_1086 = arith.constant 176 : i32
        %add3A_1087 = vector.broadcast %add3A_1086 : i32 to vector<16xi32>
        %add3A_1088 = arith.addi %add3A_1087, %iota3A : vector<16xi32>
        %gather3A_1089 = tpu.vector_load_idx %arg6[%add3A_1088, %add3A_1005] : memref<512x64xf32, #tpu.memory_space<vmem>>[vector<16xi32>, vector<16xi32>], vector<16xf32>,
        %mul3A_1090 = arith.constant 8.000000e+00 : f32
        %mul3A_1091 = vector.broadcast %mul3A_1090 : f32 to vector<16xf32>
        %mul3A_1092 = arith.mulf %gather3A_1089, %mul3A_1091 : vector<16xf32>
        %add3A_1093 = arith.constant 192 : i32
        %add3A_1094 = vector.broadcast %add3A_1093 : i32 to vector<16xi32>
        %add3A_1095 = arith.addi %add3A_1094, %iota3A : vector<16xi32>
        %gather3A_1096 = tpu.vector_load_idx %arg6[%add3A_1095, %add3A_1005] : memref<512x64xf32, #tpu.memory_space<vmem>>[vector<16xi32>, vector<16xi32>], vector<16xf32>,
        %mul3A_1097 = arith.constant 8.000000e+00 : f32
        %mul3A_1098 = vector.broadcast %mul3A_1097 : f32 to vector<16xf32>
        %mul3A_1099 = arith.mulf %gather3A_1096, %mul3A_1098 : vector<16xf32>
        %add3A_1100 = arith.constant 208 : i32
        %add3A_1101 = vector.broadcast %add3A_1100 : i32 to vector<16xi32>
        %add3A_1102 = arith.addi %add3A_1101, %iota3A : vector<16xi32>
        %gather3A_1103 = tpu.vector_load_idx %arg6[%add3A_1102, %add3A_1005] : memref<512x64xf32, #tpu.memory_space<vmem>>[vector<16xi32>, vector<16xi32>], vector<16xf32>,
        %mul3A_1104 = arith.constant 8.000000e+00 : f32
        %mul3A_1105 = vector.broadcast %mul3A_1104 : f32 to vector<16xf32>
        %mul3A_1106 = arith.mulf %gather3A_1103, %mul3A_1105 : vector<16xf32>
        %add3A_1107 = arith.constant 224 : i32
        %add3A_1108 = vector.broadcast %add3A_1107 : i32 to vector<16xi32>
        %add3A_1109 = arith.addi %add3A_1108, %iota3A : vector<16xi32>
        %gather3A_1110 = tpu.vector_load_idx %arg6[%add3A_1109, %add3A_1005] : memref<512x64xf32, #tpu.memory_space<vmem>>[vector<16xi32>, vector<16xi32>], vector<16xf32>,
        %mul3A_1111 = arith.constant 8.000000e+00 : f32
        %mul3A_1112 = vector.broadcast %mul3A_1111 : f32 to vector<16xf32>
        %mul3A_1113 = arith.mulf %gather3A_1110, %mul3A_1112 : vector<16xf32>
        %add3A_1114 = arith.constant 240 : i32
        %add3A_1115 = vector.broadcast %add3A_1114 : i32 to vector<16xi32>
        %add3A_1116 = arith.addi %add3A_1115, %iota3A : vector<16xi32>
        %gather3A_1117 = tpu.vector_load_idx %arg6[%add3A_1116, %add3A_1005] : memref<512x64xf32, #tpu.memory_space<vmem>>[vector<16xi32>, vector<16xi32>], vector<16xf32>,
        %mul3A_1118 = arith.constant 8.000000e+00 : f32
        %mul3A_1119 = vector.broadcast %mul3A_1118 : f32 to vector<16xf32>
        %mul3A_1120 = arith.mulf %gather3A_1117, %mul3A_1119 : vector<16xf32>
        %broadcast_in_dim3A_1121 = arith.constant 0 : i32
        %broadcast_in_dim3A_1122 = vector.broadcast %broadcast_in_dim3A_1121 : i32 to vector<16xi32>
        %add3A_1123 = arith.constant 0 : i32
        %add3A_1124 = vector.broadcast %add3A_1123 : i32 to vector<16xi32>
        %add3A_1125 = arith.addi %add3A_410, %add3A_1124 : vector<16xi32>
        tpu.vector_store_idx %arg7[%add3A_1008, %broadcast_in_dim3A_1122, %add3A_1125], %mul3A_1015 : memref<8x4x1024xf32, #tpu.memory_space<vmem>>[vector<16xi32>, vector<16xi32>, vector<16xi32>], vector<16xf32>,
        %broadcast_in_dim3A_1126 = arith.constant 0 : i32
        %broadcast_in_dim3A_1127 = vector.broadcast %broadcast_in_dim3A_1126 : i32 to vector<16xi32>
        %add3A_1128 = arith.constant 16 : i32
        %add3A_1129 = vector.broadcast %add3A_1128 : i32 to vector<16xi32>
        %add3A_1130 = arith.addi %add3A_410, %add3A_1129 : vector<16xi32>
        tpu.vector_store_idx %arg7[%add3A_1008, %broadcast_in_dim3A_1127, %add3A_1130], %mul3A_1022 : memref<8x4x1024xf32, #tpu.memory_space<vmem>>[vector<16xi32>, vector<16xi32>, vector<16xi32>], vector<16xf32>,
        %broadcast_in_dim3A_1131 = arith.constant 0 : i32
        %broadcast_in_dim3A_1132 = vector.broadcast %broadcast_in_dim3A_1131 : i32 to vector<16xi32>
        %add3A_1133 = arith.constant 32 : i32
        %add3A_1134 = vector.broadcast %add3A_1133 : i32 to vector<16xi32>
        %add3A_1135 = arith.addi %add3A_410, %add3A_1134 : vector<16xi32>
        tpu.vector_store_idx %arg7[%add3A_1008, %broadcast_in_dim3A_1132, %add3A_1135], %mul3A_1029 : memref<8x4x1024xf32, #tpu.memory_space<vmem>>[vector<16xi32>, vector<16xi32>, vector<16xi32>], vector<16xf32>,
        %broadcast_in_dim3A_1136 = arith.constant 0 : i32
        %broadcast_in_dim3A_1137 = vector.broadcast %broadcast_in_dim3A_1136 : i32 to vector<16xi32>
        %add3A_1138 = arith.constant 48 : i32
        %add3A_1139 = vector.broadcast %add3A_1138 : i32 to vector<16xi32>
        %add3A_1140 = arith.addi %add3A_410, %add3A_1139 : vector<16xi32>
        tpu.vector_store_idx %arg7[%add3A_1008, %broadcast_in_dim3A_1137, %add3A_1140], %mul3A_1036 : memref<8x4x1024xf32, #tpu.memory_space<vmem>>[vector<16xi32>, vector<16xi32>, vector<16xi32>], vector<16xf32>,
        %broadcast_in_dim3A_1141 = arith.constant 0 : i32
        %broadcast_in_dim3A_1142 = vector.broadcast %broadcast_in_dim3A_1141 : i32 to vector<16xi32>
        %add3A_1143 = arith.constant 64 : i32
        %add3A_1144 = vector.broadcast %add3A_1143 : i32 to vector<16xi32>
        %add3A_1145 = arith.addi %add3A_410, %add3A_1144 : vector<16xi32>
        tpu.vector_store_idx %arg7[%add3A_1008, %broadcast_in_dim3A_1142, %add3A_1145], %mul3A_1043 : memref<8x4x1024xf32, #tpu.memory_space<vmem>>[vector<16xi32>, vector<16xi32>, vector<16xi32>], vector<16xf32>,
        %broadcast_in_dim3A_1146 = arith.constant 0 : i32
        %broadcast_in_dim3A_1147 = vector.broadcast %broadcast_in_dim3A_1146 : i32 to vector<16xi32>
        %add3A_1148 = arith.constant 80 : i32
        %add3A_1149 = vector.broadcast %add3A_1148 : i32 to vector<16xi32>
        %add3A_1150 = arith.addi %add3A_410, %add3A_1149 : vector<16xi32>
        tpu.vector_store_idx %arg7[%add3A_1008, %broadcast_in_dim3A_1147, %add3A_1150], %mul3A_1050 : memref<8x4x1024xf32, #tpu.memory_space<vmem>>[vector<16xi32>, vector<16xi32>, vector<16xi32>], vector<16xf32>,
        %broadcast_in_dim3A_1151 = arith.constant 0 : i32
        %broadcast_in_dim3A_1152 = vector.broadcast %broadcast_in_dim3A_1151 : i32 to vector<16xi32>
        %add3A_1153 = arith.constant 96 : i32
        %add3A_1154 = vector.broadcast %add3A_1153 : i32 to vector<16xi32>
        %add3A_1155 = arith.addi %add3A_410, %add3A_1154 : vector<16xi32>
        tpu.vector_store_idx %arg7[%add3A_1008, %broadcast_in_dim3A_1152, %add3A_1155], %mul3A_1057 : memref<8x4x1024xf32, #tpu.memory_space<vmem>>[vector<16xi32>, vector<16xi32>, vector<16xi32>], vector<16xf32>,
        %broadcast_in_dim3A_1156 = arith.constant 0 : i32
        %broadcast_in_dim3A_1157 = vector.broadcast %broadcast_in_dim3A_1156 : i32 to vector<16xi32>
        %add3A_1158 = arith.constant 112 : i32
        %add3A_1159 = vector.broadcast %add3A_1158 : i32 to vector<16xi32>
        %add3A_1160 = arith.addi %add3A_410, %add3A_1159 : vector<16xi32>
        tpu.vector_store_idx %arg7[%add3A_1008, %broadcast_in_dim3A_1157, %add3A_1160], %mul3A_1064 : memref<8x4x1024xf32, #tpu.memory_space<vmem>>[vector<16xi32>, vector<16xi32>, vector<16xi32>], vector<16xf32>,
        %broadcast_in_dim3A_1161 = arith.constant 1 : i32
        %broadcast_in_dim3A_1162 = vector.broadcast %broadcast_in_dim3A_1161 : i32 to vector<16xi32>
        %add3A_1163 = arith.constant 0 : i32
        %add3A_1164 = vector.broadcast %add3A_1163 : i32 to vector<16xi32>
        %add3A_1165 = arith.addi %add3A_410, %add3A_1164 : vector<16xi32>
        tpu.vector_store_idx %arg7[%add3A_1008, %broadcast_in_dim3A_1162, %add3A_1165], %mul3A_1071 : memref<8x4x1024xf32, #tpu.memory_space<vmem>>[vector<16xi32>, vector<16xi32>, vector<16xi32>], vector<16xf32>,
        %broadcast_in_dim3A_1166 = arith.constant 1 : i32
        %broadcast_in_dim3A_1167 = vector.broadcast %broadcast_in_dim3A_1166 : i32 to vector<16xi32>
        %add3A_1168 = arith.constant 16 : i32
        %add3A_1169 = vector.broadcast %add3A_1168 : i32 to vector<16xi32>
        %add3A_1170 = arith.addi %add3A_410, %add3A_1169 : vector<16xi32>
        tpu.vector_store_idx %arg7[%add3A_1008, %broadcast_in_dim3A_1167, %add3A_1170], %mul3A_1078 : memref<8x4x1024xf32, #tpu.memory_space<vmem>>[vector<16xi32>, vector<16xi32>, vector<16xi32>], vector<16xf32>,
        %broadcast_in_dim3A_1171 = arith.constant 1 : i32
        %broadcast_in_dim3A_1172 = vector.broadcast %broadcast_in_dim3A_1171 : i32 to vector<16xi32>
        %add3A_1173 = arith.constant 32 : i32
        %add3A_1174 = vector.broadcast %add3A_1173 : i32 to vector<16xi32>
        %add3A_1175 = arith.addi %add3A_410, %add3A_1174 : vector<16xi32>
        tpu.vector_store_idx %arg7[%add3A_1008, %broadcast_in_dim3A_1172, %add3A_1175], %mul3A_1085 : memref<8x4x1024xf32, #tpu.memory_space<vmem>>[vector<16xi32>, vector<16xi32>, vector<16xi32>], vector<16xf32>,
        %broadcast_in_dim3A_1176 = arith.constant 1 : i32
        %broadcast_in_dim3A_1177 = vector.broadcast %broadcast_in_dim3A_1176 : i32 to vector<16xi32>
        %add3A_1178 = arith.constant 48 : i32
        %add3A_1179 = vector.broadcast %add3A_1178 : i32 to vector<16xi32>
        %add3A_1180 = arith.addi %add3A_410, %add3A_1179 : vector<16xi32>
        tpu.vector_store_idx %arg7[%add3A_1008, %broadcast_in_dim3A_1177, %add3A_1180], %mul3A_1092 : memref<8x4x1024xf32, #tpu.memory_space<vmem>>[vector<16xi32>, vector<16xi32>, vector<16xi32>], vector<16xf32>,
        %broadcast_in_dim3A_1181 = arith.constant 1 : i32
        %broadcast_in_dim3A_1182 = vector.broadcast %broadcast_in_dim3A_1181 : i32 to vector<16xi32>
        %add3A_1183 = arith.constant 64 : i32
        %add3A_1184 = vector.broadcast %add3A_1183 : i32 to vector<16xi32>
        %add3A_1185 = arith.addi %add3A_410, %add3A_1184 : vector<16xi32>
        tpu.vector_store_idx %arg7[%add3A_1008, %broadcast_in_dim3A_1182, %add3A_1185], %mul3A_1099 : memref<8x4x1024xf32, #tpu.memory_space<vmem>>[vector<16xi32>, vector<16xi32>, vector<16xi32>], vector<16xf32>,
        %broadcast_in_dim3A_1186 = arith.constant 1 : i32
        %broadcast_in_dim3A_1187 = vector.broadcast %broadcast_in_dim3A_1186 : i32 to vector<16xi32>
        %add3A_1188 = arith.constant 80 : i32
        %add3A_1189 = vector.broadcast %add3A_1188 : i32 to vector<16xi32>
        %add3A_1190 = arith.addi %add3A_410, %add3A_1189 : vector<16xi32>
        tpu.vector_store_idx %arg7[%add3A_1008, %broadcast_in_dim3A_1187, %add3A_1190], %mul3A_1106 : memref<8x4x1024xf32, #tpu.memory_space<vmem>>[vector<16xi32>, vector<16xi32>, vector<16xi32>], vector<16xf32>,
        %broadcast_in_dim3A_1191 = arith.constant 1 : i32
        %broadcast_in_dim3A_1192 = vector.broadcast %broadcast_in_dim3A_1191 : i32 to vector<16xi32>
        %add3A_1193 = arith.constant 96 : i32
        %add3A_1194 = vector.broadcast %add3A_1193 : i32 to vector<16xi32>
        %add3A_1195 = arith.addi %add3A_410, %add3A_1194 : vector<16xi32>
        tpu.vector_store_idx %arg7[%add3A_1008, %broadcast_in_dim3A_1192, %add3A_1195], %mul3A_1113 : memref<8x4x1024xf32, #tpu.memory_space<vmem>>[vector<16xi32>, vector<16xi32>, vector<16xi32>], vector<16xf32>,
        %broadcast_in_dim3A_1196 = arith.constant 1 : i32
        %broadcast_in_dim3A_1197 = vector.broadcast %broadcast_in_dim3A_1196 : i32 to vector<16xi32>
        %add3A_1198 = arith.constant 112 : i32
        %add3A_1199 = vector.broadcast %add3A_1198 : i32 to vector<16xi32>
        %add3A_1200 = arith.addi %add3A_410, %add3A_1199 : vector<16xi32>
        tpu.vector_store_idx %arg7[%add3A_1008, %broadcast_in_dim3A_1197, %add3A_1200], %mul3A_1120 : memref<8x4x1024xf32, #tpu.memory_space<vmem>>[vector<16xi32>, vector<16xi32>, vector<16xi32>], vector<16xf32>,
        %add3A_1201 = arith.constant 0 : i32
        %add3A_1202 = vector.broadcast %add3A_1201 : i32 to vector<16xi32>
        %add3A_1203 = arith.addi %and3A_401, %add3A_1202 : vector<16xi32>
        %add3A_1204 = arith.constant 0 : i32
        %add3A_1205 = vector.broadcast %add3A_1204 : i32 to vector<16xi32>
        %add3A_1206 = arith.addi %shift_right_arithmetic3A_404, %add3A_1205 : vector<16xi32>
        %add3A_1207 = arith.constant 256 : i32
        %add3A_1208 = vector.broadcast %add3A_1207 : i32 to vector<16xi32>
        %add3A_1209 = arith.addi %add3A_1208, %iota3A : vector<16xi32>
        %gather3A_1210 = tpu.vector_load_idx %arg6[%add3A_1209, %add3A_1203] : memref<512x64xf32, #tpu.memory_space<vmem>>[vector<16xi32>, vector<16xi32>], vector<16xf32>,
        %mul3A_1211 = arith.constant 8.000000e+00 : f32
        %mul3A_1212 = vector.broadcast %mul3A_1211 : f32 to vector<16xf32>
        %mul3A_1213 = arith.mulf %gather3A_1210, %mul3A_1212 : vector<16xf32>
        %add3A_1214 = arith.constant 272 : i32
        %add3A_1215 = vector.broadcast %add3A_1214 : i32 to vector<16xi32>
        %add3A_1216 = arith.addi %add3A_1215, %iota3A : vector<16xi32>
        %gather3A_1217 = tpu.vector_load_idx %arg6[%add3A_1216, %add3A_1203] : memref<512x64xf32, #tpu.memory_space<vmem>>[vector<16xi32>, vector<16xi32>], vector<16xf32>,
        %mul3A_1218 = arith.constant 8.000000e+00 : f32
        %mul3A_1219 = vector.broadcast %mul3A_1218 : f32 to vector<16xf32>
        %mul3A_1220 = arith.mulf %gather3A_1217, %mul3A_1219 : vector<16xf32>
        %add3A_1221 = arith.constant 288 : i32
        %add3A_1222 = vector.broadcast %add3A_1221 : i32 to vector<16xi32>
        %add3A_1223 = arith.addi %add3A_1222, %iota3A : vector<16xi32>
        %gather3A_1224 = tpu.vector_load_idx %arg6[%add3A_1223, %add3A_1203] : memref<512x64xf32, #tpu.memory_space<vmem>>[vector<16xi32>, vector<16xi32>], vector<16xf32>,
        %mul3A_1225 = arith.constant 8.000000e+00 : f32
        %mul3A_1226 = vector.broadcast %mul3A_1225 : f32 to vector<16xf32>
        %mul3A_1227 = arith.mulf %gather3A_1224, %mul3A_1226 : vector<16xf32>
        %add3A_1228 = arith.constant 304 : i32
        %add3A_1229 = vector.broadcast %add3A_1228 : i32 to vector<16xi32>
        %add3A_1230 = arith.addi %add3A_1229, %iota3A : vector<16xi32>
        %gather3A_1231 = tpu.vector_load_idx %arg6[%add3A_1230, %add3A_1203] : memref<512x64xf32, #tpu.memory_space<vmem>>[vector<16xi32>, vector<16xi32>], vector<16xf32>,
        %mul3A_1232 = arith.constant 8.000000e+00 : f32
        %mul3A_1233 = vector.broadcast %mul3A_1232 : f32 to vector<16xf32>
        %mul3A_1234 = arith.mulf %gather3A_1231, %mul3A_1233 : vector<16xf32>
        %add3A_1235 = arith.constant 320 : i32
        %add3A_1236 = vector.broadcast %add3A_1235 : i32 to vector<16xi32>
        %add3A_1237 = arith.addi %add3A_1236, %iota3A : vector<16xi32>
        %gather3A_1238 = tpu.vector_load_idx %arg6[%add3A_1237, %add3A_1203] : memref<512x64xf32, #tpu.memory_space<vmem>>[vector<16xi32>, vector<16xi32>], vector<16xf32>,
        %mul3A_1239 = arith.constant 8.000000e+00 : f32
        %mul3A_1240 = vector.broadcast %mul3A_1239 : f32 to vector<16xf32>
        %mul3A_1241 = arith.mulf %gather3A_1238, %mul3A_1240 : vector<16xf32>
        %add3A_1242 = arith.constant 336 : i32
        %add3A_1243 = vector.broadcast %add3A_1242 : i32 to vector<16xi32>
        %add3A_1244 = arith.addi %add3A_1243, %iota3A : vector<16xi32>
        %gather3A_1245 = tpu.vector_load_idx %arg6[%add3A_1244, %add3A_1203] : memref<512x64xf32, #tpu.memory_space<vmem>>[vector<16xi32>, vector<16xi32>], vector<16xf32>,
        %mul3A_1246 = arith.constant 8.000000e+00 : f32
        %mul3A_1247 = vector.broadcast %mul3A_1246 : f32 to vector<16xf32>
        %mul3A_1248 = arith.mulf %gather3A_1245, %mul3A_1247 : vector<16xf32>
        %add3A_1249 = arith.constant 352 : i32
        %add3A_1250 = vector.broadcast %add3A_1249 : i32 to vector<16xi32>
        %add3A_1251 = arith.addi %add3A_1250, %iota3A : vector<16xi32>
        %gather3A_1252 = tpu.vector_load_idx %arg6[%add3A_1251, %add3A_1203] : memref<512x64xf32, #tpu.memory_space<vmem>>[vector<16xi32>, vector<16xi32>], vector<16xf32>,
        %mul3A_1253 = arith.constant 8.000000e+00 : f32
        %mul3A_1254 = vector.broadcast %mul3A_1253 : f32 to vector<16xf32>
        %mul3A_1255 = arith.mulf %gather3A_1252, %mul3A_1254 : vector<16xf32>
        %add3A_1256 = arith.constant 368 : i32
        %add3A_1257 = vector.broadcast %add3A_1256 : i32 to vector<16xi32>
        %add3A_1258 = arith.addi %add3A_1257, %iota3A : vector<16xi32>
        %gather3A_1259 = tpu.vector_load_idx %arg6[%add3A_1258, %add3A_1203] : memref<512x64xf32, #tpu.memory_space<vmem>>[vector<16xi32>, vector<16xi32>], vector<16xf32>,
        %mul3A_1260 = arith.constant 8.000000e+00 : f32
        %mul3A_1261 = vector.broadcast %mul3A_1260 : f32 to vector<16xf32>
        %mul3A_1262 = arith.mulf %gather3A_1259, %mul3A_1261 : vector<16xf32>
        %add3A_1263 = arith.constant 384 : i32
        %add3A_1264 = vector.broadcast %add3A_1263 : i32 to vector<16xi32>
        %add3A_1265 = arith.addi %add3A_1264, %iota3A : vector<16xi32>
        %gather3A_1266 = tpu.vector_load_idx %arg6[%add3A_1265, %add3A_1203] : memref<512x64xf32, #tpu.memory_space<vmem>>[vector<16xi32>, vector<16xi32>], vector<16xf32>,
        %mul3A_1267 = arith.constant 8.000000e+00 : f32
        %mul3A_1268 = vector.broadcast %mul3A_1267 : f32 to vector<16xf32>
        %mul3A_1269 = arith.mulf %gather3A_1266, %mul3A_1268 : vector<16xf32>
        %add3A_1270 = arith.constant 400 : i32
        %add3A_1271 = vector.broadcast %add3A_1270 : i32 to vector<16xi32>
        %add3A_1272 = arith.addi %add3A_1271, %iota3A : vector<16xi32>
        %gather3A_1273 = tpu.vector_load_idx %arg6[%add3A_1272, %add3A_1203] : memref<512x64xf32, #tpu.memory_space<vmem>>[vector<16xi32>, vector<16xi32>], vector<16xf32>,
        %mul3A_1274 = arith.constant 8.000000e+00 : f32
        %mul3A_1275 = vector.broadcast %mul3A_1274 : f32 to vector<16xf32>
        %mul3A_1276 = arith.mulf %gather3A_1273, %mul3A_1275 : vector<16xf32>
        %add3A_1277 = arith.constant 416 : i32
        %add3A_1278 = vector.broadcast %add3A_1277 : i32 to vector<16xi32>
        %add3A_1279 = arith.addi %add3A_1278, %iota3A : vector<16xi32>
        %gather3A_1280 = tpu.vector_load_idx %arg6[%add3A_1279, %add3A_1203] : memref<512x64xf32, #tpu.memory_space<vmem>>[vector<16xi32>, vector<16xi32>], vector<16xf32>,
        %mul3A_1281 = arith.constant 8.000000e+00 : f32
        %mul3A_1282 = vector.broadcast %mul3A_1281 : f32 to vector<16xf32>
        %mul3A_1283 = arith.mulf %gather3A_1280, %mul3A_1282 : vector<16xf32>
        %add3A_1284 = arith.constant 432 : i32
        %add3A_1285 = vector.broadcast %add3A_1284 : i32 to vector<16xi32>
        %add3A_1286 = arith.addi %add3A_1285, %iota3A : vector<16xi32>
        %gather3A_1287 = tpu.vector_load_idx %arg6[%add3A_1286, %add3A_1203] : memref<512x64xf32, #tpu.memory_space<vmem>>[vector<16xi32>, vector<16xi32>], vector<16xf32>,
        %mul3A_1288 = arith.constant 8.000000e+00 : f32
        %mul3A_1289 = vector.broadcast %mul3A_1288 : f32 to vector<16xf32>
        %mul3A_1290 = arith.mulf %gather3A_1287, %mul3A_1289 : vector<16xf32>
        %add3A_1291 = arith.constant 448 : i32
        %add3A_1292 = vector.broadcast %add3A_1291 : i32 to vector<16xi32>
        %add3A_1293 = arith.addi %add3A_1292, %iota3A : vector<16xi32>
        %gather3A_1294 = tpu.vector_load_idx %arg6[%add3A_1293, %add3A_1203] : memref<512x64xf32, #tpu.memory_space<vmem>>[vector<16xi32>, vector<16xi32>], vector<16xf32>,
        %mul3A_1295 = arith.constant 8.000000e+00 : f32
        %mul3A_1296 = vector.broadcast %mul3A_1295 : f32 to vector<16xf32>
        %mul3A_1297 = arith.mulf %gather3A_1294, %mul3A_1296 : vector<16xf32>
        %add3A_1298 = arith.constant 464 : i32
        %add3A_1299 = vector.broadcast %add3A_1298 : i32 to vector<16xi32>
        %add3A_1300 = arith.addi %add3A_1299, %iota3A : vector<16xi32>
        %gather3A_1301 = tpu.vector_load_idx %arg6[%add3A_1300, %add3A_1203] : memref<512x64xf32, #tpu.memory_space<vmem>>[vector<16xi32>, vector<16xi32>], vector<16xf32>,
        %mul3A_1302 = arith.constant 8.000000e+00 : f32
        %mul3A_1303 = vector.broadcast %mul3A_1302 : f32 to vector<16xf32>
        %mul3A_1304 = arith.mulf %gather3A_1301, %mul3A_1303 : vector<16xf32>
        %add3A_1305 = arith.constant 480 : i32
        %add3A_1306 = vector.broadcast %add3A_1305 : i32 to vector<16xi32>
        %add3A_1307 = arith.addi %add3A_1306, %iota3A : vector<16xi32>
        %gather3A_1308 = tpu.vector_load_idx %arg6[%add3A_1307, %add3A_1203] : memref<512x64xf32, #tpu.memory_space<vmem>>[vector<16xi32>, vector<16xi32>], vector<16xf32>,
        %mul3A_1309 = arith.constant 8.000000e+00 : f32
        %mul3A_1310 = vector.broadcast %mul3A_1309 : f32 to vector<16xf32>
        %mul3A_1311 = arith.mulf %gather3A_1308, %mul3A_1310 : vector<16xf32>
        %add3A_1312 = arith.constant 496 : i32
        %add3A_1313 = vector.broadcast %add3A_1312 : i32 to vector<16xi32>
        %add3A_1314 = arith.addi %add3A_1313, %iota3A : vector<16xi32>
        %gather3A_1315 = tpu.vector_load_idx %arg6[%add3A_1314, %add3A_1203] : memref<512x64xf32, #tpu.memory_space<vmem>>[vector<16xi32>, vector<16xi32>], vector<16xf32>,
        %mul3A_1316 = arith.constant 8.000000e+00 : f32
        %mul3A_1317 = vector.broadcast %mul3A_1316 : f32 to vector<16xf32>
        %mul3A_1318 = arith.mulf %gather3A_1315, %mul3A_1317 : vector<16xf32>
        %broadcast_in_dim3A_1319 = arith.constant 2 : i32
        %broadcast_in_dim3A_1320 = vector.broadcast %broadcast_in_dim3A_1319 : i32 to vector<16xi32>
        %add3A_1321 = arith.constant 0 : i32
        %add3A_1322 = vector.broadcast %add3A_1321 : i32 to vector<16xi32>
        %add3A_1323 = arith.addi %add3A_410, %add3A_1322 : vector<16xi32>
        tpu.vector_store_idx %arg7[%add3A_1206, %broadcast_in_dim3A_1320, %add3A_1323], %mul3A_1213 : memref<8x4x1024xf32, #tpu.memory_space<vmem>>[vector<16xi32>, vector<16xi32>, vector<16xi32>], vector<16xf32>,
        %broadcast_in_dim3A_1324 = arith.constant 2 : i32
        %broadcast_in_dim3A_1325 = vector.broadcast %broadcast_in_dim3A_1324 : i32 to vector<16xi32>
        %add3A_1326 = arith.constant 16 : i32
        %add3A_1327 = vector.broadcast %add3A_1326 : i32 to vector<16xi32>
        %add3A_1328 = arith.addi %add3A_410, %add3A_1327 : vector<16xi32>
        tpu.vector_store_idx %arg7[%add3A_1206, %broadcast_in_dim3A_1325, %add3A_1328], %mul3A_1220 : memref<8x4x1024xf32, #tpu.memory_space<vmem>>[vector<16xi32>, vector<16xi32>, vector<16xi32>], vector<16xf32>,
        %broadcast_in_dim3A_1329 = arith.constant 2 : i32
        %broadcast_in_dim3A_1330 = vector.broadcast %broadcast_in_dim3A_1329 : i32 to vector<16xi32>
        %add3A_1331 = arith.constant 32 : i32
        %add3A_1332 = vector.broadcast %add3A_1331 : i32 to vector<16xi32>
        %add3A_1333 = arith.addi %add3A_410, %add3A_1332 : vector<16xi32>
        tpu.vector_store_idx %arg7[%add3A_1206, %broadcast_in_dim3A_1330, %add3A_1333], %mul3A_1227 : memref<8x4x1024xf32, #tpu.memory_space<vmem>>[vector<16xi32>, vector<16xi32>, vector<16xi32>], vector<16xf32>,
        %broadcast_in_dim3A_1334 = arith.constant 2 : i32
        %broadcast_in_dim3A_1335 = vector.broadcast %broadcast_in_dim3A_1334 : i32 to vector<16xi32>
        %add3A_1336 = arith.constant 48 : i32
        %add3A_1337 = vector.broadcast %add3A_1336 : i32 to vector<16xi32>
        %add3A_1338 = arith.addi %add3A_410, %add3A_1337 : vector<16xi32>
        tpu.vector_store_idx %arg7[%add3A_1206, %broadcast_in_dim3A_1335, %add3A_1338], %mul3A_1234 : memref<8x4x1024xf32, #tpu.memory_space<vmem>>[vector<16xi32>, vector<16xi32>, vector<16xi32>], vector<16xf32>,
        %broadcast_in_dim3A_1339 = arith.constant 2 : i32
        %broadcast_in_dim3A_1340 = vector.broadcast %broadcast_in_dim3A_1339 : i32 to vector<16xi32>
        %add3A_1341 = arith.constant 64 : i32
        %add3A_1342 = vector.broadcast %add3A_1341 : i32 to vector<16xi32>
        %add3A_1343 = arith.addi %add3A_410, %add3A_1342 : vector<16xi32>
        tpu.vector_store_idx %arg7[%add3A_1206, %broadcast_in_dim3A_1340, %add3A_1343], %mul3A_1241 : memref<8x4x1024xf32, #tpu.memory_space<vmem>>[vector<16xi32>, vector<16xi32>, vector<16xi32>], vector<16xf32>,
        %broadcast_in_dim3A_1344 = arith.constant 2 : i32
        %broadcast_in_dim3A_1345 = vector.broadcast %broadcast_in_dim3A_1344 : i32 to vector<16xi32>
        %add3A_1346 = arith.constant 80 : i32
        %add3A_1347 = vector.broadcast %add3A_1346 : i32 to vector<16xi32>
        %add3A_1348 = arith.addi %add3A_410, %add3A_1347 : vector<16xi32>
        tpu.vector_store_idx %arg7[%add3A_1206, %broadcast_in_dim3A_1345, %add3A_1348], %mul3A_1248 : memref<8x4x1024xf32, #tpu.memory_space<vmem>>[vector<16xi32>, vector<16xi32>, vector<16xi32>], vector<16xf32>,
        %broadcast_in_dim3A_1349 = arith.constant 2 : i32
        %broadcast_in_dim3A_1350 = vector.broadcast %broadcast_in_dim3A_1349 : i32 to vector<16xi32>
        %add3A_1351 = arith.constant 96 : i32
        %add3A_1352 = vector.broadcast %add3A_1351 : i32 to vector<16xi32>
        %add3A_1353 = arith.addi %add3A_410, %add3A_1352 : vector<16xi32>
        tpu.vector_store_idx %arg7[%add3A_1206, %broadcast_in_dim3A_1350, %add3A_1353], %mul3A_1255 : memref<8x4x1024xf32, #tpu.memory_space<vmem>>[vector<16xi32>, vector<16xi32>, vector<16xi32>], vector<16xf32>,
        %broadcast_in_dim3A_1354 = arith.constant 2 : i32
        %broadcast_in_dim3A_1355 = vector.broadcast %broadcast_in_dim3A_1354 : i32 to vector<16xi32>
        %add3A_1356 = arith.constant 112 : i32
        %add3A_1357 = vector.broadcast %add3A_1356 : i32 to vector<16xi32>
        %add3A_1358 = arith.addi %add3A_410, %add3A_1357 : vector<16xi32>
        tpu.vector_store_idx %arg7[%add3A_1206, %broadcast_in_dim3A_1355, %add3A_1358], %mul3A_1262 : memref<8x4x1024xf32, #tpu.memory_space<vmem>>[vector<16xi32>, vector<16xi32>, vector<16xi32>], vector<16xf32>,
        %broadcast_in_dim3A_1359 = arith.constant 3 : i32
        %broadcast_in_dim3A_1360 = vector.broadcast %broadcast_in_dim3A_1359 : i32 to vector<16xi32>
        %add3A_1361 = arith.constant 0 : i32
        %add3A_1362 = vector.broadcast %add3A_1361 : i32 to vector<16xi32>
        %add3A_1363 = arith.addi %add3A_410, %add3A_1362 : vector<16xi32>
        tpu.vector_store_idx %arg7[%add3A_1206, %broadcast_in_dim3A_1360, %add3A_1363], %mul3A_1269 : memref<8x4x1024xf32, #tpu.memory_space<vmem>>[vector<16xi32>, vector<16xi32>, vector<16xi32>], vector<16xf32>,
        %broadcast_in_dim3A_1364 = arith.constant 3 : i32
        %broadcast_in_dim3A_1365 = vector.broadcast %broadcast_in_dim3A_1364 : i32 to vector<16xi32>
        %add3A_1366 = arith.constant 16 : i32
        %add3A_1367 = vector.broadcast %add3A_1366 : i32 to vector<16xi32>
        %add3A_1368 = arith.addi %add3A_410, %add3A_1367 : vector<16xi32>
        tpu.vector_store_idx %arg7[%add3A_1206, %broadcast_in_dim3A_1365, %add3A_1368], %mul3A_1276 : memref<8x4x1024xf32, #tpu.memory_space<vmem>>[vector<16xi32>, vector<16xi32>, vector<16xi32>], vector<16xf32>,
        %broadcast_in_dim3A_1369 = arith.constant 3 : i32
        %broadcast_in_dim3A_1370 = vector.broadcast %broadcast_in_dim3A_1369 : i32 to vector<16xi32>
        %add3A_1371 = arith.constant 32 : i32
        %add3A_1372 = vector.broadcast %add3A_1371 : i32 to vector<16xi32>
        %add3A_1373 = arith.addi %add3A_410, %add3A_1372 : vector<16xi32>
        tpu.vector_store_idx %arg7[%add3A_1206, %broadcast_in_dim3A_1370, %add3A_1373], %mul3A_1283 : memref<8x4x1024xf32, #tpu.memory_space<vmem>>[vector<16xi32>, vector<16xi32>, vector<16xi32>], vector<16xf32>,
        %broadcast_in_dim3A_1374 = arith.constant 3 : i32
        %broadcast_in_dim3A_1375 = vector.broadcast %broadcast_in_dim3A_1374 : i32 to vector<16xi32>
        %add3A_1376 = arith.constant 48 : i32
        %add3A_1377 = vector.broadcast %add3A_1376 : i32 to vector<16xi32>
        %add3A_1378 = arith.addi %add3A_410, %add3A_1377 : vector<16xi32>
        tpu.vector_store_idx %arg7[%add3A_1206, %broadcast_in_dim3A_1375, %add3A_1378], %mul3A_1290 : memref<8x4x1024xf32, #tpu.memory_space<vmem>>[vector<16xi32>, vector<16xi32>, vector<16xi32>], vector<16xf32>,
        %broadcast_in_dim3A_1379 = arith.constant 3 : i32
        %broadcast_in_dim3A_1380 = vector.broadcast %broadcast_in_dim3A_1379 : i32 to vector<16xi32>
        %add3A_1381 = arith.constant 64 : i32
        %add3A_1382 = vector.broadcast %add3A_1381 : i32 to vector<16xi32>
        %add3A_1383 = arith.addi %add3A_410, %add3A_1382 : vector<16xi32>
        tpu.vector_store_idx %arg7[%add3A_1206, %broadcast_in_dim3A_1380, %add3A_1383], %mul3A_1297 : memref<8x4x1024xf32, #tpu.memory_space<vmem>>[vector<16xi32>, vector<16xi32>, vector<16xi32>], vector<16xf32>,
        %broadcast_in_dim3A_1384 = arith.constant 3 : i32
        %broadcast_in_dim3A_1385 = vector.broadcast %broadcast_in_dim3A_1384 : i32 to vector<16xi32>
        %add3A_1386 = arith.constant 80 : i32
        %add3A_1387 = vector.broadcast %add3A_1386 : i32 to vector<16xi32>
        %add3A_1388 = arith.addi %add3A_410, %add3A_1387 : vector<16xi32>
        tpu.vector_store_idx %arg7[%add3A_1206, %broadcast_in_dim3A_1385, %add3A_1388], %mul3A_1304 : memref<8x4x1024xf32, #tpu.memory_space<vmem>>[vector<16xi32>, vector<16xi32>, vector<16xi32>], vector<16xf32>,
        %broadcast_in_dim3A_1389 = arith.constant 3 : i32
        %broadcast_in_dim3A_1390 = vector.broadcast %broadcast_in_dim3A_1389 : i32 to vector<16xi32>
        %add3A_1391 = arith.constant 96 : i32
        %add3A_1392 = vector.broadcast %add3A_1391 : i32 to vector<16xi32>
        %add3A_1393 = arith.addi %add3A_410, %add3A_1392 : vector<16xi32>
        tpu.vector_store_idx %arg7[%add3A_1206, %broadcast_in_dim3A_1390, %add3A_1393], %mul3A_1311 : memref<8x4x1024xf32, #tpu.memory_space<vmem>>[vector<16xi32>, vector<16xi32>, vector<16xi32>], vector<16xf32>,
        %broadcast_in_dim3A_1394 = arith.constant 3 : i32
        %broadcast_in_dim3A_1395 = vector.broadcast %broadcast_in_dim3A_1394 : i32 to vector<16xi32>
        %add3A_1396 = arith.constant 112 : i32
        %add3A_1397 = vector.broadcast %add3A_1396 : i32 to vector<16xi32>
        %add3A_1398 = arith.addi %add3A_410, %add3A_1397 : vector<16xi32>
        tpu.vector_store_idx %arg7[%add3A_1206, %broadcast_in_dim3A_1395, %add3A_1398], %mul3A_1318 : memref<8x4x1024xf32, #tpu.memory_space<vmem>>[vector<16xi32>, vector<16xi32>, vector<16xi32>], vector<16xf32>,
        %add3A_1399 = arith.constant 16 : i32
        %add3A_1400 = vector.broadcast %add3A_1399 : i32 to vector<16xi32>
        %add3A_1401 = arith.addi %and3A_401, %add3A_1400 : vector<16xi32>
        %add3A_1402 = arith.constant 2 : i32
        %add3A_1403 = vector.broadcast %add3A_1402 : i32 to vector<16xi32>
        %add3A_1404 = arith.addi %shift_right_arithmetic3A_404, %add3A_1403 : vector<16xi32>
        %add3A_1405 = arith.constant 256 : i32
        %add3A_1406 = vector.broadcast %add3A_1405 : i32 to vector<16xi32>
        %add3A_1407 = arith.addi %add3A_1406, %iota3A : vector<16xi32>
        %gather3A_1408 = tpu.vector_load_idx %arg6[%add3A_1407, %add3A_1401] : memref<512x64xf32, #tpu.memory_space<vmem>>[vector<16xi32>, vector<16xi32>], vector<16xf32>,
        %mul3A_1409 = arith.constant 8.000000e+00 : f32
        %mul3A_1410 = vector.broadcast %mul3A_1409 : f32 to vector<16xf32>
        %mul3A_1411 = arith.mulf %gather3A_1408, %mul3A_1410 : vector<16xf32>
        %add3A_1412 = arith.constant 272 : i32
        %add3A_1413 = vector.broadcast %add3A_1412 : i32 to vector<16xi32>
        %add3A_1414 = arith.addi %add3A_1413, %iota3A : vector<16xi32>
        %gather3A_1415 = tpu.vector_load_idx %arg6[%add3A_1414, %add3A_1401] : memref<512x64xf32, #tpu.memory_space<vmem>>[vector<16xi32>, vector<16xi32>], vector<16xf32>,
        %mul3A_1416 = arith.constant 8.000000e+00 : f32
        %mul3A_1417 = vector.broadcast %mul3A_1416 : f32 to vector<16xf32>
        %mul3A_1418 = arith.mulf %gather3A_1415, %mul3A_1417 : vector<16xf32>
        %add3A_1419 = arith.constant 288 : i32
        %add3A_1420 = vector.broadcast %add3A_1419 : i32 to vector<16xi32>
        %add3A_1421 = arith.addi %add3A_1420, %iota3A : vector<16xi32>
        %gather3A_1422 = tpu.vector_load_idx %arg6[%add3A_1421, %add3A_1401] : memref<512x64xf32, #tpu.memory_space<vmem>>[vector<16xi32>, vector<16xi32>], vector<16xf32>,
        %mul3A_1423 = arith.constant 8.000000e+00 : f32
        %mul3A_1424 = vector.broadcast %mul3A_1423 : f32 to vector<16xf32>
        %mul3A_1425 = arith.mulf %gather3A_1422, %mul3A_1424 : vector<16xf32>
        %add3A_1426 = arith.constant 304 : i32
        %add3A_1427 = vector.broadcast %add3A_1426 : i32 to vector<16xi32>
        %add3A_1428 = arith.addi %add3A_1427, %iota3A : vector<16xi32>
        %gather3A_1429 = tpu.vector_load_idx %arg6[%add3A_1428, %add3A_1401] : memref<512x64xf32, #tpu.memory_space<vmem>>[vector<16xi32>, vector<16xi32>], vector<16xf32>,
        %mul3A_1430 = arith.constant 8.000000e+00 : f32
        %mul3A_1431 = vector.broadcast %mul3A_1430 : f32 to vector<16xf32>
        %mul3A_1432 = arith.mulf %gather3A_1429, %mul3A_1431 : vector<16xf32>
        %add3A_1433 = arith.constant 320 : i32
        %add3A_1434 = vector.broadcast %add3A_1433 : i32 to vector<16xi32>
        %add3A_1435 = arith.addi %add3A_1434, %iota3A : vector<16xi32>
        %gather3A_1436 = tpu.vector_load_idx %arg6[%add3A_1435, %add3A_1401] : memref<512x64xf32, #tpu.memory_space<vmem>>[vector<16xi32>, vector<16xi32>], vector<16xf32>,
        %mul3A_1437 = arith.constant 8.000000e+00 : f32
        %mul3A_1438 = vector.broadcast %mul3A_1437 : f32 to vector<16xf32>
        %mul3A_1439 = arith.mulf %gather3A_1436, %mul3A_1438 : vector<16xf32>
        %add3A_1440 = arith.constant 336 : i32
        %add3A_1441 = vector.broadcast %add3A_1440 : i32 to vector<16xi32>
        %add3A_1442 = arith.addi %add3A_1441, %iota3A : vector<16xi32>
        %gather3A_1443 = tpu.vector_load_idx %arg6[%add3A_1442, %add3A_1401] : memref<512x64xf32, #tpu.memory_space<vmem>>[vector<16xi32>, vector<16xi32>], vector<16xf32>,
        %mul3A_1444 = arith.constant 8.000000e+00 : f32
        %mul3A_1445 = vector.broadcast %mul3A_1444 : f32 to vector<16xf32>
        %mul3A_1446 = arith.mulf %gather3A_1443, %mul3A_1445 : vector<16xf32>
        %add3A_1447 = arith.constant 352 : i32
        %add3A_1448 = vector.broadcast %add3A_1447 : i32 to vector<16xi32>
        %add3A_1449 = arith.addi %add3A_1448, %iota3A : vector<16xi32>
        %gather3A_1450 = tpu.vector_load_idx %arg6[%add3A_1449, %add3A_1401] : memref<512x64xf32, #tpu.memory_space<vmem>>[vector<16xi32>, vector<16xi32>], vector<16xf32>,
        %mul3A_1451 = arith.constant 8.000000e+00 : f32
        %mul3A_1452 = vector.broadcast %mul3A_1451 : f32 to vector<16xf32>
        %mul3A_1453 = arith.mulf %gather3A_1450, %mul3A_1452 : vector<16xf32>
        %add3A_1454 = arith.constant 368 : i32
        %add3A_1455 = vector.broadcast %add3A_1454 : i32 to vector<16xi32>
        %add3A_1456 = arith.addi %add3A_1455, %iota3A : vector<16xi32>
        %gather3A_1457 = tpu.vector_load_idx %arg6[%add3A_1456, %add3A_1401] : memref<512x64xf32, #tpu.memory_space<vmem>>[vector<16xi32>, vector<16xi32>], vector<16xf32>,
        %mul3A_1458 = arith.constant 8.000000e+00 : f32
        %mul3A_1459 = vector.broadcast %mul3A_1458 : f32 to vector<16xf32>
        %mul3A_1460 = arith.mulf %gather3A_1457, %mul3A_1459 : vector<16xf32>
        %add3A_1461 = arith.constant 384 : i32
        %add3A_1462 = vector.broadcast %add3A_1461 : i32 to vector<16xi32>
        %add3A_1463 = arith.addi %add3A_1462, %iota3A : vector<16xi32>
        %gather3A_1464 = tpu.vector_load_idx %arg6[%add3A_1463, %add3A_1401] : memref<512x64xf32, #tpu.memory_space<vmem>>[vector<16xi32>, vector<16xi32>], vector<16xf32>,
        %mul3A_1465 = arith.constant 8.000000e+00 : f32
        %mul3A_1466 = vector.broadcast %mul3A_1465 : f32 to vector<16xf32>
        %mul3A_1467 = arith.mulf %gather3A_1464, %mul3A_1466 : vector<16xf32>
        %add3A_1468 = arith.constant 400 : i32
        %add3A_1469 = vector.broadcast %add3A_1468 : i32 to vector<16xi32>
        %add3A_1470 = arith.addi %add3A_1469, %iota3A : vector<16xi32>
        %gather3A_1471 = tpu.vector_load_idx %arg6[%add3A_1470, %add3A_1401] : memref<512x64xf32, #tpu.memory_space<vmem>>[vector<16xi32>, vector<16xi32>], vector<16xf32>,
        %mul3A_1472 = arith.constant 8.000000e+00 : f32
        %mul3A_1473 = vector.broadcast %mul3A_1472 : f32 to vector<16xf32>
        %mul3A_1474 = arith.mulf %gather3A_1471, %mul3A_1473 : vector<16xf32>
        %add3A_1475 = arith.constant 416 : i32
        %add3A_1476 = vector.broadcast %add3A_1475 : i32 to vector<16xi32>
        %add3A_1477 = arith.addi %add3A_1476, %iota3A : vector<16xi32>
        %gather3A_1478 = tpu.vector_load_idx %arg6[%add3A_1477, %add3A_1401] : memref<512x64xf32, #tpu.memory_space<vmem>>[vector<16xi32>, vector<16xi32>], vector<16xf32>,
        %mul3A_1479 = arith.constant 8.000000e+00 : f32
        %mul3A_1480 = vector.broadcast %mul3A_1479 : f32 to vector<16xf32>
        %mul3A_1481 = arith.mulf %gather3A_1478, %mul3A_1480 : vector<16xf32>
        %add3A_1482 = arith.constant 432 : i32
        %add3A_1483 = vector.broadcast %add3A_1482 : i32 to vector<16xi32>
        %add3A_1484 = arith.addi %add3A_1483, %iota3A : vector<16xi32>
        %gather3A_1485 = tpu.vector_load_idx %arg6[%add3A_1484, %add3A_1401] : memref<512x64xf32, #tpu.memory_space<vmem>>[vector<16xi32>, vector<16xi32>], vector<16xf32>,
        %mul3A_1486 = arith.constant 8.000000e+00 : f32
        %mul3A_1487 = vector.broadcast %mul3A_1486 : f32 to vector<16xf32>
        %mul3A_1488 = arith.mulf %gather3A_1485, %mul3A_1487 : vector<16xf32>
        %add3A_1489 = arith.constant 448 : i32
        %add3A_1490 = vector.broadcast %add3A_1489 : i32 to vector<16xi32>
        %add3A_1491 = arith.addi %add3A_1490, %iota3A : vector<16xi32>
        %gather3A_1492 = tpu.vector_load_idx %arg6[%add3A_1491, %add3A_1401] : memref<512x64xf32, #tpu.memory_space<vmem>>[vector<16xi32>, vector<16xi32>], vector<16xf32>,
        %mul3A_1493 = arith.constant 8.000000e+00 : f32
        %mul3A_1494 = vector.broadcast %mul3A_1493 : f32 to vector<16xf32>
        %mul3A_1495 = arith.mulf %gather3A_1492, %mul3A_1494 : vector<16xf32>
        %add3A_1496 = arith.constant 464 : i32
        %add3A_1497 = vector.broadcast %add3A_1496 : i32 to vector<16xi32>
        %add3A_1498 = arith.addi %add3A_1497, %iota3A : vector<16xi32>
        %gather3A_1499 = tpu.vector_load_idx %arg6[%add3A_1498, %add3A_1401] : memref<512x64xf32, #tpu.memory_space<vmem>>[vector<16xi32>, vector<16xi32>], vector<16xf32>,
        %mul3A_1500 = arith.constant 8.000000e+00 : f32
        %mul3A_1501 = vector.broadcast %mul3A_1500 : f32 to vector<16xf32>
        %mul3A_1502 = arith.mulf %gather3A_1499, %mul3A_1501 : vector<16xf32>
        %add3A_1503 = arith.constant 480 : i32
        %add3A_1504 = vector.broadcast %add3A_1503 : i32 to vector<16xi32>
        %add3A_1505 = arith.addi %add3A_1504, %iota3A : vector<16xi32>
        %gather3A_1506 = tpu.vector_load_idx %arg6[%add3A_1505, %add3A_1401] : memref<512x64xf32, #tpu.memory_space<vmem>>[vector<16xi32>, vector<16xi32>], vector<16xf32>,
        %mul3A_1507 = arith.constant 8.000000e+00 : f32
        %mul3A_1508 = vector.broadcast %mul3A_1507 : f32 to vector<16xf32>
        %mul3A_1509 = arith.mulf %gather3A_1506, %mul3A_1508 : vector<16xf32>
        %add3A_1510 = arith.constant 496 : i32
        %add3A_1511 = vector.broadcast %add3A_1510 : i32 to vector<16xi32>
        %add3A_1512 = arith.addi %add3A_1511, %iota3A : vector<16xi32>
        %gather3A_1513 = tpu.vector_load_idx %arg6[%add3A_1512, %add3A_1401] : memref<512x64xf32, #tpu.memory_space<vmem>>[vector<16xi32>, vector<16xi32>], vector<16xf32>,
        %mul3A_1514 = arith.constant 8.000000e+00 : f32
        %mul3A_1515 = vector.broadcast %mul3A_1514 : f32 to vector<16xf32>
        %mul3A_1516 = arith.mulf %gather3A_1513, %mul3A_1515 : vector<16xf32>
        %broadcast_in_dim3A_1517 = arith.constant 2 : i32
        %broadcast_in_dim3A_1518 = vector.broadcast %broadcast_in_dim3A_1517 : i32 to vector<16xi32>
        %add3A_1519 = arith.constant 0 : i32
        %add3A_1520 = vector.broadcast %add3A_1519 : i32 to vector<16xi32>
        %add3A_1521 = arith.addi %add3A_410, %add3A_1520 : vector<16xi32>
        tpu.vector_store_idx %arg7[%add3A_1404, %broadcast_in_dim3A_1518, %add3A_1521], %mul3A_1411 : memref<8x4x1024xf32, #tpu.memory_space<vmem>>[vector<16xi32>, vector<16xi32>, vector<16xi32>], vector<16xf32>,
        %broadcast_in_dim3A_1522 = arith.constant 2 : i32
        %broadcast_in_dim3A_1523 = vector.broadcast %broadcast_in_dim3A_1522 : i32 to vector<16xi32>
        %add3A_1524 = arith.constant 16 : i32
        %add3A_1525 = vector.broadcast %add3A_1524 : i32 to vector<16xi32>
        %add3A_1526 = arith.addi %add3A_410, %add3A_1525 : vector<16xi32>
        tpu.vector_store_idx %arg7[%add3A_1404, %broadcast_in_dim3A_1523, %add3A_1526], %mul3A_1418 : memref<8x4x1024xf32, #tpu.memory_space<vmem>>[vector<16xi32>, vector<16xi32>, vector<16xi32>], vector<16xf32>,
        %broadcast_in_dim3A_1527 = arith.constant 2 : i32
        %broadcast_in_dim3A_1528 = vector.broadcast %broadcast_in_dim3A_1527 : i32 to vector<16xi32>
        %add3A_1529 = arith.constant 32 : i32
        %add3A_1530 = vector.broadcast %add3A_1529 : i32 to vector<16xi32>
        %add3A_1531 = arith.addi %add3A_410, %add3A_1530 : vector<16xi32>
        tpu.vector_store_idx %arg7[%add3A_1404, %broadcast_in_dim3A_1528, %add3A_1531], %mul3A_1425 : memref<8x4x1024xf32, #tpu.memory_space<vmem>>[vector<16xi32>, vector<16xi32>, vector<16xi32>], vector<16xf32>,
        %broadcast_in_dim3A_1532 = arith.constant 2 : i32
        %broadcast_in_dim3A_1533 = vector.broadcast %broadcast_in_dim3A_1532 : i32 to vector<16xi32>
        %add3A_1534 = arith.constant 48 : i32
        %add3A_1535 = vector.broadcast %add3A_1534 : i32 to vector<16xi32>
        %add3A_1536 = arith.addi %add3A_410, %add3A_1535 : vector<16xi32>
        tpu.vector_store_idx %arg7[%add3A_1404, %broadcast_in_dim3A_1533, %add3A_1536], %mul3A_1432 : memref<8x4x1024xf32, #tpu.memory_space<vmem>>[vector<16xi32>, vector<16xi32>, vector<16xi32>], vector<16xf32>,
        %broadcast_in_dim3A_1537 = arith.constant 2 : i32
        %broadcast_in_dim3A_1538 = vector.broadcast %broadcast_in_dim3A_1537 : i32 to vector<16xi32>
        %add3A_1539 = arith.constant 64 : i32
        %add3A_1540 = vector.broadcast %add3A_1539 : i32 to vector<16xi32>
        %add3A_1541 = arith.addi %add3A_410, %add3A_1540 : vector<16xi32>
        tpu.vector_store_idx %arg7[%add3A_1404, %broadcast_in_dim3A_1538, %add3A_1541], %mul3A_1439 : memref<8x4x1024xf32, #tpu.memory_space<vmem>>[vector<16xi32>, vector<16xi32>, vector<16xi32>], vector<16xf32>,
        %broadcast_in_dim3A_1542 = arith.constant 2 : i32
        %broadcast_in_dim3A_1543 = vector.broadcast %broadcast_in_dim3A_1542 : i32 to vector<16xi32>
        %add3A_1544 = arith.constant 80 : i32
        %add3A_1545 = vector.broadcast %add3A_1544 : i32 to vector<16xi32>
        %add3A_1546 = arith.addi %add3A_410, %add3A_1545 : vector<16xi32>
        tpu.vector_store_idx %arg7[%add3A_1404, %broadcast_in_dim3A_1543, %add3A_1546], %mul3A_1446 : memref<8x4x1024xf32, #tpu.memory_space<vmem>>[vector<16xi32>, vector<16xi32>, vector<16xi32>], vector<16xf32>,
        %broadcast_in_dim3A_1547 = arith.constant 2 : i32
        %broadcast_in_dim3A_1548 = vector.broadcast %broadcast_in_dim3A_1547 : i32 to vector<16xi32>
        %add3A_1549 = arith.constant 96 : i32
        %add3A_1550 = vector.broadcast %add3A_1549 : i32 to vector<16xi32>
        %add3A_1551 = arith.addi %add3A_410, %add3A_1550 : vector<16xi32>
        tpu.vector_store_idx %arg7[%add3A_1404, %broadcast_in_dim3A_1548, %add3A_1551], %mul3A_1453 : memref<8x4x1024xf32, #tpu.memory_space<vmem>>[vector<16xi32>, vector<16xi32>, vector<16xi32>], vector<16xf32>,
        %broadcast_in_dim3A_1552 = arith.constant 2 : i32
        %broadcast_in_dim3A_1553 = vector.broadcast %broadcast_in_dim3A_1552 : i32 to vector<16xi32>
        %add3A_1554 = arith.constant 112 : i32
        %add3A_1555 = vector.broadcast %add3A_1554 : i32 to vector<16xi32>
        %add3A_1556 = arith.addi %add3A_410, %add3A_1555 : vector<16xi32>
        tpu.vector_store_idx %arg7[%add3A_1404, %broadcast_in_dim3A_1553, %add3A_1556], %mul3A_1460 : memref<8x4x1024xf32, #tpu.memory_space<vmem>>[vector<16xi32>, vector<16xi32>, vector<16xi32>], vector<16xf32>,
        %broadcast_in_dim3A_1557 = arith.constant 3 : i32
        %broadcast_in_dim3A_1558 = vector.broadcast %broadcast_in_dim3A_1557 : i32 to vector<16xi32>
        %add3A_1559 = arith.constant 0 : i32
        %add3A_1560 = vector.broadcast %add3A_1559 : i32 to vector<16xi32>
        %add3A_1561 = arith.addi %add3A_410, %add3A_1560 : vector<16xi32>
        tpu.vector_store_idx %arg7[%add3A_1404, %broadcast_in_dim3A_1558, %add3A_1561], %mul3A_1467 : memref<8x4x1024xf32, #tpu.memory_space<vmem>>[vector<16xi32>, vector<16xi32>, vector<16xi32>], vector<16xf32>,
        %broadcast_in_dim3A_1562 = arith.constant 3 : i32
        %broadcast_in_dim3A_1563 = vector.broadcast %broadcast_in_dim3A_1562 : i32 to vector<16xi32>
        %add3A_1564 = arith.constant 16 : i32
        %add3A_1565 = vector.broadcast %add3A_1564 : i32 to vector<16xi32>
        %add3A_1566 = arith.addi %add3A_410, %add3A_1565 : vector<16xi32>
        tpu.vector_store_idx %arg7[%add3A_1404, %broadcast_in_dim3A_1563, %add3A_1566], %mul3A_1474 : memref<8x4x1024xf32, #tpu.memory_space<vmem>>[vector<16xi32>, vector<16xi32>, vector<16xi32>], vector<16xf32>,
        %broadcast_in_dim3A_1567 = arith.constant 3 : i32
        %broadcast_in_dim3A_1568 = vector.broadcast %broadcast_in_dim3A_1567 : i32 to vector<16xi32>
        %add3A_1569 = arith.constant 32 : i32
        %add3A_1570 = vector.broadcast %add3A_1569 : i32 to vector<16xi32>
        %add3A_1571 = arith.addi %add3A_410, %add3A_1570 : vector<16xi32>
        tpu.vector_store_idx %arg7[%add3A_1404, %broadcast_in_dim3A_1568, %add3A_1571], %mul3A_1481 : memref<8x4x1024xf32, #tpu.memory_space<vmem>>[vector<16xi32>, vector<16xi32>, vector<16xi32>], vector<16xf32>,
        %broadcast_in_dim3A_1572 = arith.constant 3 : i32
        %broadcast_in_dim3A_1573 = vector.broadcast %broadcast_in_dim3A_1572 : i32 to vector<16xi32>
        %add3A_1574 = arith.constant 48 : i32
        %add3A_1575 = vector.broadcast %add3A_1574 : i32 to vector<16xi32>
        %add3A_1576 = arith.addi %add3A_410, %add3A_1575 : vector<16xi32>
        tpu.vector_store_idx %arg7[%add3A_1404, %broadcast_in_dim3A_1573, %add3A_1576], %mul3A_1488 : memref<8x4x1024xf32, #tpu.memory_space<vmem>>[vector<16xi32>, vector<16xi32>, vector<16xi32>], vector<16xf32>,
        %broadcast_in_dim3A_1577 = arith.constant 3 : i32
        %broadcast_in_dim3A_1578 = vector.broadcast %broadcast_in_dim3A_1577 : i32 to vector<16xi32>
        %add3A_1579 = arith.constant 64 : i32
        %add3A_1580 = vector.broadcast %add3A_1579 : i32 to vector<16xi32>
        %add3A_1581 = arith.addi %add3A_410, %add3A_1580 : vector<16xi32>
        tpu.vector_store_idx %arg7[%add3A_1404, %broadcast_in_dim3A_1578, %add3A_1581], %mul3A_1495 : memref<8x4x1024xf32, #tpu.memory_space<vmem>>[vector<16xi32>, vector<16xi32>, vector<16xi32>], vector<16xf32>,
        %broadcast_in_dim3A_1582 = arith.constant 3 : i32
        %broadcast_in_dim3A_1583 = vector.broadcast %broadcast_in_dim3A_1582 : i32 to vector<16xi32>
        %add3A_1584 = arith.constant 80 : i32
        %add3A_1585 = vector.broadcast %add3A_1584 : i32 to vector<16xi32>
        %add3A_1586 = arith.addi %add3A_410, %add3A_1585 : vector<16xi32>
        tpu.vector_store_idx %arg7[%add3A_1404, %broadcast_in_dim3A_1583, %add3A_1586], %mul3A_1502 : memref<8x4x1024xf32, #tpu.memory_space<vmem>>[vector<16xi32>, vector<16xi32>, vector<16xi32>], vector<16xf32>,
        %broadcast_in_dim3A_1587 = arith.constant 3 : i32
        %broadcast_in_dim3A_1588 = vector.broadcast %broadcast_in_dim3A_1587 : i32 to vector<16xi32>
        %add3A_1589 = arith.constant 96 : i32
        %add3A_1590 = vector.broadcast %add3A_1589 : i32 to vector<16xi32>
        %add3A_1591 = arith.addi %add3A_410, %add3A_1590 : vector<16xi32>
        tpu.vector_store_idx %arg7[%add3A_1404, %broadcast_in_dim3A_1588, %add3A_1591], %mul3A_1509 : memref<8x4x1024xf32, #tpu.memory_space<vmem>>[vector<16xi32>, vector<16xi32>, vector<16xi32>], vector<16xf32>,
        %broadcast_in_dim3A_1592 = arith.constant 3 : i32
        %broadcast_in_dim3A_1593 = vector.broadcast %broadcast_in_dim3A_1592 : i32 to vector<16xi32>
        %add3A_1594 = arith.constant 112 : i32
        %add3A_1595 = vector.broadcast %add3A_1594 : i32 to vector<16xi32>
        %add3A_1596 = arith.addi %add3A_410, %add3A_1595 : vector<16xi32>
        tpu.vector_store_idx %arg7[%add3A_1404, %broadcast_in_dim3A_1593, %add3A_1596], %mul3A_1516 : memref<8x4x1024xf32, #tpu.memory_space<vmem>>[vector<16xi32>, vector<16xi32>, vector<16xi32>], vector<16xf32>,
        %add3A_1597 = arith.constant 32 : i32
        %add3A_1598 = vector.broadcast %add3A_1597 : i32 to vector<16xi32>
        %add3A_1599 = arith.addi %and3A_401, %add3A_1598 : vector<16xi32>
        %add3A_1600 = arith.constant 4 : i32
        %add3A_1601 = vector.broadcast %add3A_1600 : i32 to vector<16xi32>
        %add3A_1602 = arith.addi %shift_right_arithmetic3A_404, %add3A_1601 : vector<16xi32>
        %add3A_1603 = arith.constant 256 : i32
        %add3A_1604 = vector.broadcast %add3A_1603 : i32 to vector<16xi32>
        %add3A_1605 = arith.addi %add3A_1604, %iota3A : vector<16xi32>
        %gather3A_1606 = tpu.vector_load_idx %arg6[%add3A_1605, %add3A_1599] : memref<512x64xf32, #tpu.memory_space<vmem>>[vector<16xi32>, vector<16xi32>], vector<16xf32>,
        %mul3A_1607 = arith.constant 8.000000e+00 : f32
        %mul3A_1608 = vector.broadcast %mul3A_1607 : f32 to vector<16xf32>
        %mul3A_1609 = arith.mulf %gather3A_1606, %mul3A_1608 : vector<16xf32>
        %add3A_1610 = arith.constant 272 : i32
        %add3A_1611 = vector.broadcast %add3A_1610 : i32 to vector<16xi32>
        %add3A_1612 = arith.addi %add3A_1611, %iota3A : vector<16xi32>
        %gather3A_1613 = tpu.vector_load_idx %arg6[%add3A_1612, %add3A_1599] : memref<512x64xf32, #tpu.memory_space<vmem>>[vector<16xi32>, vector<16xi32>], vector<16xf32>,
        %mul3A_1614 = arith.constant 8.000000e+00 : f32
        %mul3A_1615 = vector.broadcast %mul3A_1614 : f32 to vector<16xf32>
        %mul3A_1616 = arith.mulf %gather3A_1613, %mul3A_1615 : vector<16xf32>
        %add3A_1617 = arith.constant 288 : i32
        %add3A_1618 = vector.broadcast %add3A_1617 : i32 to vector<16xi32>
        %add3A_1619 = arith.addi %add3A_1618, %iota3A : vector<16xi32>
        %gather3A_1620 = tpu.vector_load_idx %arg6[%add3A_1619, %add3A_1599] : memref<512x64xf32, #tpu.memory_space<vmem>>[vector<16xi32>, vector<16xi32>], vector<16xf32>,
        %mul3A_1621 = arith.constant 8.000000e+00 : f32
        %mul3A_1622 = vector.broadcast %mul3A_1621 : f32 to vector<16xf32>
        %mul3A_1623 = arith.mulf %gather3A_1620, %mul3A_1622 : vector<16xf32>
        %add3A_1624 = arith.constant 304 : i32
        %add3A_1625 = vector.broadcast %add3A_1624 : i32 to vector<16xi32>
        %add3A_1626 = arith.addi %add3A_1625, %iota3A : vector<16xi32>
        %gather3A_1627 = tpu.vector_load_idx %arg6[%add3A_1626, %add3A_1599] : memref<512x64xf32, #tpu.memory_space<vmem>>[vector<16xi32>, vector<16xi32>], vector<16xf32>,
        %mul3A_1628 = arith.constant 8.000000e+00 : f32
        %mul3A_1629 = vector.broadcast %mul3A_1628 : f32 to vector<16xf32>
        %mul3A_1630 = arith.mulf %gather3A_1627, %mul3A_1629 : vector<16xf32>
        %add3A_1631 = arith.constant 320 : i32
        %add3A_1632 = vector.broadcast %add3A_1631 : i32 to vector<16xi32>
        %add3A_1633 = arith.addi %add3A_1632, %iota3A : vector<16xi32>
        %gather3A_1634 = tpu.vector_load_idx %arg6[%add3A_1633, %add3A_1599] : memref<512x64xf32, #tpu.memory_space<vmem>>[vector<16xi32>, vector<16xi32>], vector<16xf32>,
        %mul3A_1635 = arith.constant 8.000000e+00 : f32
        %mul3A_1636 = vector.broadcast %mul3A_1635 : f32 to vector<16xf32>
        %mul3A_1637 = arith.mulf %gather3A_1634, %mul3A_1636 : vector<16xf32>
        %add3A_1638 = arith.constant 336 : i32
        %add3A_1639 = vector.broadcast %add3A_1638 : i32 to vector<16xi32>
        %add3A_1640 = arith.addi %add3A_1639, %iota3A : vector<16xi32>
        %gather3A_1641 = tpu.vector_load_idx %arg6[%add3A_1640, %add3A_1599] : memref<512x64xf32, #tpu.memory_space<vmem>>[vector<16xi32>, vector<16xi32>], vector<16xf32>,
        %mul3A_1642 = arith.constant 8.000000e+00 : f32
        %mul3A_1643 = vector.broadcast %mul3A_1642 : f32 to vector<16xf32>
        %mul3A_1644 = arith.mulf %gather3A_1641, %mul3A_1643 : vector<16xf32>
        %add3A_1645 = arith.constant 352 : i32
        %add3A_1646 = vector.broadcast %add3A_1645 : i32 to vector<16xi32>
        %add3A_1647 = arith.addi %add3A_1646, %iota3A : vector<16xi32>
        %gather3A_1648 = tpu.vector_load_idx %arg6[%add3A_1647, %add3A_1599] : memref<512x64xf32, #tpu.memory_space<vmem>>[vector<16xi32>, vector<16xi32>], vector<16xf32>,
        %mul3A_1649 = arith.constant 8.000000e+00 : f32
        %mul3A_1650 = vector.broadcast %mul3A_1649 : f32 to vector<16xf32>
        %mul3A_1651 = arith.mulf %gather3A_1648, %mul3A_1650 : vector<16xf32>
        %add3A_1652 = arith.constant 368 : i32
        %add3A_1653 = vector.broadcast %add3A_1652 : i32 to vector<16xi32>
        %add3A_1654 = arith.addi %add3A_1653, %iota3A : vector<16xi32>
        %gather3A_1655 = tpu.vector_load_idx %arg6[%add3A_1654, %add3A_1599] : memref<512x64xf32, #tpu.memory_space<vmem>>[vector<16xi32>, vector<16xi32>], vector<16xf32>,
        %mul3A_1656 = arith.constant 8.000000e+00 : f32
        %mul3A_1657 = vector.broadcast %mul3A_1656 : f32 to vector<16xf32>
        %mul3A_1658 = arith.mulf %gather3A_1655, %mul3A_1657 : vector<16xf32>
        %add3A_1659 = arith.constant 384 : i32
        %add3A_1660 = vector.broadcast %add3A_1659 : i32 to vector<16xi32>
        %add3A_1661 = arith.addi %add3A_1660, %iota3A : vector<16xi32>
        %gather3A_1662 = tpu.vector_load_idx %arg6[%add3A_1661, %add3A_1599] : memref<512x64xf32, #tpu.memory_space<vmem>>[vector<16xi32>, vector<16xi32>], vector<16xf32>,
        %mul3A_1663 = arith.constant 8.000000e+00 : f32
        %mul3A_1664 = vector.broadcast %mul3A_1663 : f32 to vector<16xf32>
        %mul3A_1665 = arith.mulf %gather3A_1662, %mul3A_1664 : vector<16xf32>
        %add3A_1666 = arith.constant 400 : i32
        %add3A_1667 = vector.broadcast %add3A_1666 : i32 to vector<16xi32>
        %add3A_1668 = arith.addi %add3A_1667, %iota3A : vector<16xi32>
        %gather3A_1669 = tpu.vector_load_idx %arg6[%add3A_1668, %add3A_1599] : memref<512x64xf32, #tpu.memory_space<vmem>>[vector<16xi32>, vector<16xi32>], vector<16xf32>,
        %mul3A_1670 = arith.constant 8.000000e+00 : f32
        %mul3A_1671 = vector.broadcast %mul3A_1670 : f32 to vector<16xf32>
        %mul3A_1672 = arith.mulf %gather3A_1669, %mul3A_1671 : vector<16xf32>
        %add3A_1673 = arith.constant 416 : i32
        %add3A_1674 = vector.broadcast %add3A_1673 : i32 to vector<16xi32>
        %add3A_1675 = arith.addi %add3A_1674, %iota3A : vector<16xi32>
        %gather3A_1676 = tpu.vector_load_idx %arg6[%add3A_1675, %add3A_1599] : memref<512x64xf32, #tpu.memory_space<vmem>>[vector<16xi32>, vector<16xi32>], vector<16xf32>,
        %mul3A_1677 = arith.constant 8.000000e+00 : f32
        %mul3A_1678 = vector.broadcast %mul3A_1677 : f32 to vector<16xf32>
        %mul3A_1679 = arith.mulf %gather3A_1676, %mul3A_1678 : vector<16xf32>
        %add3A_1680 = arith.constant 432 : i32
        %add3A_1681 = vector.broadcast %add3A_1680 : i32 to vector<16xi32>
        %add3A_1682 = arith.addi %add3A_1681, %iota3A : vector<16xi32>
        %gather3A_1683 = tpu.vector_load_idx %arg6[%add3A_1682, %add3A_1599] : memref<512x64xf32, #tpu.memory_space<vmem>>[vector<16xi32>, vector<16xi32>], vector<16xf32>,
        %mul3A_1684 = arith.constant 8.000000e+00 : f32
        %mul3A_1685 = vector.broadcast %mul3A_1684 : f32 to vector<16xf32>
        %mul3A_1686 = arith.mulf %gather3A_1683, %mul3A_1685 : vector<16xf32>
        %add3A_1687 = arith.constant 448 : i32
        %add3A_1688 = vector.broadcast %add3A_1687 : i32 to vector<16xi32>
        %add3A_1689 = arith.addi %add3A_1688, %iota3A : vector<16xi32>
        %gather3A_1690 = tpu.vector_load_idx %arg6[%add3A_1689, %add3A_1599] : memref<512x64xf32, #tpu.memory_space<vmem>>[vector<16xi32>, vector<16xi32>], vector<16xf32>,
        %mul3A_1691 = arith.constant 8.000000e+00 : f32
        %mul3A_1692 = vector.broadcast %mul3A_1691 : f32 to vector<16xf32>
        %mul3A_1693 = arith.mulf %gather3A_1690, %mul3A_1692 : vector<16xf32>
        %add3A_1694 = arith.constant 464 : i32
        %add3A_1695 = vector.broadcast %add3A_1694 : i32 to vector<16xi32>
        %add3A_1696 = arith.addi %add3A_1695, %iota3A : vector<16xi32>
        %gather3A_1697 = tpu.vector_load_idx %arg6[%add3A_1696, %add3A_1599] : memref<512x64xf32, #tpu.memory_space<vmem>>[vector<16xi32>, vector<16xi32>], vector<16xf32>,
        %mul3A_1698 = arith.constant 8.000000e+00 : f32
        %mul3A_1699 = vector.broadcast %mul3A_1698 : f32 to vector<16xf32>
        %mul3A_1700 = arith.mulf %gather3A_1697, %mul3A_1699 : vector<16xf32>
        %add3A_1701 = arith.constant 480 : i32
        %add3A_1702 = vector.broadcast %add3A_1701 : i32 to vector<16xi32>
        %add3A_1703 = arith.addi %add3A_1702, %iota3A : vector<16xi32>
        %gather3A_1704 = tpu.vector_load_idx %arg6[%add3A_1703, %add3A_1599] : memref<512x64xf32, #tpu.memory_space<vmem>>[vector<16xi32>, vector<16xi32>], vector<16xf32>,
        %mul3A_1705 = arith.constant 8.000000e+00 : f32
        %mul3A_1706 = vector.broadcast %mul3A_1705 : f32 to vector<16xf32>
        %mul3A_1707 = arith.mulf %gather3A_1704, %mul3A_1706 : vector<16xf32>
        %add3A_1708 = arith.constant 496 : i32
        %add3A_1709 = vector.broadcast %add3A_1708 : i32 to vector<16xi32>
        %add3A_1710 = arith.addi %add3A_1709, %iota3A : vector<16xi32>
        %gather3A_1711 = tpu.vector_load_idx %arg6[%add3A_1710, %add3A_1599] : memref<512x64xf32, #tpu.memory_space<vmem>>[vector<16xi32>, vector<16xi32>], vector<16xf32>,
        %mul3A_1712 = arith.constant 8.000000e+00 : f32
        %mul3A_1713 = vector.broadcast %mul3A_1712 : f32 to vector<16xf32>
        %mul3A_1714 = arith.mulf %gather3A_1711, %mul3A_1713 : vector<16xf32>
        %broadcast_in_dim3A_1715 = arith.constant 2 : i32
        %broadcast_in_dim3A_1716 = vector.broadcast %broadcast_in_dim3A_1715 : i32 to vector<16xi32>
        %add3A_1717 = arith.constant 0 : i32
        %add3A_1718 = vector.broadcast %add3A_1717 : i32 to vector<16xi32>
        %add3A_1719 = arith.addi %add3A_410, %add3A_1718 : vector<16xi32>
        tpu.vector_store_idx %arg7[%add3A_1602, %broadcast_in_dim3A_1716, %add3A_1719], %mul3A_1609 : memref<8x4x1024xf32, #tpu.memory_space<vmem>>[vector<16xi32>, vector<16xi32>, vector<16xi32>], vector<16xf32>,
        %broadcast_in_dim3A_1720 = arith.constant 2 : i32
        %broadcast_in_dim3A_1721 = vector.broadcast %broadcast_in_dim3A_1720 : i32 to vector<16xi32>
        %add3A_1722 = arith.constant 16 : i32
        %add3A_1723 = vector.broadcast %add3A_1722 : i32 to vector<16xi32>
        %add3A_1724 = arith.addi %add3A_410, %add3A_1723 : vector<16xi32>
        tpu.vector_store_idx %arg7[%add3A_1602, %broadcast_in_dim3A_1721, %add3A_1724], %mul3A_1616 : memref<8x4x1024xf32, #tpu.memory_space<vmem>>[vector<16xi32>, vector<16xi32>, vector<16xi32>], vector<16xf32>,
        %broadcast_in_dim3A_1725 = arith.constant 2 : i32
        %broadcast_in_dim3A_1726 = vector.broadcast %broadcast_in_dim3A_1725 : i32 to vector<16xi32>
        %add3A_1727 = arith.constant 32 : i32
        %add3A_1728 = vector.broadcast %add3A_1727 : i32 to vector<16xi32>
        %add3A_1729 = arith.addi %add3A_410, %add3A_1728 : vector<16xi32>
        tpu.vector_store_idx %arg7[%add3A_1602, %broadcast_in_dim3A_1726, %add3A_1729], %mul3A_1623 : memref<8x4x1024xf32, #tpu.memory_space<vmem>>[vector<16xi32>, vector<16xi32>, vector<16xi32>], vector<16xf32>,
        %broadcast_in_dim3A_1730 = arith.constant 2 : i32
        %broadcast_in_dim3A_1731 = vector.broadcast %broadcast_in_dim3A_1730 : i32 to vector<16xi32>
        %add3A_1732 = arith.constant 48 : i32
        %add3A_1733 = vector.broadcast %add3A_1732 : i32 to vector<16xi32>
        %add3A_1734 = arith.addi %add3A_410, %add3A_1733 : vector<16xi32>
        tpu.vector_store_idx %arg7[%add3A_1602, %broadcast_in_dim3A_1731, %add3A_1734], %mul3A_1630 : memref<8x4x1024xf32, #tpu.memory_space<vmem>>[vector<16xi32>, vector<16xi32>, vector<16xi32>], vector<16xf32>,
        %broadcast_in_dim3A_1735 = arith.constant 2 : i32
        %broadcast_in_dim3A_1736 = vector.broadcast %broadcast_in_dim3A_1735 : i32 to vector<16xi32>
        %add3A_1737 = arith.constant 64 : i32
        %add3A_1738 = vector.broadcast %add3A_1737 : i32 to vector<16xi32>
        %add3A_1739 = arith.addi %add3A_410, %add3A_1738 : vector<16xi32>
        tpu.vector_store_idx %arg7[%add3A_1602, %broadcast_in_dim3A_1736, %add3A_1739], %mul3A_1637 : memref<8x4x1024xf32, #tpu.memory_space<vmem>>[vector<16xi32>, vector<16xi32>, vector<16xi32>], vector<16xf32>,
        %broadcast_in_dim3A_1740 = arith.constant 2 : i32
        %broadcast_in_dim3A_1741 = vector.broadcast %broadcast_in_dim3A_1740 : i32 to vector<16xi32>
        %add3A_1742 = arith.constant 80 : i32
        %add3A_1743 = vector.broadcast %add3A_1742 : i32 to vector<16xi32>
        %add3A_1744 = arith.addi %add3A_410, %add3A_1743 : vector<16xi32>
        tpu.vector_store_idx %arg7[%add3A_1602, %broadcast_in_dim3A_1741, %add3A_1744], %mul3A_1644 : memref<8x4x1024xf32, #tpu.memory_space<vmem>>[vector<16xi32>, vector<16xi32>, vector<16xi32>], vector<16xf32>,
        %broadcast_in_dim3A_1745 = arith.constant 2 : i32
        %broadcast_in_dim3A_1746 = vector.broadcast %broadcast_in_dim3A_1745 : i32 to vector<16xi32>
        %add3A_1747 = arith.constant 96 : i32
        %add3A_1748 = vector.broadcast %add3A_1747 : i32 to vector<16xi32>
        %add3A_1749 = arith.addi %add3A_410, %add3A_1748 : vector<16xi32>
        tpu.vector_store_idx %arg7[%add3A_1602, %broadcast_in_dim3A_1746, %add3A_1749], %mul3A_1651 : memref<8x4x1024xf32, #tpu.memory_space<vmem>>[vector<16xi32>, vector<16xi32>, vector<16xi32>], vector<16xf32>,
        %broadcast_in_dim3A_1750 = arith.constant 2 : i32
        %broadcast_in_dim3A_1751 = vector.broadcast %broadcast_in_dim3A_1750 : i32 to vector<16xi32>
        %add3A_1752 = arith.constant 112 : i32
        %add3A_1753 = vector.broadcast %add3A_1752 : i32 to vector<16xi32>
        %add3A_1754 = arith.addi %add3A_410, %add3A_1753 : vector<16xi32>
        tpu.vector_store_idx %arg7[%add3A_1602, %broadcast_in_dim3A_1751, %add3A_1754], %mul3A_1658 : memref<8x4x1024xf32, #tpu.memory_space<vmem>>[vector<16xi32>, vector<16xi32>, vector<16xi32>], vector<16xf32>,
        %broadcast_in_dim3A_1755 = arith.constant 3 : i32
        %broadcast_in_dim3A_1756 = vector.broadcast %broadcast_in_dim3A_1755 : i32 to vector<16xi32>
        %add3A_1757 = arith.constant 0 : i32
        %add3A_1758 = vector.broadcast %add3A_1757 : i32 to vector<16xi32>
        %add3A_1759 = arith.addi %add3A_410, %add3A_1758 : vector<16xi32>
        tpu.vector_store_idx %arg7[%add3A_1602, %broadcast_in_dim3A_1756, %add3A_1759], %mul3A_1665 : memref<8x4x1024xf32, #tpu.memory_space<vmem>>[vector<16xi32>, vector<16xi32>, vector<16xi32>], vector<16xf32>,
        %broadcast_in_dim3A_1760 = arith.constant 3 : i32
        %broadcast_in_dim3A_1761 = vector.broadcast %broadcast_in_dim3A_1760 : i32 to vector<16xi32>
        %add3A_1762 = arith.constant 16 : i32
        %add3A_1763 = vector.broadcast %add3A_1762 : i32 to vector<16xi32>
        %add3A_1764 = arith.addi %add3A_410, %add3A_1763 : vector<16xi32>
        tpu.vector_store_idx %arg7[%add3A_1602, %broadcast_in_dim3A_1761, %add3A_1764], %mul3A_1672 : memref<8x4x1024xf32, #tpu.memory_space<vmem>>[vector<16xi32>, vector<16xi32>, vector<16xi32>], vector<16xf32>,
        %broadcast_in_dim3A_1765 = arith.constant 3 : i32
        %broadcast_in_dim3A_1766 = vector.broadcast %broadcast_in_dim3A_1765 : i32 to vector<16xi32>
        %add3A_1767 = arith.constant 32 : i32
        %add3A_1768 = vector.broadcast %add3A_1767 : i32 to vector<16xi32>
        %add3A_1769 = arith.addi %add3A_410, %add3A_1768 : vector<16xi32>
        tpu.vector_store_idx %arg7[%add3A_1602, %broadcast_in_dim3A_1766, %add3A_1769], %mul3A_1679 : memref<8x4x1024xf32, #tpu.memory_space<vmem>>[vector<16xi32>, vector<16xi32>, vector<16xi32>], vector<16xf32>,
        %broadcast_in_dim3A_1770 = arith.constant 3 : i32
        %broadcast_in_dim3A_1771 = vector.broadcast %broadcast_in_dim3A_1770 : i32 to vector<16xi32>
        %add3A_1772 = arith.constant 48 : i32
        %add3A_1773 = vector.broadcast %add3A_1772 : i32 to vector<16xi32>
        %add3A_1774 = arith.addi %add3A_410, %add3A_1773 : vector<16xi32>
        tpu.vector_store_idx %arg7[%add3A_1602, %broadcast_in_dim3A_1771, %add3A_1774], %mul3A_1686 : memref<8x4x1024xf32, #tpu.memory_space<vmem>>[vector<16xi32>, vector<16xi32>, vector<16xi32>], vector<16xf32>,
        %broadcast_in_dim3A_1775 = arith.constant 3 : i32
        %broadcast_in_dim3A_1776 = vector.broadcast %broadcast_in_dim3A_1775 : i32 to vector<16xi32>
        %add3A_1777 = arith.constant 64 : i32
        %add3A_1778 = vector.broadcast %add3A_1777 : i32 to vector<16xi32>
        %add3A_1779 = arith.addi %add3A_410, %add3A_1778 : vector<16xi32>
        tpu.vector_store_idx %arg7[%add3A_1602, %broadcast_in_dim3A_1776, %add3A_1779], %mul3A_1693 : memref<8x4x1024xf32, #tpu.memory_space<vmem>>[vector<16xi32>, vector<16xi32>, vector<16xi32>], vector<16xf32>,
        %broadcast_in_dim3A_1780 = arith.constant 3 : i32
        %broadcast_in_dim3A_1781 = vector.broadcast %broadcast_in_dim3A_1780 : i32 to vector<16xi32>
        %add3A_1782 = arith.constant 80 : i32
        %add3A_1783 = vector.broadcast %add3A_1782 : i32 to vector<16xi32>
        %add3A_1784 = arith.addi %add3A_410, %add3A_1783 : vector<16xi32>
        tpu.vector_store_idx %arg7[%add3A_1602, %broadcast_in_dim3A_1781, %add3A_1784], %mul3A_1700 : memref<8x4x1024xf32, #tpu.memory_space<vmem>>[vector<16xi32>, vector<16xi32>, vector<16xi32>], vector<16xf32>,
        %broadcast_in_dim3A_1785 = arith.constant 3 : i32
        %broadcast_in_dim3A_1786 = vector.broadcast %broadcast_in_dim3A_1785 : i32 to vector<16xi32>
        %add3A_1787 = arith.constant 96 : i32
        %add3A_1788 = vector.broadcast %add3A_1787 : i32 to vector<16xi32>
        %add3A_1789 = arith.addi %add3A_410, %add3A_1788 : vector<16xi32>
        tpu.vector_store_idx %arg7[%add3A_1602, %broadcast_in_dim3A_1786, %add3A_1789], %mul3A_1707 : memref<8x4x1024xf32, #tpu.memory_space<vmem>>[vector<16xi32>, vector<16xi32>, vector<16xi32>], vector<16xf32>,
        %broadcast_in_dim3A_1790 = arith.constant 3 : i32
        %broadcast_in_dim3A_1791 = vector.broadcast %broadcast_in_dim3A_1790 : i32 to vector<16xi32>
        %add3A_1792 = arith.constant 112 : i32
        %add3A_1793 = vector.broadcast %add3A_1792 : i32 to vector<16xi32>
        %add3A_1794 = arith.addi %add3A_410, %add3A_1793 : vector<16xi32>
        tpu.vector_store_idx %arg7[%add3A_1602, %broadcast_in_dim3A_1791, %add3A_1794], %mul3A_1714 : memref<8x4x1024xf32, #tpu.memory_space<vmem>>[vector<16xi32>, vector<16xi32>, vector<16xi32>], vector<16xf32>,
        %add3A_1795 = arith.constant 48 : i32
        %add3A_1796 = vector.broadcast %add3A_1795 : i32 to vector<16xi32>
        %add3A_1797 = arith.addi %and3A_401, %add3A_1796 : vector<16xi32>
        %add3A_1798 = arith.constant 6 : i32
        %add3A_1799 = vector.broadcast %add3A_1798 : i32 to vector<16xi32>
        %add3A_1800 = arith.addi %shift_right_arithmetic3A_404, %add3A_1799 : vector<16xi32>
        %add3A_1801 = arith.constant 256 : i32
        %add3A_1802 = vector.broadcast %add3A_1801 : i32 to vector<16xi32>
        %add3A_1803 = arith.addi %add3A_1802, %iota3A : vector<16xi32>
        %gather3A_1804 = tpu.vector_load_idx %arg6[%add3A_1803, %add3A_1797] : memref<512x64xf32, #tpu.memory_space<vmem>>[vector<16xi32>, vector<16xi32>], vector<16xf32>,
        %mul3A_1805 = arith.constant 8.000000e+00 : f32
        %mul3A_1806 = vector.broadcast %mul3A_1805 : f32 to vector<16xf32>
        %mul3A_1807 = arith.mulf %gather3A_1804, %mul3A_1806 : vector<16xf32>
        %add3A_1808 = arith.constant 272 : i32
        %add3A_1809 = vector.broadcast %add3A_1808 : i32 to vector<16xi32>
        %add3A_1810 = arith.addi %add3A_1809, %iota3A : vector<16xi32>
        %gather3A_1811 = tpu.vector_load_idx %arg6[%add3A_1810, %add3A_1797] : memref<512x64xf32, #tpu.memory_space<vmem>>[vector<16xi32>, vector<16xi32>], vector<16xf32>,
        %mul3A_1812 = arith.constant 8.000000e+00 : f32
        %mul3A_1813 = vector.broadcast %mul3A_1812 : f32 to vector<16xf32>
        %mul3A_1814 = arith.mulf %gather3A_1811, %mul3A_1813 : vector<16xf32>
        %add3A_1815 = arith.constant 288 : i32
        %add3A_1816 = vector.broadcast %add3A_1815 : i32 to vector<16xi32>
        %add3A_1817 = arith.addi %add3A_1816, %iota3A : vector<16xi32>
        %gather3A_1818 = tpu.vector_load_idx %arg6[%add3A_1817, %add3A_1797] : memref<512x64xf32, #tpu.memory_space<vmem>>[vector<16xi32>, vector<16xi32>], vector<16xf32>,
        %mul3A_1819 = arith.constant 8.000000e+00 : f32
        %mul3A_1820 = vector.broadcast %mul3A_1819 : f32 to vector<16xf32>
        %mul3A_1821 = arith.mulf %gather3A_1818, %mul3A_1820 : vector<16xf32>
        %add3A_1822 = arith.constant 304 : i32
        %add3A_1823 = vector.broadcast %add3A_1822 : i32 to vector<16xi32>
        %add3A_1824 = arith.addi %add3A_1823, %iota3A : vector<16xi32>
        %gather3A_1825 = tpu.vector_load_idx %arg6[%add3A_1824, %add3A_1797] : memref<512x64xf32, #tpu.memory_space<vmem>>[vector<16xi32>, vector<16xi32>], vector<16xf32>,
        %mul3A_1826 = arith.constant 8.000000e+00 : f32
        %mul3A_1827 = vector.broadcast %mul3A_1826 : f32 to vector<16xf32>
        %mul3A_1828 = arith.mulf %gather3A_1825, %mul3A_1827 : vector<16xf32>
        %add3A_1829 = arith.constant 320 : i32
        %add3A_1830 = vector.broadcast %add3A_1829 : i32 to vector<16xi32>
        %add3A_1831 = arith.addi %add3A_1830, %iota3A : vector<16xi32>
        %gather3A_1832 = tpu.vector_load_idx %arg6[%add3A_1831, %add3A_1797] : memref<512x64xf32, #tpu.memory_space<vmem>>[vector<16xi32>, vector<16xi32>], vector<16xf32>,
        %mul3A_1833 = arith.constant 8.000000e+00 : f32
        %mul3A_1834 = vector.broadcast %mul3A_1833 : f32 to vector<16xf32>
        %mul3A_1835 = arith.mulf %gather3A_1832, %mul3A_1834 : vector<16xf32>
        %add3A_1836 = arith.constant 336 : i32
        %add3A_1837 = vector.broadcast %add3A_1836 : i32 to vector<16xi32>
        %add3A_1838 = arith.addi %add3A_1837, %iota3A : vector<16xi32>
        %gather3A_1839 = tpu.vector_load_idx %arg6[%add3A_1838, %add3A_1797] : memref<512x64xf32, #tpu.memory_space<vmem>>[vector<16xi32>, vector<16xi32>], vector<16xf32>,
        %mul3A_1840 = arith.constant 8.000000e+00 : f32
        %mul3A_1841 = vector.broadcast %mul3A_1840 : f32 to vector<16xf32>
        %mul3A_1842 = arith.mulf %gather3A_1839, %mul3A_1841 : vector<16xf32>
        %add3A_1843 = arith.constant 352 : i32
        %add3A_1844 = vector.broadcast %add3A_1843 : i32 to vector<16xi32>
        %add3A_1845 = arith.addi %add3A_1844, %iota3A : vector<16xi32>
        %gather3A_1846 = tpu.vector_load_idx %arg6[%add3A_1845, %add3A_1797] : memref<512x64xf32, #tpu.memory_space<vmem>>[vector<16xi32>, vector<16xi32>], vector<16xf32>,
        %mul3A_1847 = arith.constant 8.000000e+00 : f32
        %mul3A_1848 = vector.broadcast %mul3A_1847 : f32 to vector<16xf32>
        %mul3A_1849 = arith.mulf %gather3A_1846, %mul3A_1848 : vector<16xf32>
        %add3A_1850 = arith.constant 368 : i32
        %add3A_1851 = vector.broadcast %add3A_1850 : i32 to vector<16xi32>
        %add3A_1852 = arith.addi %add3A_1851, %iota3A : vector<16xi32>
        %gather3A_1853 = tpu.vector_load_idx %arg6[%add3A_1852, %add3A_1797] : memref<512x64xf32, #tpu.memory_space<vmem>>[vector<16xi32>, vector<16xi32>], vector<16xf32>,
        %mul3A_1854 = arith.constant 8.000000e+00 : f32
        %mul3A_1855 = vector.broadcast %mul3A_1854 : f32 to vector<16xf32>
        %mul3A_1856 = arith.mulf %gather3A_1853, %mul3A_1855 : vector<16xf32>
        %add3A_1857 = arith.constant 384 : i32
        %add3A_1858 = vector.broadcast %add3A_1857 : i32 to vector<16xi32>
        %add3A_1859 = arith.addi %add3A_1858, %iota3A : vector<16xi32>
        %gather3A_1860 = tpu.vector_load_idx %arg6[%add3A_1859, %add3A_1797] : memref<512x64xf32, #tpu.memory_space<vmem>>[vector<16xi32>, vector<16xi32>], vector<16xf32>,
        %mul3A_1861 = arith.constant 8.000000e+00 : f32
        %mul3A_1862 = vector.broadcast %mul3A_1861 : f32 to vector<16xf32>
        %mul3A_1863 = arith.mulf %gather3A_1860, %mul3A_1862 : vector<16xf32>
        %add3A_1864 = arith.constant 400 : i32
        %add3A_1865 = vector.broadcast %add3A_1864 : i32 to vector<16xi32>
        %add3A_1866 = arith.addi %add3A_1865, %iota3A : vector<16xi32>
        %gather3A_1867 = tpu.vector_load_idx %arg6[%add3A_1866, %add3A_1797] : memref<512x64xf32, #tpu.memory_space<vmem>>[vector<16xi32>, vector<16xi32>], vector<16xf32>,
        %mul3A_1868 = arith.constant 8.000000e+00 : f32
        %mul3A_1869 = vector.broadcast %mul3A_1868 : f32 to vector<16xf32>
        %mul3A_1870 = arith.mulf %gather3A_1867, %mul3A_1869 : vector<16xf32>
        %add3A_1871 = arith.constant 416 : i32
        %add3A_1872 = vector.broadcast %add3A_1871 : i32 to vector<16xi32>
        %add3A_1873 = arith.addi %add3A_1872, %iota3A : vector<16xi32>
        %gather3A_1874 = tpu.vector_load_idx %arg6[%add3A_1873, %add3A_1797] : memref<512x64xf32, #tpu.memory_space<vmem>>[vector<16xi32>, vector<16xi32>], vector<16xf32>,
        %mul3A_1875 = arith.constant 8.000000e+00 : f32
        %mul3A_1876 = vector.broadcast %mul3A_1875 : f32 to vector<16xf32>
        %mul3A_1877 = arith.mulf %gather3A_1874, %mul3A_1876 : vector<16xf32>
        %add3A_1878 = arith.constant 432 : i32
        %add3A_1879 = vector.broadcast %add3A_1878 : i32 to vector<16xi32>
        %add3A_1880 = arith.addi %add3A_1879, %iota3A : vector<16xi32>
        %gather3A_1881 = tpu.vector_load_idx %arg6[%add3A_1880, %add3A_1797] : memref<512x64xf32, #tpu.memory_space<vmem>>[vector<16xi32>, vector<16xi32>], vector<16xf32>,
        %mul3A_1882 = arith.constant 8.000000e+00 : f32
        %mul3A_1883 = vector.broadcast %mul3A_1882 : f32 to vector<16xf32>
        %mul3A_1884 = arith.mulf %gather3A_1881, %mul3A_1883 : vector<16xf32>
        %add3A_1885 = arith.constant 448 : i32
        %add3A_1886 = vector.broadcast %add3A_1885 : i32 to vector<16xi32>
        %add3A_1887 = arith.addi %add3A_1886, %iota3A : vector<16xi32>
        %gather3A_1888 = tpu.vector_load_idx %arg6[%add3A_1887, %add3A_1797] : memref<512x64xf32, #tpu.memory_space<vmem>>[vector<16xi32>, vector<16xi32>], vector<16xf32>,
        %mul3A_1889 = arith.constant 8.000000e+00 : f32
        %mul3A_1890 = vector.broadcast %mul3A_1889 : f32 to vector<16xf32>
        %mul3A_1891 = arith.mulf %gather3A_1888, %mul3A_1890 : vector<16xf32>
        %add3A_1892 = arith.constant 464 : i32
        %add3A_1893 = vector.broadcast %add3A_1892 : i32 to vector<16xi32>
        %add3A_1894 = arith.addi %add3A_1893, %iota3A : vector<16xi32>
        %gather3A_1895 = tpu.vector_load_idx %arg6[%add3A_1894, %add3A_1797] : memref<512x64xf32, #tpu.memory_space<vmem>>[vector<16xi32>, vector<16xi32>], vector<16xf32>,
        %mul3A_1896 = arith.constant 8.000000e+00 : f32
        %mul3A_1897 = vector.broadcast %mul3A_1896 : f32 to vector<16xf32>
        %mul3A_1898 = arith.mulf %gather3A_1895, %mul3A_1897 : vector<16xf32>
        %add3A_1899 = arith.constant 480 : i32
        %add3A_1900 = vector.broadcast %add3A_1899 : i32 to vector<16xi32>
        %add3A_1901 = arith.addi %add3A_1900, %iota3A : vector<16xi32>
        %gather3A_1902 = tpu.vector_load_idx %arg6[%add3A_1901, %add3A_1797] : memref<512x64xf32, #tpu.memory_space<vmem>>[vector<16xi32>, vector<16xi32>], vector<16xf32>,
        %mul3A_1903 = arith.constant 8.000000e+00 : f32
        %mul3A_1904 = vector.broadcast %mul3A_1903 : f32 to vector<16xf32>
        %mul3A_1905 = arith.mulf %gather3A_1902, %mul3A_1904 : vector<16xf32>
        %add3A_1906 = arith.constant 496 : i32
        %add3A_1907 = vector.broadcast %add3A_1906 : i32 to vector<16xi32>
        %add3A_1908 = arith.addi %add3A_1907, %iota3A : vector<16xi32>
        %gather3A_1909 = tpu.vector_load_idx %arg6[%add3A_1908, %add3A_1797] : memref<512x64xf32, #tpu.memory_space<vmem>>[vector<16xi32>, vector<16xi32>], vector<16xf32>,
        %mul3A_1910 = arith.constant 8.000000e+00 : f32
        %mul3A_1911 = vector.broadcast %mul3A_1910 : f32 to vector<16xf32>
        %mul3A_1912 = arith.mulf %gather3A_1909, %mul3A_1911 : vector<16xf32>
        %broadcast_in_dim3A_1913 = arith.constant 2 : i32
        %broadcast_in_dim3A_1914 = vector.broadcast %broadcast_in_dim3A_1913 : i32 to vector<16xi32>
        %add3A_1915 = arith.constant 0 : i32
        %add3A_1916 = vector.broadcast %add3A_1915 : i32 to vector<16xi32>
        %add3A_1917 = arith.addi %add3A_410, %add3A_1916 : vector<16xi32>
        tpu.vector_store_idx %arg7[%add3A_1800, %broadcast_in_dim3A_1914, %add3A_1917], %mul3A_1807 : memref<8x4x1024xf32, #tpu.memory_space<vmem>>[vector<16xi32>, vector<16xi32>, vector<16xi32>], vector<16xf32>,
        %broadcast_in_dim3A_1918 = arith.constant 2 : i32
        %broadcast_in_dim3A_1919 = vector.broadcast %broadcast_in_dim3A_1918 : i32 to vector<16xi32>
        %add3A_1920 = arith.constant 16 : i32
        %add3A_1921 = vector.broadcast %add3A_1920 : i32 to vector<16xi32>
        %add3A_1922 = arith.addi %add3A_410, %add3A_1921 : vector<16xi32>
        tpu.vector_store_idx %arg7[%add3A_1800, %broadcast_in_dim3A_1919, %add3A_1922], %mul3A_1814 : memref<8x4x1024xf32, #tpu.memory_space<vmem>>[vector<16xi32>, vector<16xi32>, vector<16xi32>], vector<16xf32>,
        %broadcast_in_dim3A_1923 = arith.constant 2 : i32
        %broadcast_in_dim3A_1924 = vector.broadcast %broadcast_in_dim3A_1923 : i32 to vector<16xi32>
        %add3A_1925 = arith.constant 32 : i32
        %add3A_1926 = vector.broadcast %add3A_1925 : i32 to vector<16xi32>
        %add3A_1927 = arith.addi %add3A_410, %add3A_1926 : vector<16xi32>
        tpu.vector_store_idx %arg7[%add3A_1800, %broadcast_in_dim3A_1924, %add3A_1927], %mul3A_1821 : memref<8x4x1024xf32, #tpu.memory_space<vmem>>[vector<16xi32>, vector<16xi32>, vector<16xi32>], vector<16xf32>,
        %broadcast_in_dim3A_1928 = arith.constant 2 : i32
        %broadcast_in_dim3A_1929 = vector.broadcast %broadcast_in_dim3A_1928 : i32 to vector<16xi32>
        %add3A_1930 = arith.constant 48 : i32
        %add3A_1931 = vector.broadcast %add3A_1930 : i32 to vector<16xi32>
        %add3A_1932 = arith.addi %add3A_410, %add3A_1931 : vector<16xi32>
        tpu.vector_store_idx %arg7[%add3A_1800, %broadcast_in_dim3A_1929, %add3A_1932], %mul3A_1828 : memref<8x4x1024xf32, #tpu.memory_space<vmem>>[vector<16xi32>, vector<16xi32>, vector<16xi32>], vector<16xf32>,
        %broadcast_in_dim3A_1933 = arith.constant 2 : i32
        %broadcast_in_dim3A_1934 = vector.broadcast %broadcast_in_dim3A_1933 : i32 to vector<16xi32>
        %add3A_1935 = arith.constant 64 : i32
        %add3A_1936 = vector.broadcast %add3A_1935 : i32 to vector<16xi32>
        %add3A_1937 = arith.addi %add3A_410, %add3A_1936 : vector<16xi32>
        tpu.vector_store_idx %arg7[%add3A_1800, %broadcast_in_dim3A_1934, %add3A_1937], %mul3A_1835 : memref<8x4x1024xf32, #tpu.memory_space<vmem>>[vector<16xi32>, vector<16xi32>, vector<16xi32>], vector<16xf32>,
        %broadcast_in_dim3A_1938 = arith.constant 2 : i32
        %broadcast_in_dim3A_1939 = vector.broadcast %broadcast_in_dim3A_1938 : i32 to vector<16xi32>
        %add3A_1940 = arith.constant 80 : i32
        %add3A_1941 = vector.broadcast %add3A_1940 : i32 to vector<16xi32>
        %add3A_1942 = arith.addi %add3A_410, %add3A_1941 : vector<16xi32>
        tpu.vector_store_idx %arg7[%add3A_1800, %broadcast_in_dim3A_1939, %add3A_1942], %mul3A_1842 : memref<8x4x1024xf32, #tpu.memory_space<vmem>>[vector<16xi32>, vector<16xi32>, vector<16xi32>], vector<16xf32>,
        %broadcast_in_dim3A_1943 = arith.constant 2 : i32
        %broadcast_in_dim3A_1944 = vector.broadcast %broadcast_in_dim3A_1943 : i32 to vector<16xi32>
        %add3A_1945 = arith.constant 96 : i32
        %add3A_1946 = vector.broadcast %add3A_1945 : i32 to vector<16xi32>
        %add3A_1947 = arith.addi %add3A_410, %add3A_1946 : vector<16xi32>
        tpu.vector_store_idx %arg7[%add3A_1800, %broadcast_in_dim3A_1944, %add3A_1947], %mul3A_1849 : memref<8x4x1024xf32, #tpu.memory_space<vmem>>[vector<16xi32>, vector<16xi32>, vector<16xi32>], vector<16xf32>,
        %broadcast_in_dim3A_1948 = arith.constant 2 : i32
        %broadcast_in_dim3A_1949 = vector.broadcast %broadcast_in_dim3A_1948 : i32 to vector<16xi32>
        %add3A_1950 = arith.constant 112 : i32
        %add3A_1951 = vector.broadcast %add3A_1950 : i32 to vector<16xi32>
        %add3A_1952 = arith.addi %add3A_410, %add3A_1951 : vector<16xi32>
        tpu.vector_store_idx %arg7[%add3A_1800, %broadcast_in_dim3A_1949, %add3A_1952], %mul3A_1856 : memref<8x4x1024xf32, #tpu.memory_space<vmem>>[vector<16xi32>, vector<16xi32>, vector<16xi32>], vector<16xf32>,
        %broadcast_in_dim3A_1953 = arith.constant 3 : i32
        %broadcast_in_dim3A_1954 = vector.broadcast %broadcast_in_dim3A_1953 : i32 to vector<16xi32>
        %add3A_1955 = arith.constant 0 : i32
        %add3A_1956 = vector.broadcast %add3A_1955 : i32 to vector<16xi32>
        %add3A_1957 = arith.addi %add3A_410, %add3A_1956 : vector<16xi32>
        tpu.vector_store_idx %arg7[%add3A_1800, %broadcast_in_dim3A_1954, %add3A_1957], %mul3A_1863 : memref<8x4x1024xf32, #tpu.memory_space<vmem>>[vector<16xi32>, vector<16xi32>, vector<16xi32>], vector<16xf32>,
        %broadcast_in_dim3A_1958 = arith.constant 3 : i32
        %broadcast_in_dim3A_1959 = vector.broadcast %broadcast_in_dim3A_1958 : i32 to vector<16xi32>
        %add3A_1960 = arith.constant 16 : i32
        %add3A_1961 = vector.broadcast %add3A_1960 : i32 to vector<16xi32>
        %add3A_1962 = arith.addi %add3A_410, %add3A_1961 : vector<16xi32>
        tpu.vector_store_idx %arg7[%add3A_1800, %broadcast_in_dim3A_1959, %add3A_1962], %mul3A_1870 : memref<8x4x1024xf32, #tpu.memory_space<vmem>>[vector<16xi32>, vector<16xi32>, vector<16xi32>], vector<16xf32>,
        %broadcast_in_dim3A_1963 = arith.constant 3 : i32
        %broadcast_in_dim3A_1964 = vector.broadcast %broadcast_in_dim3A_1963 : i32 to vector<16xi32>
        %add3A_1965 = arith.constant 32 : i32
        %add3A_1966 = vector.broadcast %add3A_1965 : i32 to vector<16xi32>
        %add3A_1967 = arith.addi %add3A_410, %add3A_1966 : vector<16xi32>
        tpu.vector_store_idx %arg7[%add3A_1800, %broadcast_in_dim3A_1964, %add3A_1967], %mul3A_1877 : memref<8x4x1024xf32, #tpu.memory_space<vmem>>[vector<16xi32>, vector<16xi32>, vector<16xi32>], vector<16xf32>,
        %broadcast_in_dim3A_1968 = arith.constant 3 : i32
        %broadcast_in_dim3A_1969 = vector.broadcast %broadcast_in_dim3A_1968 : i32 to vector<16xi32>
        %add3A_1970 = arith.constant 48 : i32
        %add3A_1971 = vector.broadcast %add3A_1970 : i32 to vector<16xi32>
        %add3A_1972 = arith.addi %add3A_410, %add3A_1971 : vector<16xi32>
        tpu.vector_store_idx %arg7[%add3A_1800, %broadcast_in_dim3A_1969, %add3A_1972], %mul3A_1884 : memref<8x4x1024xf32, #tpu.memory_space<vmem>>[vector<16xi32>, vector<16xi32>, vector<16xi32>], vector<16xf32>,
        %broadcast_in_dim3A_1973 = arith.constant 3 : i32
        %broadcast_in_dim3A_1974 = vector.broadcast %broadcast_in_dim3A_1973 : i32 to vector<16xi32>
        %add3A_1975 = arith.constant 64 : i32
        %add3A_1976 = vector.broadcast %add3A_1975 : i32 to vector<16xi32>
        %add3A_1977 = arith.addi %add3A_410, %add3A_1976 : vector<16xi32>
        tpu.vector_store_idx %arg7[%add3A_1800, %broadcast_in_dim3A_1974, %add3A_1977], %mul3A_1891 : memref<8x4x1024xf32, #tpu.memory_space<vmem>>[vector<16xi32>, vector<16xi32>, vector<16xi32>], vector<16xf32>,
        %broadcast_in_dim3A_1978 = arith.constant 3 : i32
        %broadcast_in_dim3A_1979 = vector.broadcast %broadcast_in_dim3A_1978 : i32 to vector<16xi32>
        %add3A_1980 = arith.constant 80 : i32
        %add3A_1981 = vector.broadcast %add3A_1980 : i32 to vector<16xi32>
        %add3A_1982 = arith.addi %add3A_410, %add3A_1981 : vector<16xi32>
        tpu.vector_store_idx %arg7[%add3A_1800, %broadcast_in_dim3A_1979, %add3A_1982], %mul3A_1898 : memref<8x4x1024xf32, #tpu.memory_space<vmem>>[vector<16xi32>, vector<16xi32>, vector<16xi32>], vector<16xf32>,
        %broadcast_in_dim3A_1983 = arith.constant 3 : i32
        %broadcast_in_dim3A_1984 = vector.broadcast %broadcast_in_dim3A_1983 : i32 to vector<16xi32>
        %add3A_1985 = arith.constant 96 : i32
        %add3A_1986 = vector.broadcast %add3A_1985 : i32 to vector<16xi32>
        %add3A_1987 = arith.addi %add3A_410, %add3A_1986 : vector<16xi32>
        tpu.vector_store_idx %arg7[%add3A_1800, %broadcast_in_dim3A_1984, %add3A_1987], %mul3A_1905 : memref<8x4x1024xf32, #tpu.memory_space<vmem>>[vector<16xi32>, vector<16xi32>, vector<16xi32>], vector<16xf32>,
        %broadcast_in_dim3A_1988 = arith.constant 3 : i32
        %broadcast_in_dim3A_1989 = vector.broadcast %broadcast_in_dim3A_1988 : i32 to vector<16xi32>
        %add3A_1990 = arith.constant 112 : i32
        %add3A_1991 = vector.broadcast %add3A_1990 : i32 to vector<16xi32>
        %add3A_1992 = arith.addi %add3A_410, %add3A_1991 : vector<16xi32>
        tpu.vector_store_idx %arg7[%add3A_1800, %broadcast_in_dim3A_1989, %add3A_1992], %mul3A_1912 : memref<8x4x1024xf32, #tpu.memory_space<vmem>>[vector<16xi32>, vector<16xi32>, vector<16xi32>], vector<16xf32>,
        %scan3A_1993 = arith.constant 0 : i32
        scf.yield %scan3A_1993 : i32
      }
      %scan3A_121 = arith.constant 16 : i32
      %mul3A_122 = arith.constant 4 : i32
      %mul3A_123 = arith.muli %rem3A_29, %mul3A_122 : i32
      %dma_start3A_124 = arith.constant 0 : i32
      %dma_start3A_125 = arith.constant 0 : i32
      %dma_start3A_126 = arith.constant 0 : i32
      %dma_start3A_127 = arith.constant 0 : i32
      %dma_start3A_128 = tpu.memref_slice %arg7[%dma_start3A_124, %dma_start3A_126, %dma_start3A_127] : memref<8x4x1024xf32, #tpu.memory_space<vmem>> -> memref<1x4x1024xf32, #tpu.memory_space<vmem>>
      %dma_start3A_129 = tpu.memref_squeeze %dma_start3A_128 : memref<1x4x1024xf32, #tpu.memory_space<vmem>> -> memref<4x1024xf32, #tpu.memory_space<vmem>>
      %dma_start3A_130 = arith.constant 0 : i32
      %dma_start3A_131 = tpu.memref_slice %arg4[%select_n3A, %dma_start3A_125, %mul3A_123, %dma_start3A_130] : memref<200x8x32x1024xf32, #tpu.memory_space<hbm>> -> memref<1x1x4x1024xf32, #tpu.memory_space<hbm>>
      %dma_start3A_132 = tpu.memref_squeeze %dma_start3A_131 : memref<1x1x4x1024xf32, #tpu.memory_space<hbm>> -> memref<4x1024xf32, #tpu.memory_space<hbm>>
      %dma_start3A_133 = arith.constant 0 : i32
      %dma_start3A_134 = tpu.memref_slice %arg4[%select_n3A, %dma_start3A_125, %mul3A_123, %dma_start3A_133] : memref<200x8x32x1024xf32, #tpu.memory_space<hbm>> -> memref<1x1x4x1024xf32, #tpu.memory_space<hbm>>
      %dma_start3A_135 = tpu.memref_squeeze %dma_start3A_134 : memref<1x1x4x1024xf32, #tpu.memory_space<hbm>> -> memref<4x1024xf32, #tpu.memory_space<hbm>>
      %dma_start3A_136 = arith.constant 0 : i32
      %dma_start3A_137 = arith.constant 0 : i32
      %dma_start3A_138 = tpu.memref_slice %arg7[%dma_start3A_124, %dma_start3A_136, %dma_start3A_137] : memref<8x4x1024xf32, #tpu.memory_space<vmem>> -> memref<1x4x1024xf32, #tpu.memory_space<vmem>>
      %dma_start3A_139 = tpu.memref_squeeze %dma_start3A_138 : memref<1x4x1024xf32, #tpu.memory_space<vmem>> -> memref<4x1024xf32, #tpu.memory_space<vmem>>
      tpu.enqueue_dma source(%dma_start3A_139 : memref<4x1024xf32, #tpu.memory_space<vmem>>) target(%dma_start3A_135 : memref<4x1024xf32, #tpu.memory_space<hbm>>) target_semaphore(%arg9 : memref<!tpu.dma_semaphore, #tpu.memory_space<semaphore_mem>>)
      %mul3A_140 = arith.constant 4 : i32
      %mul3A_141 = arith.muli %rem3A_29, %mul3A_140 : i32
      %dma_start3A_142 = arith.constant 1 : i32
      %dma_start3A_143 = arith.constant 1 : i32
      %dma_start3A_144 = arith.constant 0 : i32
      %dma_start3A_145 = arith.constant 0 : i32
      %dma_start3A_146 = tpu.memref_slice %arg7[%dma_start3A_142, %dma_start3A_144, %dma_start3A_145] : memref<8x4x1024xf32, #tpu.memory_space<vmem>> -> memref<1x4x1024xf32, #tpu.memory_space<vmem>>
      %dma_start3A_147 = tpu.memref_squeeze %dma_start3A_146 : memref<1x4x1024xf32, #tpu.memory_space<vmem>> -> memref<4x1024xf32, #tpu.memory_space<vmem>>
      %dma_start3A_148 = arith.constant 0 : i32
      %dma_start3A_149 = tpu.memref_slice %arg4[%select_n3A, %dma_start3A_143, %mul3A_141, %dma_start3A_148] : memref<200x8x32x1024xf32, #tpu.memory_space<hbm>> -> memref<1x1x4x1024xf32, #tpu.memory_space<hbm>>
      %dma_start3A_150 = tpu.memref_squeeze %dma_start3A_149 : memref<1x1x4x1024xf32, #tpu.memory_space<hbm>> -> memref<4x1024xf32, #tpu.memory_space<hbm>>
      %dma_start3A_151 = arith.constant 0 : i32
      %dma_start3A_152 = tpu.memref_slice %arg4[%select_n3A, %dma_start3A_143, %mul3A_141, %dma_start3A_151] : memref<200x8x32x1024xf32, #tpu.memory_space<hbm>> -> memref<1x1x4x1024xf32, #tpu.memory_space<hbm>>
      %dma_start3A_153 = tpu.memref_squeeze %dma_start3A_152 : memref<1x1x4x1024xf32, #tpu.memory_space<hbm>> -> memref<4x1024xf32, #tpu.memory_space<hbm>>
      %dma_start3A_154 = arith.constant 0 : i32
      %dma_start3A_155 = arith.constant 0 : i32
      %dma_start3A_156 = tpu.memref_slice %arg7[%dma_start3A_142, %dma_start3A_154, %dma_start3A_155] : memref<8x4x1024xf32, #tpu.memory_space<vmem>> -> memref<1x4x1024xf32, #tpu.memory_space<vmem>>
      %dma_start3A_157 = tpu.memref_squeeze %dma_start3A_156 : memref<1x4x1024xf32, #tpu.memory_space<vmem>> -> memref<4x1024xf32, #tpu.memory_space<vmem>>
      tpu.enqueue_dma source(%dma_start3A_157 : memref<4x1024xf32, #tpu.memory_space<vmem>>) target(%dma_start3A_153 : memref<4x1024xf32, #tpu.memory_space<hbm>>) target_semaphore(%arg9 : memref<!tpu.dma_semaphore, #tpu.memory_space<semaphore_mem>>)
      %mul3A_158 = arith.constant 4 : i32
      %mul3A_159 = arith.muli %rem3A_29, %mul3A_158 : i32
      %dma_start3A_160 = arith.constant 2 : i32
      %dma_start3A_161 = arith.constant 2 : i32
      %dma_start3A_162 = arith.constant 0 : i32
      %dma_start3A_163 = arith.constant 0 : i32
      %dma_start3A_164 = tpu.memref_slice %arg7[%dma_start3A_160, %dma_start3A_162, %dma_start3A_163] : memref<8x4x1024xf32, #tpu.memory_space<vmem>> -> memref<1x4x1024xf32, #tpu.memory_space<vmem>>
      %dma_start3A_165 = tpu.memref_squeeze %dma_start3A_164 : memref<1x4x1024xf32, #tpu.memory_space<vmem>> -> memref<4x1024xf32, #tpu.memory_space<vmem>>
      %dma_start3A_166 = arith.constant 0 : i32
      %dma_start3A_167 = tpu.memref_slice %arg4[%select_n3A, %dma_start3A_161, %mul3A_159, %dma_start3A_166] : memref<200x8x32x1024xf32, #tpu.memory_space<hbm>> -> memref<1x1x4x1024xf32, #tpu.memory_space<hbm>>
      %dma_start3A_168 = tpu.memref_squeeze %dma_start3A_167 : memref<1x1x4x1024xf32, #tpu.memory_space<hbm>> -> memref<4x1024xf32, #tpu.memory_space<hbm>>
      %dma_start3A_169 = arith.constant 0 : i32
      %dma_start3A_170 = tpu.memref_slice %arg4[%select_n3A, %dma_start3A_161, %mul3A_159, %dma_start3A_169] : memref<200x8x32x1024xf32, #tpu.memory_space<hbm>> -> memref<1x1x4x1024xf32, #tpu.memory_space<hbm>>
      %dma_start3A_171 = tpu.memref_squeeze %dma_start3A_170 : memref<1x1x4x1024xf32, #tpu.memory_space<hbm>> -> memref<4x1024xf32, #tpu.memory_space<hbm>>
      %dma_start3A_172 = arith.constant 0 : i32
      %dma_start3A_173 = arith.constant 0 : i32
      %dma_start3A_174 = tpu.memref_slice %arg7[%dma_start3A_160, %dma_start3A_172, %dma_start3A_173] : memref<8x4x1024xf32, #tpu.memory_space<vmem>> -> memref<1x4x1024xf32, #tpu.memory_space<vmem>>
      %dma_start3A_175 = tpu.memref_squeeze %dma_start3A_174 : memref<1x4x1024xf32, #tpu.memory_space<vmem>> -> memref<4x1024xf32, #tpu.memory_space<vmem>>
      tpu.enqueue_dma source(%dma_start3A_175 : memref<4x1024xf32, #tpu.memory_space<vmem>>) target(%dma_start3A_171 : memref<4x1024xf32, #tpu.memory_space<hbm>>) target_semaphore(%arg9 : memref<!tpu.dma_semaphore, #tpu.memory_space<semaphore_mem>>)
      %mul3A_176 = arith.constant 4 : i32
      %mul3A_177 = arith.muli %rem3A_29, %mul3A_176 : i32
      %dma_start3A_178 = arith.constant 3 : i32
      %dma_start3A_179 = arith.constant 3 : i32
      %dma_start3A_180 = arith.constant 0 : i32
      %dma_start3A_181 = arith.constant 0 : i32
      %dma_start3A_182 = tpu.memref_slice %arg7[%dma_start3A_178, %dma_start3A_180, %dma_start3A_181] : memref<8x4x1024xf32, #tpu.memory_space<vmem>> -> memref<1x4x1024xf32, #tpu.memory_space<vmem>>
      %dma_start3A_183 = tpu.memref_squeeze %dma_start3A_182 : memref<1x4x1024xf32, #tpu.memory_space<vmem>> -> memref<4x1024xf32, #tpu.memory_space<vmem>>
      %dma_start3A_184 = arith.constant 0 : i32
      %dma_start3A_185 = tpu.memref_slice %arg4[%select_n3A, %dma_start3A_179, %mul3A_177, %dma_start3A_184] : memref<200x8x32x1024xf32, #tpu.memory_space<hbm>> -> memref<1x1x4x1024xf32, #tpu.memory_space<hbm>>
      %dma_start3A_186 = tpu.memref_squeeze %dma_start3A_185 : memref<1x1x4x1024xf32, #tpu.memory_space<hbm>> -> memref<4x1024xf32, #tpu.memory_space<hbm>>
      %dma_start3A_187 = arith.constant 0 : i32
      %dma_start3A_188 = tpu.memref_slice %arg4[%select_n3A, %dma_start3A_179, %mul3A_177, %dma_start3A_187] : memref<200x8x32x1024xf32, #tpu.memory_space<hbm>> -> memref<1x1x4x1024xf32, #tpu.memory_space<hbm>>
      %dma_start3A_189 = tpu.memref_squeeze %dma_start3A_188 : memref<1x1x4x1024xf32, #tpu.memory_space<hbm>> -> memref<4x1024xf32, #tpu.memory_space<hbm>>
      %dma_start3A_190 = arith.constant 0 : i32
      %dma_start3A_191 = arith.constant 0 : i32
      %dma_start3A_192 = tpu.memref_slice %arg7[%dma_start3A_178, %dma_start3A_190, %dma_start3A_191] : memref<8x4x1024xf32, #tpu.memory_space<vmem>> -> memref<1x4x1024xf32, #tpu.memory_space<vmem>>
      %dma_start3A_193 = tpu.memref_squeeze %dma_start3A_192 : memref<1x4x1024xf32, #tpu.memory_space<vmem>> -> memref<4x1024xf32, #tpu.memory_space<vmem>>
      tpu.enqueue_dma source(%dma_start3A_193 : memref<4x1024xf32, #tpu.memory_space<vmem>>) target(%dma_start3A_189 : memref<4x1024xf32, #tpu.memory_space<hbm>>) target_semaphore(%arg9 : memref<!tpu.dma_semaphore, #tpu.memory_space<semaphore_mem>>)
      %mul3A_194 = arith.constant 4 : i32
      %mul3A_195 = arith.muli %rem3A_29, %mul3A_194 : i32
      %dma_start3A_196 = arith.constant 4 : i32
      %dma_start3A_197 = arith.constant 4 : i32
      %dma_start3A_198 = arith.constant 0 : i32
      %dma_start3A_199 = arith.constant 0 : i32
      %dma_start3A_200 = tpu.memref_slice %arg7[%dma_start3A_196, %dma_start3A_198, %dma_start3A_199] : memref<8x4x1024xf32, #tpu.memory_space<vmem>> -> memref<1x4x1024xf32, #tpu.memory_space<vmem>>
      %dma_start3A_201 = tpu.memref_squeeze %dma_start3A_200 : memref<1x4x1024xf32, #tpu.memory_space<vmem>> -> memref<4x1024xf32, #tpu.memory_space<vmem>>
      %dma_start3A_202 = arith.constant 0 : i32
      %dma_start3A_203 = tpu.memref_slice %arg4[%select_n3A, %dma_start3A_197, %mul3A_195, %dma_start3A_202] : memref<200x8x32x1024xf32, #tpu.memory_space<hbm>> -> memref<1x1x4x1024xf32, #tpu.memory_space<hbm>>
      %dma_start3A_204 = tpu.memref_squeeze %dma_start3A_203 : memref<1x1x4x1024xf32, #tpu.memory_space<hbm>> -> memref<4x1024xf32, #tpu.memory_space<hbm>>
      %dma_start3A_205 = arith.constant 0 : i32
      %dma_start3A_206 = tpu.memref_slice %arg4[%select_n3A, %dma_start3A_197, %mul3A_195, %dma_start3A_205] : memref<200x8x32x1024xf32, #tpu.memory_space<hbm>> -> memref<1x1x4x1024xf32, #tpu.memory_space<hbm>>
      %dma_start3A_207 = tpu.memref_squeeze %dma_start3A_206 : memref<1x1x4x1024xf32, #tpu.memory_space<hbm>> -> memref<4x1024xf32, #tpu.memory_space<hbm>>
      %dma_start3A_208 = arith.constant 0 : i32
      %dma_start3A_209 = arith.constant 0 : i32
      %dma_start3A_210 = tpu.memref_slice %arg7[%dma_start3A_196, %dma_start3A_208, %dma_start3A_209] : memref<8x4x1024xf32, #tpu.memory_space<vmem>> -> memref<1x4x1024xf32, #tpu.memory_space<vmem>>
      %dma_start3A_211 = tpu.memref_squeeze %dma_start3A_210 : memref<1x4x1024xf32, #tpu.memory_space<vmem>> -> memref<4x1024xf32, #tpu.memory_space<vmem>>
      tpu.enqueue_dma source(%dma_start3A_211 : memref<4x1024xf32, #tpu.memory_space<vmem>>) target(%dma_start3A_207 : memref<4x1024xf32, #tpu.memory_space<hbm>>) target_semaphore(%arg9 : memref<!tpu.dma_semaphore, #tpu.memory_space<semaphore_mem>>)
      %mul3A_212 = arith.constant 4 : i32
      %mul3A_213 = arith.muli %rem3A_29, %mul3A_212 : i32
      %dma_start3A_214 = arith.constant 5 : i32
      %dma_start3A_215 = arith.constant 5 : i32
      %dma_start3A_216 = arith.constant 0 : i32
      %dma_start3A_217 = arith.constant 0 : i32
      %dma_start3A_218 = tpu.memref_slice %arg7[%dma_start3A_214, %dma_start3A_216, %dma_start3A_217] : memref<8x4x1024xf32, #tpu.memory_space<vmem>> -> memref<1x4x1024xf32, #tpu.memory_space<vmem>>
      %dma_start3A_219 = tpu.memref_squeeze %dma_start3A_218 : memref<1x4x1024xf32, #tpu.memory_space<vmem>> -> memref<4x1024xf32, #tpu.memory_space<vmem>>
      %dma_start3A_220 = arith.constant 0 : i32
      %dma_start3A_221 = tpu.memref_slice %arg4[%select_n3A, %dma_start3A_215, %mul3A_213, %dma_start3A_220] : memref<200x8x32x1024xf32, #tpu.memory_space<hbm>> -> memref<1x1x4x1024xf32, #tpu.memory_space<hbm>>
      %dma_start3A_222 = tpu.memref_squeeze %dma_start3A_221 : memref<1x1x4x1024xf32, #tpu.memory_space<hbm>> -> memref<4x1024xf32, #tpu.memory_space<hbm>>
      %dma_start3A_223 = arith.constant 0 : i32
      %dma_start3A_224 = tpu.memref_slice %arg4[%select_n3A, %dma_start3A_215, %mul3A_213, %dma_start3A_223] : memref<200x8x32x1024xf32, #tpu.memory_space<hbm>> -> memref<1x1x4x1024xf32, #tpu.memory_space<hbm>>
      %dma_start3A_225 = tpu.memref_squeeze %dma_start3A_224 : memref<1x1x4x1024xf32, #tpu.memory_space<hbm>> -> memref<4x1024xf32, #tpu.memory_space<hbm>>
      %dma_start3A_226 = arith.constant 0 : i32
      %dma_start3A_227 = arith.constant 0 : i32
      %dma_start3A_228 = tpu.memref_slice %arg7[%dma_start3A_214, %dma_start3A_226, %dma_start3A_227] : memref<8x4x1024xf32, #tpu.memory_space<vmem>> -> memref<1x4x1024xf32, #tpu.memory_space<vmem>>
      %dma_start3A_229 = tpu.memref_squeeze %dma_start3A_228 : memref<1x4x1024xf32, #tpu.memory_space<vmem>> -> memref<4x1024xf32, #tpu.memory_space<vmem>>
      tpu.enqueue_dma source(%dma_start3A_229 : memref<4x1024xf32, #tpu.memory_space<vmem>>) target(%dma_start3A_225 : memref<4x1024xf32, #tpu.memory_space<hbm>>) target_semaphore(%arg9 : memref<!tpu.dma_semaphore, #tpu.memory_space<semaphore_mem>>)
      %mul3A_230 = arith.constant 4 : i32
      %mul3A_231 = arith.muli %rem3A_29, %mul3A_230 : i32
      %dma_start3A_232 = arith.constant 6 : i32
      %dma_start3A_233 = arith.constant 6 : i32
      %dma_start3A_234 = arith.constant 0 : i32
      %dma_start3A_235 = arith.constant 0 : i32
      %dma_start3A_236 = tpu.memref_slice %arg7[%dma_start3A_232, %dma_start3A_234, %dma_start3A_235] : memref<8x4x1024xf32, #tpu.memory_space<vmem>> -> memref<1x4x1024xf32, #tpu.memory_space<vmem>>
      %dma_start3A_237 = tpu.memref_squeeze %dma_start3A_236 : memref<1x4x1024xf32, #tpu.memory_space<vmem>> -> memref<4x1024xf32, #tpu.memory_space<vmem>>
      %dma_start3A_238 = arith.constant 0 : i32
      %dma_start3A_239 = tpu.memref_slice %arg4[%select_n3A, %dma_start3A_233, %mul3A_231, %dma_start3A_238] : memref<200x8x32x1024xf32, #tpu.memory_space<hbm>> -> memref<1x1x4x1024xf32, #tpu.memory_space<hbm>>
      %dma_start3A_240 = tpu.memref_squeeze %dma_start3A_239 : memref<1x1x4x1024xf32, #tpu.memory_space<hbm>> -> memref<4x1024xf32, #tpu.memory_space<hbm>>
      %dma_start3A_241 = arith.constant 0 : i32
      %dma_start3A_242 = tpu.memref_slice %arg4[%select_n3A, %dma_start3A_233, %mul3A_231, %dma_start3A_241] : memref<200x8x32x1024xf32, #tpu.memory_space<hbm>> -> memref<1x1x4x1024xf32, #tpu.memory_space<hbm>>
      %dma_start3A_243 = tpu.memref_squeeze %dma_start3A_242 : memref<1x1x4x1024xf32, #tpu.memory_space<hbm>> -> memref<4x1024xf32, #tpu.memory_space<hbm>>
      %dma_start3A_244 = arith.constant 0 : i32
      %dma_start3A_245 = arith.constant 0 : i32
      %dma_start3A_246 = tpu.memref_slice %arg7[%dma_start3A_232, %dma_start3A_244, %dma_start3A_245] : memref<8x4x1024xf32, #tpu.memory_space<vmem>> -> memref<1x4x1024xf32, #tpu.memory_space<vmem>>
      %dma_start3A_247 = tpu.memref_squeeze %dma_start3A_246 : memref<1x4x1024xf32, #tpu.memory_space<vmem>> -> memref<4x1024xf32, #tpu.memory_space<vmem>>
      tpu.enqueue_dma source(%dma_start3A_247 : memref<4x1024xf32, #tpu.memory_space<vmem>>) target(%dma_start3A_243 : memref<4x1024xf32, #tpu.memory_space<hbm>>) target_semaphore(%arg9 : memref<!tpu.dma_semaphore, #tpu.memory_space<semaphore_mem>>)
      %mul3A_248 = arith.constant 4 : i32
      %mul3A_249 = arith.muli %rem3A_29, %mul3A_248 : i32
      %dma_start3A_250 = arith.constant 7 : i32
      %dma_start3A_251 = arith.constant 7 : i32
      %dma_start3A_252 = arith.constant 0 : i32
      %dma_start3A_253 = arith.constant 0 : i32
      %dma_start3A_254 = tpu.memref_slice %arg7[%dma_start3A_250, %dma_start3A_252, %dma_start3A_253] : memref<8x4x1024xf32, #tpu.memory_space<vmem>> -> memref<1x4x1024xf32, #tpu.memory_space<vmem>>
      %dma_start3A_255 = tpu.memref_squeeze %dma_start3A_254 : memref<1x4x1024xf32, #tpu.memory_space<vmem>> -> memref<4x1024xf32, #tpu.memory_space<vmem>>
      %dma_start3A_256 = arith.constant 0 : i32
      %dma_start3A_257 = tpu.memref_slice %arg4[%select_n3A, %dma_start3A_251, %mul3A_249, %dma_start3A_256] : memref<200x8x32x1024xf32, #tpu.memory_space<hbm>> -> memref<1x1x4x1024xf32, #tpu.memory_space<hbm>>
      %dma_start3A_258 = tpu.memref_squeeze %dma_start3A_257 : memref<1x1x4x1024xf32, #tpu.memory_space<hbm>> -> memref<4x1024xf32, #tpu.memory_space<hbm>>
      %dma_start3A_259 = arith.constant 0 : i32
      %dma_start3A_260 = tpu.memref_slice %arg4[%select_n3A, %dma_start3A_251, %mul3A_249, %dma_start3A_259] : memref<200x8x32x1024xf32, #tpu.memory_space<hbm>> -> memref<1x1x4x1024xf32, #tpu.memory_space<hbm>>
      %dma_start3A_261 = tpu.memref_squeeze %dma_start3A_260 : memref<1x1x4x1024xf32, #tpu.memory_space<hbm>> -> memref<4x1024xf32, #tpu.memory_space<hbm>>
      %dma_start3A_262 = arith.constant 0 : i32
      %dma_start3A_263 = arith.constant 0 : i32
      %dma_start3A_264 = tpu.memref_slice %arg7[%dma_start3A_250, %dma_start3A_262, %dma_start3A_263] : memref<8x4x1024xf32, #tpu.memory_space<vmem>> -> memref<1x4x1024xf32, #tpu.memory_space<vmem>>
      %dma_start3A_265 = tpu.memref_squeeze %dma_start3A_264 : memref<1x4x1024xf32, #tpu.memory_space<vmem>> -> memref<4x1024xf32, #tpu.memory_space<vmem>>
      tpu.enqueue_dma source(%dma_start3A_265 : memref<4x1024xf32, #tpu.memory_space<vmem>>) target(%dma_start3A_261 : memref<4x1024xf32, #tpu.memory_space<hbm>>) target_semaphore(%arg9 : memref<!tpu.dma_semaphore, #tpu.memory_space<semaphore_mem>>)
      %dma_wait3A_266 = arith.constant 0 : i32
      %dma_wait3A_267 = arith.constant 0 : i32
      %dma_wait3A_268 = arith.constant 0 : i32
      %dma_wait3A_269 = arith.constant 0 : i32
      %dma_wait3A_270 = tpu.memref_slice %arg7[%dma_wait3A_266, %dma_wait3A_268, %dma_wait3A_269] : memref<8x4x1024xf32, #tpu.memory_space<vmem>> -> memref<1x4x1024xf32, #tpu.memory_space<vmem>>
      %dma_wait3A_271 = tpu.memref_squeeze %dma_wait3A_270 : memref<1x4x1024xf32, #tpu.memory_space<vmem>> -> memref<4x1024xf32, #tpu.memory_space<vmem>>
      %dma_wait3A_272 = arith.constant 0 : i32
      %dma_wait3A_273 = tpu.memref_slice %arg4[%select_n3A, %dma_wait3A_267, %mul3A_123, %dma_wait3A_272] : memref<200x8x32x1024xf32, #tpu.memory_space<hbm>> -> memref<1x1x4x1024xf32, #tpu.memory_space<hbm>>
      %dma_wait3A_274 = tpu.memref_squeeze %dma_wait3A_273 : memref<1x1x4x1024xf32, #tpu.memory_space<hbm>> -> memref<4x1024xf32, #tpu.memory_space<hbm>>
      %dma_wait3A_275 = arith.constant 0 : i32
      %dma_wait3A_276 = tpu.memref_slice %arg4[%select_n3A, %dma_wait3A_267, %mul3A_123, %dma_wait3A_275] : memref<200x8x32x1024xf32, #tpu.memory_space<hbm>> -> memref<1x1x4x1024xf32, #tpu.memory_space<hbm>>
      %dma_wait3A_277 = tpu.memref_squeeze %dma_wait3A_276 : memref<1x1x4x1024xf32, #tpu.memory_space<hbm>> -> memref<4x1024xf32, #tpu.memory_space<hbm>>
      %dma_wait3A_278 = arith.constant 0 : i32
      %dma_wait3A_279 = arith.constant 0 : i32
      %dma_wait3A_280 = tpu.memref_slice %arg7[%dma_wait3A_266, %dma_wait3A_278, %dma_wait3A_279] : memref<8x4x1024xf32, #tpu.memory_space<vmem>> -> memref<1x4x1024xf32, #tpu.memory_space<vmem>>
      %dma_wait3A_281 = tpu.memref_squeeze %dma_wait3A_280 : memref<1x4x1024xf32, #tpu.memory_space<vmem>> -> memref<4x1024xf32, #tpu.memory_space<vmem>>
      tpu.wait_dma2 semaphore(%arg9 : memref<!tpu.dma_semaphore, #tpu.memory_space<semaphore_mem>>) src(%dma_wait3A_281 : memref<4x1024xf32, #tpu.memory_space<vmem>>) dst(%dma_wait3A_277 : memref<4x1024xf32, #tpu.memory_space<hbm>>)
      %dma_wait3A_282 = arith.constant 1 : i32
      %dma_wait3A_283 = arith.constant 1 : i32
      %dma_wait3A_284 = arith.constant 0 : i32
      %dma_wait3A_285 = arith.constant 0 : i32
      %dma_wait3A_286 = tpu.memref_slice %arg7[%dma_wait3A_282, %dma_wait3A_284, %dma_wait3A_285] : memref<8x4x1024xf32, #tpu.memory_space<vmem>> -> memref<1x4x1024xf32, #tpu.memory_space<vmem>>
      %dma_wait3A_287 = tpu.memref_squeeze %dma_wait3A_286 : memref<1x4x1024xf32, #tpu.memory_space<vmem>> -> memref<4x1024xf32, #tpu.memory_space<vmem>>
      %dma_wait3A_288 = arith.constant 0 : i32
      %dma_wait3A_289 = tpu.memref_slice %arg4[%select_n3A, %dma_wait3A_283, %mul3A_141, %dma_wait3A_288] : memref<200x8x32x1024xf32, #tpu.memory_space<hbm>> -> memref<1x1x4x1024xf32, #tpu.memory_space<hbm>>
      %dma_wait3A_290 = tpu.memref_squeeze %dma_wait3A_289 : memref<1x1x4x1024xf32, #tpu.memory_space<hbm>> -> memref<4x1024xf32, #tpu.memory_space<hbm>>
      %dma_wait3A_291 = arith.constant 0 : i32
      %dma_wait3A_292 = tpu.memref_slice %arg4[%select_n3A, %dma_wait3A_283, %mul3A_141, %dma_wait3A_291] : memref<200x8x32x1024xf32, #tpu.memory_space<hbm>> -> memref<1x1x4x1024xf32, #tpu.memory_space<hbm>>
      %dma_wait3A_293 = tpu.memref_squeeze %dma_wait3A_292 : memref<1x1x4x1024xf32, #tpu.memory_space<hbm>> -> memref<4x1024xf32, #tpu.memory_space<hbm>>
      %dma_wait3A_294 = arith.constant 0 : i32
      %dma_wait3A_295 = arith.constant 0 : i32
      %dma_wait3A_296 = tpu.memref_slice %arg7[%dma_wait3A_282, %dma_wait3A_294, %dma_wait3A_295] : memref<8x4x1024xf32, #tpu.memory_space<vmem>> -> memref<1x4x1024xf32, #tpu.memory_space<vmem>>
      %dma_wait3A_297 = tpu.memref_squeeze %dma_wait3A_296 : memref<1x4x1024xf32, #tpu.memory_space<vmem>> -> memref<4x1024xf32, #tpu.memory_space<vmem>>
      tpu.wait_dma2 semaphore(%arg9 : memref<!tpu.dma_semaphore, #tpu.memory_space<semaphore_mem>>) src(%dma_wait3A_297 : memref<4x1024xf32, #tpu.memory_space<vmem>>) dst(%dma_wait3A_293 : memref<4x1024xf32, #tpu.memory_space<hbm>>)
      %dma_wait3A_298 = arith.constant 2 : i32
      %dma_wait3A_299 = arith.constant 2 : i32
      %dma_wait3A_300 = arith.constant 0 : i32
      %dma_wait3A_301 = arith.constant 0 : i32
      %dma_wait3A_302 = tpu.memref_slice %arg7[%dma_wait3A_298, %dma_wait3A_300, %dma_wait3A_301] : memref<8x4x1024xf32, #tpu.memory_space<vmem>> -> memref<1x4x1024xf32, #tpu.memory_space<vmem>>
      %dma_wait3A_303 = tpu.memref_squeeze %dma_wait3A_302 : memref<1x4x1024xf32, #tpu.memory_space<vmem>> -> memref<4x1024xf32, #tpu.memory_space<vmem>>
      %dma_wait3A_304 = arith.constant 0 : i32
      %dma_wait3A_305 = tpu.memref_slice %arg4[%select_n3A, %dma_wait3A_299, %mul3A_159, %dma_wait3A_304] : memref<200x8x32x1024xf32, #tpu.memory_space<hbm>> -> memref<1x1x4x1024xf32, #tpu.memory_space<hbm>>
      %dma_wait3A_306 = tpu.memref_squeeze %dma_wait3A_305 : memref<1x1x4x1024xf32, #tpu.memory_space<hbm>> -> memref<4x1024xf32, #tpu.memory_space<hbm>>
      %dma_wait3A_307 = arith.constant 0 : i32
      %dma_wait3A_308 = tpu.memref_slice %arg4[%select_n3A, %dma_wait3A_299, %mul3A_159, %dma_wait3A_307] : memref<200x8x32x1024xf32, #tpu.memory_space<hbm>> -> memref<1x1x4x1024xf32, #tpu.memory_space<hbm>>
      %dma_wait3A_309 = tpu.memref_squeeze %dma_wait3A_308 : memref<1x1x4x1024xf32, #tpu.memory_space<hbm>> -> memref<4x1024xf32, #tpu.memory_space<hbm>>
      %dma_wait3A_310 = arith.constant 0 : i32
      %dma_wait3A_311 = arith.constant 0 : i32
      %dma_wait3A_312 = tpu.memref_slice %arg7[%dma_wait3A_298, %dma_wait3A_310, %dma_wait3A_311] : memref<8x4x1024xf32, #tpu.memory_space<vmem>> -> memref<1x4x1024xf32, #tpu.memory_space<vmem>>
      %dma_wait3A_313 = tpu.memref_squeeze %dma_wait3A_312 : memref<1x4x1024xf32, #tpu.memory_space<vmem>> -> memref<4x1024xf32, #tpu.memory_space<vmem>>
      tpu.wait_dma2 semaphore(%arg9 : memref<!tpu.dma_semaphore, #tpu.memory_space<semaphore_mem>>) src(%dma_wait3A_313 : memref<4x1024xf32, #tpu.memory_space<vmem>>) dst(%dma_wait3A_309 : memref<4x1024xf32, #tpu.memory_space<hbm>>)
      %dma_wait3A_314 = arith.constant 3 : i32
      %dma_wait3A_315 = arith.constant 3 : i32
      %dma_wait3A_316 = arith.constant 0 : i32
      %dma_wait3A_317 = arith.constant 0 : i32
      %dma_wait3A_318 = tpu.memref_slice %arg7[%dma_wait3A_314, %dma_wait3A_316, %dma_wait3A_317] : memref<8x4x1024xf32, #tpu.memory_space<vmem>> -> memref<1x4x1024xf32, #tpu.memory_space<vmem>>
      %dma_wait3A_319 = tpu.memref_squeeze %dma_wait3A_318 : memref<1x4x1024xf32, #tpu.memory_space<vmem>> -> memref<4x1024xf32, #tpu.memory_space<vmem>>
      %dma_wait3A_320 = arith.constant 0 : i32
      %dma_wait3A_321 = tpu.memref_slice %arg4[%select_n3A, %dma_wait3A_315, %mul3A_177, %dma_wait3A_320] : memref<200x8x32x1024xf32, #tpu.memory_space<hbm>> -> memref<1x1x4x1024xf32, #tpu.memory_space<hbm>>
      %dma_wait3A_322 = tpu.memref_squeeze %dma_wait3A_321 : memref<1x1x4x1024xf32, #tpu.memory_space<hbm>> -> memref<4x1024xf32, #tpu.memory_space<hbm>>
      %dma_wait3A_323 = arith.constant 0 : i32
      %dma_wait3A_324 = tpu.memref_slice %arg4[%select_n3A, %dma_wait3A_315, %mul3A_177, %dma_wait3A_323] : memref<200x8x32x1024xf32, #tpu.memory_space<hbm>> -> memref<1x1x4x1024xf32, #tpu.memory_space<hbm>>
      %dma_wait3A_325 = tpu.memref_squeeze %dma_wait3A_324 : memref<1x1x4x1024xf32, #tpu.memory_space<hbm>> -> memref<4x1024xf32, #tpu.memory_space<hbm>>
      %dma_wait3A_326 = arith.constant 0 : i32
      %dma_wait3A_327 = arith.constant 0 : i32
      %dma_wait3A_328 = tpu.memref_slice %arg7[%dma_wait3A_314, %dma_wait3A_326, %dma_wait3A_327] : memref<8x4x1024xf32, #tpu.memory_space<vmem>> -> memref<1x4x1024xf32, #tpu.memory_space<vmem>>
      %dma_wait3A_329 = tpu.memref_squeeze %dma_wait3A_328 : memref<1x4x1024xf32, #tpu.memory_space<vmem>> -> memref<4x1024xf32, #tpu.memory_space<vmem>>
      tpu.wait_dma2 semaphore(%arg9 : memref<!tpu.dma_semaphore, #tpu.memory_space<semaphore_mem>>) src(%dma_wait3A_329 : memref<4x1024xf32, #tpu.memory_space<vmem>>) dst(%dma_wait3A_325 : memref<4x1024xf32, #tpu.memory_space<hbm>>)
      %dma_wait3A_330 = arith.constant 4 : i32
      %dma_wait3A_331 = arith.constant 4 : i32
      %dma_wait3A_332 = arith.constant 0 : i32
      %dma_wait3A_333 = arith.constant 0 : i32
      %dma_wait3A_334 = tpu.memref_slice %arg7[%dma_wait3A_330, %dma_wait3A_332, %dma_wait3A_333] : memref<8x4x1024xf32, #tpu.memory_space<vmem>> -> memref<1x4x1024xf32, #tpu.memory_space<vmem>>
      %dma_wait3A_335 = tpu.memref_squeeze %dma_wait3A_334 : memref<1x4x1024xf32, #tpu.memory_space<vmem>> -> memref<4x1024xf32, #tpu.memory_space<vmem>>
      %dma_wait3A_336 = arith.constant 0 : i32
      %dma_wait3A_337 = tpu.memref_slice %arg4[%select_n3A, %dma_wait3A_331, %mul3A_195, %dma_wait3A_336] : memref<200x8x32x1024xf32, #tpu.memory_space<hbm>> -> memref<1x1x4x1024xf32, #tpu.memory_space<hbm>>
      %dma_wait3A_338 = tpu.memref_squeeze %dma_wait3A_337 : memref<1x1x4x1024xf32, #tpu.memory_space<hbm>> -> memref<4x1024xf32, #tpu.memory_space<hbm>>
      %dma_wait3A_339 = arith.constant 0 : i32
      %dma_wait3A_340 = tpu.memref_slice %arg4[%select_n3A, %dma_wait3A_331, %mul3A_195, %dma_wait3A_339] : memref<200x8x32x1024xf32, #tpu.memory_space<hbm>> -> memref<1x1x4x1024xf32, #tpu.memory_space<hbm>>
      %dma_wait3A_341 = tpu.memref_squeeze %dma_wait3A_340 : memref<1x1x4x1024xf32, #tpu.memory_space<hbm>> -> memref<4x1024xf32, #tpu.memory_space<hbm>>
      %dma_wait3A_342 = arith.constant 0 : i32
      %dma_wait3A_343 = arith.constant 0 : i32
      %dma_wait3A_344 = tpu.memref_slice %arg7[%dma_wait3A_330, %dma_wait3A_342, %dma_wait3A_343] : memref<8x4x1024xf32, #tpu.memory_space<vmem>> -> memref<1x4x1024xf32, #tpu.memory_space<vmem>>
      %dma_wait3A_345 = tpu.memref_squeeze %dma_wait3A_344 : memref<1x4x1024xf32, #tpu.memory_space<vmem>> -> memref<4x1024xf32, #tpu.memory_space<vmem>>
      tpu.wait_dma2 semaphore(%arg9 : memref<!tpu.dma_semaphore, #tpu.memory_space<semaphore_mem>>) src(%dma_wait3A_345 : memref<4x1024xf32, #tpu.memory_space<vmem>>) dst(%dma_wait3A_341 : memref<4x1024xf32, #tpu.memory_space<hbm>>)
      %dma_wait3A_346 = arith.constant 5 : i32
      %dma_wait3A_347 = arith.constant 5 : i32
      %dma_wait3A_348 = arith.constant 0 : i32
      %dma_wait3A_349 = arith.constant 0 : i32
      %dma_wait3A_350 = tpu.memref_slice %arg7[%dma_wait3A_346, %dma_wait3A_348, %dma_wait3A_349] : memref<8x4x1024xf32, #tpu.memory_space<vmem>> -> memref<1x4x1024xf32, #tpu.memory_space<vmem>>
      %dma_wait3A_351 = tpu.memref_squeeze %dma_wait3A_350 : memref<1x4x1024xf32, #tpu.memory_space<vmem>> -> memref<4x1024xf32, #tpu.memory_space<vmem>>
      %dma_wait3A_352 = arith.constant 0 : i32
      %dma_wait3A_353 = tpu.memref_slice %arg4[%select_n3A, %dma_wait3A_347, %mul3A_213, %dma_wait3A_352] : memref<200x8x32x1024xf32, #tpu.memory_space<hbm>> -> memref<1x1x4x1024xf32, #tpu.memory_space<hbm>>
      %dma_wait3A_354 = tpu.memref_squeeze %dma_wait3A_353 : memref<1x1x4x1024xf32, #tpu.memory_space<hbm>> -> memref<4x1024xf32, #tpu.memory_space<hbm>>
      %dma_wait3A_355 = arith.constant 0 : i32
      %dma_wait3A_356 = tpu.memref_slice %arg4[%select_n3A, %dma_wait3A_347, %mul3A_213, %dma_wait3A_355] : memref<200x8x32x1024xf32, #tpu.memory_space<hbm>> -> memref<1x1x4x1024xf32, #tpu.memory_space<hbm>>
      %dma_wait3A_357 = tpu.memref_squeeze %dma_wait3A_356 : memref<1x1x4x1024xf32, #tpu.memory_space<hbm>> -> memref<4x1024xf32, #tpu.memory_space<hbm>>
      %dma_wait3A_358 = arith.constant 0 : i32
      %dma_wait3A_359 = arith.constant 0 : i32
      %dma_wait3A_360 = tpu.memref_slice %arg7[%dma_wait3A_346, %dma_wait3A_358, %dma_wait3A_359] : memref<8x4x1024xf32, #tpu.memory_space<vmem>> -> memref<1x4x1024xf32, #tpu.memory_space<vmem>>
      %dma_wait3A_361 = tpu.memref_squeeze %dma_wait3A_360 : memref<1x4x1024xf32, #tpu.memory_space<vmem>> -> memref<4x1024xf32, #tpu.memory_space<vmem>>
      tpu.wait_dma2 semaphore(%arg9 : memref<!tpu.dma_semaphore, #tpu.memory_space<semaphore_mem>>) src(%dma_wait3A_361 : memref<4x1024xf32, #tpu.memory_space<vmem>>) dst(%dma_wait3A_357 : memref<4x1024xf32, #tpu.memory_space<hbm>>)
      %dma_wait3A_362 = arith.constant 6 : i32
      %dma_wait3A_363 = arith.constant 6 : i32
      %dma_wait3A_364 = arith.constant 0 : i32
      %dma_wait3A_365 = arith.constant 0 : i32
      %dma_wait3A_366 = tpu.memref_slice %arg7[%dma_wait3A_362, %dma_wait3A_364, %dma_wait3A_365] : memref<8x4x1024xf32, #tpu.memory_space<vmem>> -> memref<1x4x1024xf32, #tpu.memory_space<vmem>>
      %dma_wait3A_367 = tpu.memref_squeeze %dma_wait3A_366 : memref<1x4x1024xf32, #tpu.memory_space<vmem>> -> memref<4x1024xf32, #tpu.memory_space<vmem>>
      %dma_wait3A_368 = arith.constant 0 : i32
      %dma_wait3A_369 = tpu.memref_slice %arg4[%select_n3A, %dma_wait3A_363, %mul3A_231, %dma_wait3A_368] : memref<200x8x32x1024xf32, #tpu.memory_space<hbm>> -> memref<1x1x4x1024xf32, #tpu.memory_space<hbm>>
      %dma_wait3A_370 = tpu.memref_squeeze %dma_wait3A_369 : memref<1x1x4x1024xf32, #tpu.memory_space<hbm>> -> memref<4x1024xf32, #tpu.memory_space<hbm>>
      %dma_wait3A_371 = arith.constant 0 : i32
      %dma_wait3A_372 = tpu.memref_slice %arg4[%select_n3A, %dma_wait3A_363, %mul3A_231, %dma_wait3A_371] : memref<200x8x32x1024xf32, #tpu.memory_space<hbm>> -> memref<1x1x4x1024xf32, #tpu.memory_space<hbm>>
      %dma_wait3A_373 = tpu.memref_squeeze %dma_wait3A_372 : memref<1x1x4x1024xf32, #tpu.memory_space<hbm>> -> memref<4x1024xf32, #tpu.memory_space<hbm>>
      %dma_wait3A_374 = arith.constant 0 : i32
      %dma_wait3A_375 = arith.constant 0 : i32
      %dma_wait3A_376 = tpu.memref_slice %arg7[%dma_wait3A_362, %dma_wait3A_374, %dma_wait3A_375] : memref<8x4x1024xf32, #tpu.memory_space<vmem>> -> memref<1x4x1024xf32, #tpu.memory_space<vmem>>
      %dma_wait3A_377 = tpu.memref_squeeze %dma_wait3A_376 : memref<1x4x1024xf32, #tpu.memory_space<vmem>> -> memref<4x1024xf32, #tpu.memory_space<vmem>>
      tpu.wait_dma2 semaphore(%arg9 : memref<!tpu.dma_semaphore, #tpu.memory_space<semaphore_mem>>) src(%dma_wait3A_377 : memref<4x1024xf32, #tpu.memory_space<vmem>>) dst(%dma_wait3A_373 : memref<4x1024xf32, #tpu.memory_space<hbm>>)
      %dma_wait3A_378 = arith.constant 7 : i32
      %dma_wait3A_379 = arith.constant 7 : i32
      %dma_wait3A_380 = arith.constant 0 : i32
      %dma_wait3A_381 = arith.constant 0 : i32
      %dma_wait3A_382 = tpu.memref_slice %arg7[%dma_wait3A_378, %dma_wait3A_380, %dma_wait3A_381] : memref<8x4x1024xf32, #tpu.memory_space<vmem>> -> memref<1x4x1024xf32, #tpu.memory_space<vmem>>
      %dma_wait3A_383 = tpu.memref_squeeze %dma_wait3A_382 : memref<1x4x1024xf32, #tpu.memory_space<vmem>> -> memref<4x1024xf32, #tpu.memory_space<vmem>>
      %dma_wait3A_384 = arith.constant 0 : i32
      %dma_wait3A_385 = tpu.memref_slice %arg4[%select_n3A, %dma_wait3A_379, %mul3A_249, %dma_wait3A_384] : memref<200x8x32x1024xf32, #tpu.memory_space<hbm>> -> memref<1x1x4x1024xf32, #tpu.memory_space<hbm>>
      %dma_wait3A_386 = tpu.memref_squeeze %dma_wait3A_385 : memref<1x1x4x1024xf32, #tpu.memory_space<hbm>> -> memref<4x1024xf32, #tpu.memory_space<hbm>>
      %dma_wait3A_387 = arith.constant 0 : i32
      %dma_wait3A_388 = tpu.memref_slice %arg4[%select_n3A, %dma_wait3A_379, %mul3A_249, %dma_wait3A_387] : memref<200x8x32x1024xf32, #tpu.memory_space<hbm>> -> memref<1x1x4x1024xf32, #tpu.memory_space<hbm>>
      %dma_wait3A_389 = tpu.memref_squeeze %dma_wait3A_388 : memref<1x1x4x1024xf32, #tpu.memory_space<hbm>> -> memref<4x1024xf32, #tpu.memory_space<hbm>>
      %dma_wait3A_390 = arith.constant 0 : i32
      %dma_wait3A_391 = arith.constant 0 : i32
      %dma_wait3A_392 = tpu.memref_slice %arg7[%dma_wait3A_378, %dma_wait3A_390, %dma_wait3A_391] : memref<8x4x1024xf32, #tpu.memory_space<vmem>> -> memref<1x4x1024xf32, #tpu.memory_space<vmem>>
      %dma_wait3A_393 = tpu.memref_squeeze %dma_wait3A_392 : memref<1x4x1024xf32, #tpu.memory_space<vmem>> -> memref<4x1024xf32, #tpu.memory_space<vmem>>
      tpu.wait_dma2 semaphore(%arg9 : memref<!tpu.dma_semaphore, #tpu.memory_space<semaphore_mem>>) src(%dma_wait3A_393 : memref<4x1024xf32, #tpu.memory_space<vmem>>) dst(%dma_wait3A_389 : memref<4x1024xf32, #tpu.memory_space<hbm>>)
      %scan3A_394 = arith.constant 0 : i32
      scf.yield %scan3A_394 : i32
    }
    %scan3A_6 = arith.constant 50 : i32
    return
  }
}

</mosaic_0001>

<sc_bundles>
// kernel: kernel.3.cloned.1.call-start
scs
__scs_entry_jumppad:
0x0: {  	(pc) =	sbr.rel $0x88, $3  }
0x1: {  	(tag) =	ssettag $0x0;
	lr =	simm.s32 $0x1  }
0x2: {  	[smem:$0x3F9F] =	sst lr;
	_ =	strace $0xD0000000  }
0x3: {  	_ = 	snop  }
0x4: {  	_ = 	snop  }
0x5: {  	_ = 	snop  }
0x6: {  	_ = 	snop  }
0x7: {  	_ = 	snop  }
__scs_overlays_trampoline_lowered:
0x8: {  	[smem:$0x3FAE] =	sst s0  }
0x9: {  	[smem:$0x3FAF] =	sst s1  }
0xa: {  	[smem:$0x3FB0] =	sst s2  }
0xb: {  	[smem:$0x3FB1] =	sst s3  }
0xc: {  	[smem:$0x3FB2] =	sst s4  }
0xd: {  	[smem:$0x3FB3] =	sst s5  }
0xe: {  	[smem:$0x3FB4] =	sst s6  }
0xf: {  	[smem:$0x3FB5] =	sst s7  }
0x10: {  	[smem:$0x3FB6] =	sst s8  }
0x11: {  	[smem:$0x3FB7] =	sst s9;
	s0 =	simm.s32 @!p0 $0x0  }
0x12: {  	s1 =	sld [smem:$0x3F9D];
	s0 =	simm.s32 @p0 $0x1  }
0x13: {  	[smem:$0x3FB8] =	sst s0;
	s0 =	simm.s32 @!p1 $0x0  }
0x14: {  	s2 =	sld [smem:$0x3F9C];
	s0 =	simm.s32 @p1 $0x1  }
0x15: {  	[smem:$0x3FB9] =	sst s0;
	s0 =	simm.s32 @!p2 $0x0  }
0x16: {  	s3 =	sld [smem:$0x3FDB];
	s0 =	simm.s32 @p2 $0x1  }
0x17: {  	s4 =	simm.s32 $0x1BF5;
	[smem:$0x3FBB] =	sst s0  }
0x18: {  	s0 =	sld [smem:$0x3F9E];
	_ =	swait.ge [sflag:s4], $0x0  }
0x19: {  	s7 =	sld [smem:$0x3F9F]  }
0x1a: {  	s8 =	sadd.s32 $0xFFFFE003, lr  }
0x1b: {  	s9 =	sadd.s32 $0xFFFFFEF7, lr;
	s5 =	simm.s32 $0xFFFFFFFF;
	p2 =	slt.u32 s8, $0xFFFFF086  }
0x1c: {  	p1 =	slt.u32 s9, $0xF7A;
	s5 =	simm.s32 @!p2 $0x0  }
0x1d: {  	s5 =	simm.s32 @p1 $0x1;
	p0 =	seq.s32 s7, s2  }
0x1e: {  	s7 =	smul.u32 @!p0 $0xF7A, s2;
	p2 =	seq.s32 @!p0 s5, $0x0  }
0x1f: {  	s9 =	smul.u32 $0xF7A, s1;
	s8 =	simm.s32 @!p0 $0x1BF5;
	p2 =	por !p2, p0  }
0x20: {  	[sflag:s8] =	ssyncset.s32 @!p0 $0xFFFFF086;
	s6 =	sadd.s32 @!p0 s3, s7;
	s7 =	simm.s32 @!p0 $0x108  }
0x21: {  	s3 =	sadd.s32 s3, s9;
	s6 =	sadd.s32 @!p0 $0x88, s6;
	s7 =	simm.s32 @p2 $0x1082  }
0x22: {  	[simem:s7], [sflag:s8] =	dma.local @!p0 [hbm:s6], $0xF7A  }
0x23: {  	s9 =	sor.u32 $0xD0000000, s2;
	s6 =	simm.s32 $0x108;
	_ =	swait.ge @!p0 [sflag:s8], $0x0  }
0x24: {  	s3 =	sadd.s32 $0x88, s3;
	s6 =	simm.s32 @!p1 $0x1082;
	[sflag:s4] =	ssyncset.s32 $0xFFFFF086  }
0x25: {  	[simem:s6], [sflag:s4] =	dma.local [hbm:s3], $0xF7A  }
0x26: {  	[smem:$0x3F9F] =	sst s1;
	(tag) =	ssettag s2;
	_ =	strace s9  }
0x27: {  	s1 =	sld [smem:$0x3FAF]  }
0x28: {  	s2 =	sld [smem:$0x3FB0]  }
0x29: {  	s4 =	sld [smem:$0x3FB2]  }
0x2a: {  	p0 =	seq.s32 s5, $0x0;
	s5 =	sld [smem:$0x3FB3]  }
0x2b: {  	s6 =	sld [smem:$0x3FB4]  }
0x2c: {  	s7 =	sld [smem:$0x3FB5]  }
0x2d: {  	s3 =	simm.s32 $0x108;
	s8 =	sld [smem:$0x3FB6]  }
0x2e: {  	s3 =	simm.s32 @!p0 $0x1082;
	s9 =	sld [smem:$0x3FB7]  }
0x2f: {  	lr =	sadd.s32 s0, s3;
	s0 =	sld [smem:$0x3FAE]  }
0x30: {  	s3 =	sld [smem:$0x3FB1]  }
0x31: {  	[smem:$0x3FBA] =	sst s10  }
0x32: {  	s10 =	sld [smem:$0x3FB8];
	_ =	sdelay $0x3  }
0x33: {  	p0 =	seq.s32 s10, $0x1;
	s10 =	sld [smem:$0x3FBA];
	_ =	sdelay $0x3  }
0x34: {  	[smem:$0x3FBA] =	sst s10  }
0x35: {  	s10 =	sld [smem:$0x3FB9];
	_ =	sdelay $0x3  }
0x36: {  	p1 =	seq.s32 s10, $0x1;
	s10 =	sld [smem:$0x3FBA];
	_ =	sdelay $0x3  }
0x37: {  	[smem:$0x3FBA] =	sst s10  }
0x38: {  	s10 =	sld [smem:$0x3FBB]  }
0x39: {  	_ = 	snop;
	(pc) =	sbr.ind lr, $3  }
0x3a: {  	_ = 	snop  }
0x3b: {  	_ = 	snop  }
0x3c: {  	p2 =	seq.s32 s10, $0x1;
	s10 =	sld [smem:$0x3FBA]  }
0x3d: {  	_ =	shalt  }
0x3e: {  	_ =	shalt  }
0x3f: {  	_ =	shalt  }
0x40: {  	_ =	shalt  }
0x41: {  	_ =	shalt  }
0x42: {  	_ =	shalt  }
0x43: {  	_ =	shalt  }
0x44: {  	_ =	shalt  }
0x45: {  	_ =	shalt  }
0x46: {  	_ =	shalt  }
0x47: {  	_ =	shalt  }
0x48: {  	_ =	shalt  }
0x49: {  	_ =	shalt  }
0x4a: {  	_ =	shalt  }
0x4b: {  	_ =	shalt  }
0x4c: {  	_ =	shalt  }
0x4d: {  	_ =	shalt  }
0x4e: {  	_ =	shalt  }
0x4f: {  	_ =	shalt  }
0x50: {  	_ =	shalt  }
0x51: {  	_ =	shalt  }
0x52: {  	_ =	shalt  }
0x53: {  	_ =	shalt  }
0x54: {  	_ =	shalt  }
0x55: {  	_ =	shalt  }
0x56: {  	_ =	shalt  }
0x57: {  	_ =	shalt  }
0x58: {  	_ =	shalt  }
0x59: {  	_ =	shalt  }
0x5a: {  	_ =	shalt  }
0x5b: {  	_ =	shalt  }
0x5c: {  	_ =	shalt  }
0x5d: {  	_ =	shalt  }
0x5e: {  	_ =	shalt  }
0x5f: {  	_ =	shalt  }
0x60: {  	_ =	shalt  }
0x61: {  	_ =	shalt  }
0x62: {  	_ =	shalt  }
0x63: {  	_ =	shalt  }
0x64: {  	_ =	shalt  }
0x65: {  	_ =	shalt  }
0x66: {  	_ =	shalt  }
0x67: {  	_ =	shalt  }
0x68: {  	_ =	shalt  }
0x69: {  	_ =	shalt  }
0x6a: {  	_ =	shalt  }
0x6b: {  	_ =	shalt  }
0x6c: {  	_ =	shalt  }
0x6d: {  	_ =	shalt  }
0x6e: {  	_ =	shalt  }
0x6f: {  	_ =	shalt  }
0x70: {  	_ =	shalt  }
0x71: {  	_ =	shalt  }
0x72: {  	_ =	shalt  }
0x73: {  	_ =	shalt  }
0x74: {  	_ =	shalt  }
0x75: {  	_ =	shalt  }
0x76: {  	_ =	shalt  }
0x77: {  	_ =	shalt  }
0x78: {  	_ =	shalt  }
0x79: {  	_ =	shalt  }
0x7a: {  	_ =	shalt  }
0x7b: {  	_ =	shalt  }
0x7c: {  	_ =	shalt  }
0x7d: {  	_ =	shalt  }
0x7e: {  	_ =	shalt  }
0x7f: {  	_ =	shalt  }
0x80: {  	_ =	shalt  }
0x81: {  	_ =	shalt  }
0x82: {  	_ =	shalt  }
0x83: {  	_ =	shalt  }
0x84: {  	_ =	shalt  }
0x85: {  	_ =	shalt  }
0x86: {  	_ =	shalt  }
0x87: {  	_ =	shalt  }
.Lfunc_end0:
.L_simem_size_0:
called_computation_lowered:
.L_overlay_start_0:
0x88: {  	s2 =	sld [smem:$0x3FD9]  }
0x89: {  	s3 =	sld [smem:$0x3FFE];
	_ =	sdelay $0x1  }
0x8a: {  	s1 =	srdreg.scid  }
0x8b: {  	s0 =	sand.u32 $0x1, s1  }
0x8c: {  	s17 =	sshll.u32 s0, $0xA;
	s2 =	sadd.s32 s3, s2  }
0x8d: {  	s2 =	sadd.s32 s2, s17  }
0x8e: {  	[smem:$0x3FC6] =	sst s2  }
0x8f: {  	_ = 	snop  }
0x90: {  	s2 =	sld [smem:$0x3FC9]  }
0x91: {  	s18 =	sld [smem:$0x3FD0];
	(tm) =	ssettm $0x1  }
0x92: {  	s4 =	sld [smem:$0x3FFB];
	_ =	sdelay $0x3  }
0x93: {  	_ =	strace s4  }
0x94: {  	s4 =	sld [smem:$0x3FFC];
	_ =	sdelay $0x3  }
0x95: {  	_ =	strace s4  }
0x96: {  	s4 =	sld [smem:$0x3FFD];
	_ =	sdelay $0x3  }
0x97: {  	_ =	strace s4  }
0x98: {  	_ =	strace $0x8FFFFFFF  }
0x99: {  	s19 =	sld [smem:$0x3FDB];
	_ =	sdelay $0x1  }
0x9a: {  	s5 =	simm.s32 $_scs_section_size  }
0x9b: {  	s6 =	simm.s32 $_size__tile_overlayer_lowered;
	s7 =	simm.s32 $_tile_overlayer_lowered  }
0x9c: {  	s22 =	simm.s32 $0x1BFF;
	s21 =	sshll.u32 s7, $0x1;
	s4 =	sadd.s32 s5, s19  }
0x9d: {  	s8 =	simm.s32 $0x0;
	s20 =	sshll.u32 s6, $0x1;
	s6 =	sadd.s32 s21, s4  }
0x9e: {  	[timem:s8], [sflag:s22] =	dma.local [hbm:s6], s20  }
0x9f: {  	_ =	swait.ge [sflag:s22], s20  }
0xa0: {  	s5 =	ssub.s32 $0x0, s20;
	[sflag:s22] =	ssyncset.done $0x0  }
0xa1: {  	[sflag:s22] =	ssyncadd.s32 s5;
	_ =	sdelay $0x1  }
0xa2: {  	s23 =	simm.s32 $0x1B8B  }
0xa3: {  	_ =	swait.ge [sflag:s23], $0x1  }
0xa4: {  	[sflag:s23] =	ssyncset.done $0x0  }
0xa5: {  	s25 =	simm.s32 $0x1B8E;
	s24 =	sld [smem:$0x3FFE];
	[sflag:s23] =	ssyncadd.s32 $0xFFFFFFFF  }
0xa6: {  	s26 =	simm.s32 $execute0_lowered;
	[smem:$0x3FD2] =	sst s25  }
0xa7: {  	s6 =	sshll.u32 s26, $0x1;
	_ =	strace $0x80000046;
	[dreg:$0x1] =	wrdreg $0xFFFFFFFF  }
0xa8: {  	s28 =	simm.s32 $_size_execute0_lowered;
	s4 =	sadd.s32 s4, s6;
	[dreg:$0x0] =	wrdreg $0x0  }
0xa9: {  	s6 =	sshll.u32 s28, $0x1;
	[dreg:$0x2] =	wrdreg s4  }
0xaa: {  	[dreg:$0x3] =	wrdreg s6  }
0xab: {  	[dreg:$0x4] =	wrdreg $0xC0  }
0xac: {  	_ =	task [dreg:s8], $0x5FFFF  }
0xad: {  	[dreg:$0x1] =	wrdreg $0xFFFFFFFF  }
0xae: {  	[dreg:$0x0] =	wrdreg $0x60  }
0xaf: {  	[dreg:$0x2] =	wrdreg s24  }
0xb0: {  	[dreg:$0x3] =	wrdreg s2  }
0xb1: {  	[dreg:$0x4] =	wrdreg s18  }
0xb2: {  	[dreg:$0x5] =	wrdreg $0x9  }
0xb3: {  	_ =	task.clear_ibuf [dreg:s8], $0x6FFFF;
	_ =	strace $0x90000046  }
0xb4: {  	s29 =	simm.s32 $0x9;
	_ =	strace $0x80000048  }
0xb5: {  	_ =	swait.ge [sflag:s29], $0x1  }
0xb6: {  	[sflag:s29] =	ssyncadd.s32 $0xFFFFFFFF  }
0xb7: {  	_ =	strace $0x90000048  }
0xb8: {  	_ =	sfence  }
0xb9: {  	s30 =	sld [smem:$0x0];
	_ =	sdelay $0x2  }
0xba: {  	s31 =	sshll.u32 s1, $0xD;
	s1 =	sshrl.u32 s1, $0x2  }
0xbb: {  	s3 =	sand.u32 $0x4000, s31;
	s1 =	sadd.s32 s1, s30  }
0xbc: {  	s0 =	sor.u32 s3, s0;
	s1 =	sshll.u32 s1, $0x11  }
0xbd: {  	s0 =	sor.u32 s1, s0  }
0xbe: {  	s0 =	sadd.s32 $0x8F2B, s0  }
0xbf: {  	[sflag:s0] =	ssyncadd.remote.s32 $0x1  }
0xc0: {  	_ =	sfence.sel $0xFFFF  }
0xc1: {  	[dreg:$0x0] =	wrdreg $0xFFFFFFFF;
	(pc) =	sbr.abs _section_cstart, $3  }
0xc2: {  	[dreg:$0x1] =	wrdreg $0xFFFFFFFF  }
0xc3: {  	_ =	task.clear_ibuf [dreg:s8], $0x2FFFF;
	_ =	strace $0x9FFFFFFF  }
0xc4: {  	(tm) =	ssettm $0x7FFFFFFF  }
0xc5: {  	_ =	shalt  }
tec
execute0_lowered:
.L_overlay_start_1:
0x0: {  	(tag) =	ssettag $0x1  }
0x1: {  	v22 =	vlaneseq.u32  }
0x2: {  	s0 =	rddreg [dreg:$0x0];
	s3 =	simm.s32 $0x0;
	v1 =	vmul.u32 $0x40, v22  }
0x3: {  	v25 =	vor.u32 $0x10, v22;
	[smem:$0x7FF] =	sst s3  }
0x4: {  	s13 =	rddreg [dreg:$0x2];
	_ =	strace $0x80000047;
	[tilespmem:$0x1FFE0] =	vst v25;
	v0 =	vor.u32 $0x2C10, v1  }
0x5: {  	v9 =	vor.u32 $0x1400, v1;
	[tilespmem:$0x1FE10] =	vst v0  }
0x6: {  	v12 =	vor.u32 $0x2000, v1;
	[tilespmem:$0x1FF70] =	vst v9  }
0x7: {  	v13 =	vor.u32 $0x2400, v1;
	[tilespmem:$0x1FF80] =	vst v12  }
0x8: {  	v14 =	vor.u32 $0x2800, v1;
	[tilespmem:$0x1FF90] =	vst v13  }
0x9: {  	v15 =	vor.u32 $0x2C00, v1;
	[tilespmem:$0x1FFA0] =	vst v14  }
0xa: {  	v18 =	vor.u32 $0x3400, v1;
	[tilespmem:$0x1FFB0] =	vst v15  }
0xb: {  	v20 =	vor.u32 $0x3800, v1;
	[tilespmem:$0x1FFC0] =	vst v18  }
0xc: {  	v48 =	vor.u32 $0x2810, v1;
	[tilespmem:$0x1FFD0] =	vst v20  }
0xd: {  	v0 =	vor.u32 $0x3010, v1;
	[tilespmem:$0x1FFF0] =	vst v48  }
0xe: {  	[tilespmem:$0x1FE20] =	vst v0;
	v0 =	vor.u32 $0x3410, v1  }
0xf: {  	[tilespmem:$0x1FE30] =	vst v0;
	v0 =	vor.u32 $0x3810, v1  }
0x10: {  	[tilespmem:$0x1FE40] =	vst v0;
	v0 =	vor.u32 $0x3C10, v1  }
0x11: {  	[tilespmem:$0x1FE50] =	vst v0;
	v0 =	vor.u32 $0x20, v1  }
0x12: {  	[tilespmem:$0x1FE60] =	vst v0;
	v0 =	vor.u32 $0x420, v1  }
0x13: {  	[tilespmem:$0x1FE70] =	vst v0;
	v0 =	vor.u32 $0x820, v1  }
0x14: {  	v49 =	vor.u32 $0x398, v22;
	v50 =	vor.u32 $0x20, v22;
	[tilespmem:$0x1FE80] =	vst v0;
	v0 =	vor.u32 $0xC20, v1  }
0x15: {  	v51 =	vor.u32 $0x3A8, v22;
	v52 =	vor.u32 $0x30, v22;
	[tilespmem:$0x1FE90] =	vst v0;
	v0 =	vor.u32 $0x1020, v1  }
0x16: {  	v53 =	vor.u32 $0x3B8, v22;
	v54 =	vor.u32 $0x40, v22;
	[tilespmem:$0x1FEA0] =	vst v0;
	v0 =	vor.u32 $0x1420, v1  }
0x17: {  	s1 =	srdreg.scid;
	s4 =	stileid.u32;
	v55 =	vor.u32 $0x3C8, v22;
	v56 =	vor.u32 $0x50, v22;
	[tilespmem:$0x1FEB0] =	vst v0;
	v0 =	vor.u32 $0x1820, v1  }
0x18: {  	s15 =	simm.s32 $0x80;
	s18 =	simm.s32 $0x200;
	s22 =	simm.s32 $0x180;
	v57 =	vor.u32 $0x3D8, v22;
	v58 =	vor.u32 $0x60, v22;
	[tilespmem:$0x1FEC0] =	vst v0;
	v0 =	vor.u32 $0x1C20, v1  }
0x19: {  	s17 =	simm.s32 $0x3;
	s23 =	simm.s32 $0x6200;
	s25 =	simm.s32 $0x8200;
	v59 =	vor.u32 $0x3E8, v22;
	v60 =	vor.u32 $0x70, v22;
	[tilespmem:$0x1FED0] =	vst v0;
	v0 =	vor.u32 $0x2020, v1  }
0x1a: {  	s24 =	simm.s32 $0x1;
	s28 =	simm.s32 $0xA200;
	s29 =	simm.s32 $0xB200;
	v61 =	vor.u32 $0x3F8, v22;
	v40 =	vor.u32 $0x400, v1;
	[tilespmem:$0x1FEE0] =	vst v0;
	v0 =	vor.u32 $0x2420, v1  }
0x1b: {  	s30 =	simm.s32 $0xC200;
	s31 =	simm.s32 $0xD200;
	s14 =	simm.s32 $0x2;
	v34 =	vor.u32 $0x800, v1;
	v35 =	vor.u32 $0xC00, v1;
	[tilespmem:$0x1FEF0] =	vst v0;
	v0 =	vor.u32 $0x2820, v1  }
0x1c: {  	s1 =	sand.u32 $0x1, s1;
	s4 =	sshll.u32 s4, $0x1;
	s5 =	sadd.s32 $0xF42800, s0;
	v36 =	vor.u32 $0x1000, v1;
	v38 =	vor.u32 $0x1800, v1;
	[tilespmem:$0x1FF00] =	vst v0;
	v0 =	vor.u32 $0x2C20, v1  }
0x1d: {  	s7 =	sadd.s32 $0x1000, s13;
	s8 =	sadd.s32 $0x2000, s13;
	s9 =	sadd.s32 $0x3000, s13;
	v39 =	vor.u32 $0x1C00, v1;
	v44 =	vor.u32 $0x3000, v1;
	[tilespmem:$0x1FF10] =	vst v0;
	v0 =	vor.u32 $0x3020, v1  }
0x1e: {  	s10 =	sadd.s32 $0x4000, s13;
	s11 =	sadd.s32 $0x5000, s13;
	s2 =	ssub.s32 $0x2, s1;
	v47 =	vor.u32 $0x3C00, v1;
	v62 =	vor.u32 $0x10, v1;
	[tilespmem:$0x1FF20] =	vst v0;
	v0 =	vor.u32 $0x3420, v1  }
0x1f: {  	s12 =	sadd.s32 $0x6000, s13;
	s13 =	sadd.s32 $0x7000, s13;
	s26 =	sshrl.u32 s2, $0x1;
	v63 =	vor.u32 $0x410, v1;
	v37 =	vor.u32 $0x810, v1;
	[tilespmem:$0x1FF30] =	vst v0;
	v0 =	vor.u32 $0x3820, v1  }
0x20: {  	s1 =	sor.u32 s1, s4;
	s4 =	simm.s32 $0xF200;
	v31 =	vor.u32 $0xC10, v1;
	v33 =	vor.u32 $0x1010, v1;
	s0 =	ssub.s32 s2, s26;
	[tilespmem:$0x1FF40] =	vst v0;
	v0 =	vor.u32 $0x3C20, v1  }
0x21: {  	s6 =	smul.u32 $0x32, s1;
	v42 =	vor.u32 $0x1410, v1;
	v43 =	vor.u32 $0x1810, v1;
	s1 =	simm.s32 $0xE200;
	s0 =	smax.u32 s0, $0x1;
	[tilespmem:$0x1FF50] =	vst v0;
	v0 =	vor.u32 $0x30, v1  }
0x22: {  	v41 =	vor.u32 $0x1C10, v1;
	v46 =	vor.u32 $0x2010, v1;
	v45 =	vor.u32 $0x2410, v1;
	s26 =	simm.s32 $0x9200;
	s2 =	simm.s32 $0x0;
	[dreg:$0x4] =	wrdreg s0;
	[tilespmem:$0x1FF60] =	vst v0  }
.LBB2_1:
0x23: {  	[dreg:$0x5] =	wrdreg s2;
	s0 =	simm.s32 $0x0  }
.LBB2_2:
0x24: {  	s19 =	sadd.s32 s6, s0  }
0x25: {  	s2 =	sshll.u32 s19, $0x4;
	s16 =	sshll.u32 s19, $0x9  }
0x26: {  	s20 =	sshll.u32 s19, $0xC;
	s21 =	sand.u32 $0x380, s2;
	s16 =	sand.u32 $0x7FFF8000, s16  }
0x27: {  	s2 =	sand.u32 $0x7000, s20;
	s16 =	sor.u32 s16, s21  }
0x28: {  	s16 =	sor.u32 s2, s16  }
0x29: {  	s21 =	rddreg [dreg:$0x1];
	s16 =	sshrl.u32 s16, $0x3  }
0x2a: {  	s20 =	sadd.s32 s21, s16;
	s16 =	simm.s32 $0x0;
	s21 =	simm.s32 $0x400  }
0x2b: {  	[tilespmem:s16], [sflag:$0x3] =	stream.strided.gather [hbm4b:s20+s15], $0x200, s21, s15, $0x38;
	[tilespmem:$0x10200] =	vst v63  }
0x2c: {  	_ =	swait.ge [sflag:s17], $0x200  }
0x2d: {  	[sflag:s17] =	ssyncset.done $0x0  }
0x2e: {  	[sflag:s17] =	ssyncadd.s32 $0xFFFFFE00  }
0x2f: {  	[tilespmem:s18], [sflag:$0x1] =	stream.indirect.gather [hbm4b:s5+s15], $0x40, s16, s15, $0xb8;
	[tilespmem:$0x10200] =	vst v63  }
0x30: {  	s21 =	simm.s32 $0x2200  }
0x31: {  	[tilespmem:s21], [sflag:$0x1] =	stream.indirect.gather [hbm4b:s5+s15], $0x40, s15, s15, $0xb8;
	[tilespmem:$0x10200] =	vst v63  }
0x32: {  	s20 =	simm.s32 $0x100;
	s21 =	simm.s32 $0x4200  }
0x33: {  	[tilespmem:s21], [sflag:$0x1] =	stream.indirect.gather [hbm4b:s5+s15], $0x40, s20, s15, $0xb8;
	[tilespmem:$0x10200] =	vst v63  }
0x34: {  	_ = 	snop  }
0x35: {  	[tilespmem:s23], [sflag:$0x1] =	stream.indirect.gather [hbm4b:s5+s15], $0x40, s22, s15, $0xb8;
	[tilespmem:$0x10200] =	vst v63  }
0x36: {  	_ =	swait.ge [sflag:s24], $0x2000  }
0x37: {  	[sflag:s24] =	ssyncset.done $0x0  }
0x38: {  	[sflag:s24] =	ssyncadd.s32 $0xFFFFE000  }
0x39: {  	_ =	swait.ge [sflag:s24], $0x2000  }
0x3a: {  	[sflag:s24] =	ssyncset.done $0x0  }
0x3b: {  	[sflag:s24] =	ssyncadd.s32 $0xFFFFE000  }
0x3c: {  	_ =	swait.ge [sflag:s24], $0x2000  }
0x3d: {  	[sflag:s24] =	ssyncset.done $0x0  }
0x3e: {  	[sflag:s24] =	ssyncadd.s32 $0xFFFFE000  }
0x3f: {  	_ =	swait.ge [sflag:s24], $0x2000  }
0x40: {  	[sflag:s24] =	ssyncset.done $0x0  }
0x41: {  	s19 =	sshrl.u32 s19, $0x3;
	[sflag:s24] =	ssyncadd.s32 $0xFFFFE000  }
.LBB2_3:
0x42: {  	v2 =	vadd.s32 s16, v22  }
0x43: {  	v0 =	vand.u32 $0xF, v2  }
0x44: {  	v3 =	vor.u32 v1, v0;
	_ =	sdelay $0x1  }
0x45: {  	v4 =	vor.u32 v40, v0  }
0x46: {  	v5 =	vor.u32 v34, v0  }
0x47: {  	v6 =	vor.u32 v35, v0  }
0x48: {  	v8 =	vld.idx.msk [tilespmem:v3+s18+$0x0], $0xffff;
	v3 =	vor.u32 v9, v0  }
0x49: {  	v9 =	vor.u32 v38, v0  }
0x4a: {  	v32 =	vor.u32 v13, v0;
	v4 =	vld.idx.msk [tilespmem:v4+s18+$0x0], $0xffff  }
0x4b: {  	v10 =	vor.u32 v39, v0;
	v5 =	vld.idx.msk [tilespmem:v5+s18+$0x0], $0xffff  }
0x4c: {  	v11 =	vld.idx.msk [tilespmem:v6+s18+$0x0], $0xffff;
	v6 =	vor.u32 v12, v0  }
0x4d: {  	v13 =	vld.idx.msk [tilespmem:v3+s18+$0x0], $0xffff;
	v3 =	vor.u32 v14, v0  }
0x4e: {  	v14 =	vld.idx.msk [tilespmem:v9+s18+$0x0], $0xffff;
	v9 =	vor.u32 v15, v0  }
0x4f: {  	v19 =	vld.idx.msk [tilespmem:v32+s18+$0x0], $0xffff;
	v32 =	vor.u32 v20, v0  }
0x50: {  	v16 =	vshll.u32 v2, $0x7;
	v15 =	vld.idx.msk [tilespmem:v10+s18+$0x0], $0xffff;
	v10 =	vor.u32 v44, v0  }
0x51: {  	v2 =	vshll.u32 v2, $0x9;
	v17 =	vld.idx.msk [tilespmem:v6+s18+$0x0], $0xffff;
	v6 =	vor.u32 v18, v0;
	v18 =	vand.u32 $0x380, v16  }
0x52: {  	v7 =	vor.u32 v36, v0;
	v20 =	vld.idx.msk [tilespmem:v3+s18+$0x0], $0xffff;
	v3 =	vand.u32 $0x1000, v2;
	v2 =	vor.u32 v22, v18  }
0x53: {  	v21 =	vor.u32 v47, v0;
	v18 =	vld.idx.msk [tilespmem:v9+s18+$0x0], $0xffff;
	v9 =	vor.u32 v3, v2  }
0x54: {  	v24 =	vld.idx.msk [tilespmem:v32+s18+$0x0], $0xffff;
	v32 =	vor.u32 v25, v16  }
0x55: {  	v22 =	vld.idx.msk [tilespmem:v10+s18+$0x0], $0xffff;
	v10 =	vmul.f32 $8.000000000e+00, v4;
	v4 =	vand.u32 v49, v32;
	v32 =	vor.u32 v50, v16  }
0x56: {  	v25 =	vmul.f32 $8.000000000e+00, v5;
	v23 =	vld.idx.msk [tilespmem:v6+s18+$0x0], $0xffff;
	v6 =	vmul.f32 $8.000000000e+00, v8;
	v5 =	vand.u32 v51, v32  }
0x57: {  	v12 =	vld.idx.msk [tilespmem:v7+s18+$0x0], $0xffff;
	v26 =	vor.u32 v3, v4;
	v32 =	vor.u32 v52, v16;
	v27 =	vor.u32 v3, v5  }
0x58: {  	v21 =	vld.idx.msk [tilespmem:v21+s18+$0x0], $0xffff;
	[tilespmem:v9+s25+$0x0] =	vst.idx.msk $0xffff, v6;
	v6 =	vand.u32 v53, v32;
	v32 =	vor.u32 v54, v16  }
0x59: {  	v8 =	vor.u32 v56, v16;
	v28 =	vor.u32 v3, v6;
	v7 =	vand.u32 v55, v32  }
0x5a: {  	v8 =	vand.u32 v57, v8;
	v9 =	vor.u32 v58, v16;
	v29 =	vor.u32 v3, v7  }
0x5b: {  	v30 =	vor.u32 v3, v8;
	v16 =	vor.u32 v60, v16;
	v9 =	vand.u32 v59, v9  }
0x5c: {  	v11 =	vmul.f32 $8.000000000e+00, v11;
	[tilespmem:v26+s25+$0x0] =	vst.idx.msk $0xffff, v10;
	v10 =	vand.u32 v61, v16;
	v26 =	vor.u32 v3, v9  }
0x5d: {  	v12 =	vmul.f32 $8.000000000e+00, v12;
	[tilespmem:v27+s25+$0x0] =	vst.idx.msk $0xffff, v25;
	v16 =	vor.u32 v3, v10;
	v25 =	vor.u32 $0x400, v3  }
0x5e: {  	v13 =	vmul.f32 $8.000000000e+00, v13;
	[tilespmem:v28+s25+$0x0] =	vst.idx.msk $0xffff, v11;
	v11 =	vor.u32 v25, v2  }
0x5f: {  	v14 =	vmul.f32 $8.000000000e+00, v14;
	[tilespmem:v29+s25+$0x0] =	vst.idx.msk $0xffff, v12;
	v12 =	vor.u32 v25, v4  }
0x60: {  	v15 =	vmul.f32 $8.000000000e+00, v15;
	[tilespmem:v30+s25+$0x0] =	vst.idx.msk $0xffff, v13;
	v13 =	vor.u32 v25, v5  }
0x61: {  	v17 =	vmul.f32 $8.000000000e+00, v17;
	[tilespmem:v26+s25+$0x0] =	vst.idx.msk $0xffff, v14;
	v14 =	vor.u32 v25, v6  }
0x62: {  	v19 =	vmul.f32 $8.000000000e+00, v19;
	[tilespmem:v16+s25+$0x0] =	vst.idx.msk $0xffff, v15;
	v15 =	vor.u32 v25, v7  }
0x63: {  	v16 =	vmul.f32 $8.000000000e+00, v20;
	[tilespmem:v11+s25+$0x0] =	vst.idx.msk $0xffff, v17;
	v11 =	vor.u32 v25, v8  }
0x64: {  	v26 =	vld [tilespmem:$0x1FE50];
	v17 =	vmul.f32 $8.000000000e+00, v18;
	[tilespmem:v12+s25+$0x0] =	vst.idx.msk $0xffff, v19;
	v12 =	vor.u32 v25, v9  }
0x65: {  	v18 =	vmul.f32 $8.000000000e+00, v22;
	[tilespmem:v13+s25+$0x0] =	vst.idx.msk $0xffff, v16;
	v13 =	vor.u32 v25, v10  }
0x66: {  	v16 =	vmul.f32 $8.000000000e+00, v23;
	[tilespmem:v14+s25+$0x0] =	vst.idx.msk $0xffff, v17;
	v14 =	vor.u32 v62, v0  }
0x67: {  	v22 =	vld [tilespmem:$0x1FE10];
	v19 =	vor.u32 v46, v0;
	v17 =	vmul.f32 $8.000000000e+00, v24;
	[tilespmem:v15+s25+$0x0] =	vst.idx.msk $0xffff, v18  }
0x68: {  	v20 =	vor.u32 v45, v0;
	v23 =	vld [tilespmem:$0x1FE20];
	v18 =	vmul.f32 $8.000000000e+00, v21;
	[tilespmem:v11+s25+$0x0] =	vst.idx.msk $0xffff, v16  }
0x69: {  	v25 =	vld [tilespmem:$0x1FE40];
	v26 =	vor.u32 v26, v0;
	[tilespmem:v12+s25+$0x0] =	vst.idx.msk $0xffff, v17  }
0x6a: {  	v24 =	vld [tilespmem:$0x1FE30];
	v15 =	vor.u32 v63, v0;
	[tilespmem:v13+s25+$0x0] =	vst.idx.msk $0xffff, v18  }
0x6b: {  	v21 =	vor.u32 v48, v0;
	v14 =	vld.idx.msk [tilespmem:v14+s18+$0x0], $0xffff  }
0x6c: {  	v11 =	vor.u32 v37, v0;
	v19 =	vld.idx.msk [tilespmem:v19+s18+$0x0], $0xffff  }
0x6d: {  	v16 =	vor.u32 v42, v0;
	v20 =	vld.idx.msk [tilespmem:v20+s18+$0x0], $0xffff  }
0x6e: {  	v22 =	vor.u32 v22, v0;
	v26 =	vld.idx.msk [tilespmem:v26+s18+$0x0], $0xffff  }
0x6f: {  	v12 =	vor.u32 v31, v0;
	v15 =	vld.idx.msk [tilespmem:v15+s18+$0x0], $0xffff  }
0x70: {  	v17 =	vor.u32 v43, v0;
	v21 =	vld.idx.msk [tilespmem:v21+s18+$0x0], $0xffff  }
0x71: {  	v13 =	vor.u32 v33, v0;
	v11 =	vld.idx.msk [tilespmem:v11+s18+$0x0], $0xffff  }
0x72: {  	v18 =	vor.u32 v41, v0;
	v16 =	vld.idx.msk [tilespmem:v16+s18+$0x0], $0xffff  }
0x73: {  	v23 =	vor.u32 v23, v0;
	v22 =	vld.idx.msk [tilespmem:v22+s18+$0x0], $0xffff  }
0x74: {  	v27 =	vor.u32 $0x2000, v3;
	v25 =	vor.u32 v25, v0;
	v12 =	vld.idx.msk [tilespmem:v12+s18+$0x0], $0xffff  }
0x75: {  	v28 =	vor.u32 v27, v2;
	v24 =	vor.u32 v24, v0;
	v17 =	vld.idx.msk [tilespmem:v17+s18+$0x0], $0xffff  }
0x76: {  	v29 =	vor.u32 v27, v4;
	v13 =	vld.idx.msk [tilespmem:v13+s18+$0x0], $0xffff  }
0x77: {  	v30 =	vor.u32 v27, v5;
	v48 =	vmovc v46;
	v46 =	vmov v45;
	v45 =	vmov v42;
	v18 =	vld.idx.msk [tilespmem:v18+s18+$0x0], $0xffff  }
0x78: {  	v42 =	vmovc v41;
	v41 =	vmovc v37;
	v37 =	vmov v31;
	v31 =	vor.u32 v27, v6;
	v23 =	vld.idx.msk [tilespmem:v23+s18+$0x0], $0xffff;
	v14 =	vmul.f32 $8.000000000e+00, v14  }
0x79: {  	v32 =	vor.u32 v27, v7;
	v25 =	vld.idx.msk [tilespmem:v25+s18+$0x0], $0xffff;
	v15 =	vmul.f32 $8.000000000e+00, v15  }
0x7a: {  	v24 =	vld.idx.msk [tilespmem:v24+s18+$0x0], $0xffff;
	v11 =	vmul.f32 $8.000000000e+00, v11;
	[tilespmem:v28+s25+$0x0] =	vst.idx.msk $0xffff, v14;
	v14 =	vor.u32 v27, v8  }
0x7b: {  	v12 =	vmul.f32 $8.000000000e+00, v12;
	[tilespmem:v29+s25+$0x0] =	vst.idx.msk $0xffff, v15;
	v15 =	vor.u32 v27, v9  }
0x7c: {  	v13 =	vmul.f32 $8.000000000e+00, v13;
	[tilespmem:v30+s25+$0x0] =	vst.idx.msk $0xffff, v11;
	v11 =	vor.u32 v27, v10;
	v27 =	vor.u32 $0x2400, v3  }
0x7d: {  	v16 =	vmul.f32 $8.000000000e+00, v16;
	[tilespmem:v31+s25+$0x0] =	vst.idx.msk $0xffff, v12;
	v12 =	vor.u32 v27, v2  }
0x7e: {  	v17 =	vmul.f32 $8.000000000e+00, v17;
	[tilespmem:v32+s25+$0x0] =	vst.idx.msk $0xffff, v13;
	v13 =	vor.u32 v27, v4  }
0x7f: {  	v18 =	vmul.f32 $8.000000000e+00, v18;
	[tilespmem:v14+s25+$0x0] =	vst.idx.msk $0xffff, v16;
	v14 =	vor.u32 v27, v5;
	v16 =	vmul.f32 $8.000000000e+00, v19;
	v19 =	vld [tilespmem:$0x1FEE0]  }
0x80: {  	[tilespmem:v15+s25+$0x0] =	vst.idx.msk $0xffff, v17;
	v15 =	vor.u32 v27, v6;
	v17 =	vmul.f32 $8.000000000e+00, v20;
	v20 =	vld [tilespmem:$0x1FEF0]  }
0x81: {  	[tilespmem:v11+s25+$0x0] =	vst.idx.msk $0xffff, v18;
	v18 =	vmul.f32 $8.000000000e+00, v21;
	v21 =	vld [tilespmem:$0x1FF00]  }
0x82: {  	v11 =	vor.u32 v27, v7;
	[tilespmem:v12+s25+$0x0] =	vst.idx.msk $0xffff, v16;
	v16 =	vmul.f32 $8.000000000e+00, v22;
	v22 =	vld [tilespmem:$0x1FF10]  }
0x83: {  	[tilespmem:v13+s25+$0x0] =	vst.idx.msk $0xffff, v17;
	v17 =	vmul.f32 $8.000000000e+00, v23;
	v23 =	vld [tilespmem:$0x1FF20]  }
0x84: {  	v12 =	vor.u32 v27, v8;
	[tilespmem:v14+s25+$0x0] =	vst.idx.msk $0xffff, v18;
	v18 =	vmul.f32 $8.000000000e+00, v24;
	v24 =	vld [tilespmem:$0x1FF30]  }
0x85: {  	[tilespmem:v15+s25+$0x0] =	vst.idx.msk $0xffff, v16;
	v15 =	vld [tilespmem:$0x1FE60]  }
0x86: {  	v13 =	vor.u32 v27, v9;
	v16 =	vmul.f32 $8.000000000e+00, v25;
	v25 =	vld [tilespmem:$0x1FF40]  }
0x87: {  	[tilespmem:v11+s25+$0x0] =	vst.idx.msk $0xffff, v17;
	v11 =	vld [tilespmem:$0x1FE70]  }
0x88: {  	v14 =	vor.u32 v27, v10;
	v17 =	vmul.f32 $8.000000000e+00, v26;
	v26 =	vld [tilespmem:$0x1FF50]  }
0x89: {  	[tilespmem:v12+s25+$0x0] =	vst.idx.msk $0xffff, v18;
	v12 =	vld [tilespmem:$0x1FE80]  }
0x8a: {  	v19 =	vor.u32 v19, v0;
	v18 =	vld [tilespmem:$0x1FED0]  }
0x8b: {  	v20 =	vor.u32 v20, v0;
	[tilespmem:v13+s25+$0x0] =	vst.idx.msk $0xffff, v16;
	v13 =	vld [tilespmem:$0x1FE90]  }
0x8c: {  	v21 =	vor.u32 v21, v0;
	v16 =	vld [tilespmem:$0x1FEB0]  }
0x8d: {  	v22 =	vor.u32 v22, v0;
	[tilespmem:v14+s25+$0x0] =	vst.idx.msk $0xffff, v17;
	v14 =	vld [tilespmem:$0x1FEA0]  }
0x8e: {  	v23 =	vor.u32 v23, v0;
	v17 =	vld [tilespmem:$0x1FEC0]  }
0x8f: {  	v24 =	vor.u32 v24, v0;
	v19 =	vld.idx.msk [tilespmem:v19+s18+$0x0], $0xffff  }
0x90: {  	v15 =	vor.u32 v15, v0;
	v20 =	vld.idx.msk [tilespmem:v20+s18+$0x0], $0xffff  }
0x91: {  	v25 =	vor.u32 v25, v0;
	v21 =	vld.idx.msk [tilespmem:v21+s18+$0x0], $0xffff  }
0x92: {  	v11 =	vor.u32 v11, v0;
	v22 =	vld.idx.msk [tilespmem:v22+s18+$0x0], $0xffff  }
0x93: {  	v26 =	vor.u32 v26, v0;
	v23 =	vld.idx.msk [tilespmem:v23+s18+$0x0], $0xffff  }
0x94: {  	v12 =	vor.u32 v12, v0;
	v24 =	vld.idx.msk [tilespmem:v24+s18+$0x0], $0xffff  }
0x95: {  	v13 =	vor.u32 v13, v0;
	v15 =	vld.idx.msk [tilespmem:v15+s18+$0x0], $0xffff  }
0x96: {  	v14 =	vor.u32 v14, v0;
	v25 =	vld.idx.msk [tilespmem:v25+s18+$0x0], $0xffff  }
0x97: {  	v16 =	vor.u32 v16, v0;
	v11 =	vld.idx.msk [tilespmem:v11+s18+$0x0], $0xffff  }
0x98: {  	v27 =	vor.u32 $0x4000, v3;
	v17 =	vor.u32 v17, v0;
	v26 =	vld.idx.msk [tilespmem:v26+s18+$0x0], $0xffff  }
0x99: {  	v28 =	vor.u32 v27, v2;
	v18 =	vor.u32 v18, v0;
	v12 =	vld.idx.msk [tilespmem:v12+s18+$0x0], $0xffff  }
0x9a: {  	v29 =	vor.u32 v27, v4;
	v13 =	vld.idx.msk [tilespmem:v13+s18+$0x0], $0xffff  }
0x9b: {  	v30 =	vor.u32 v27, v5;
	v14 =	vld.idx.msk [tilespmem:v14+s18+$0x0], $0xffff  }
0x9c: {  	v31 =	vor.u32 v27, v6;
	v16 =	vld.idx.msk [tilespmem:v16+s18+$0x0], $0xffff;
	v15 =	vmul.f32 $8.000000000e+00, v15  }
0x9d: {  	v32 =	vor.u32 v27, v7;
	v17 =	vld.idx.msk [tilespmem:v17+s18+$0x0], $0xffff;
	v11 =	vmul.f32 $8.000000000e+00, v11  }
0x9e: {  	v18 =	vld.idx.msk [tilespmem:v18+s18+$0x0], $0xffff;
	v12 =	vmul.f32 $8.000000000e+00, v12;
	[tilespmem:v28+s25+$0x0] =	vst.idx.msk $0xffff, v15;
	v15 =	vor.u32 v27, v8  }
0x9f: {  	v13 =	vmul.f32 $8.000000000e+00, v13;
	[tilespmem:v29+s25+$0x0] =	vst.idx.msk $0xffff, v11;
	v11 =	vor.u32 v27, v9  }
0xa0: {  	v14 =	vmul.f32 $8.000000000e+00, v14;
	[tilespmem:v30+s25+$0x0] =	vst.idx.msk $0xffff, v12;
	v12 =	vor.u32 v27, v10;
	v27 =	vor.u32 $0x4400, v3  }
0xa1: {  	v16 =	vmul.f32 $8.000000000e+00, v16;
	[tilespmem:v31+s25+$0x0] =	vst.idx.msk $0xffff, v13;
	v13 =	vor.u32 v27, v2  }
0xa2: {  	v17 =	vmul.f32 $8.000000000e+00, v17;
	[tilespmem:v32+s25+$0x0] =	vst.idx.msk $0xffff, v14;
	v14 =	vor.u32 v27, v4  }
0xa3: {  	v18 =	vmul.f32 $8.000000000e+00, v18;
	[tilespmem:v15+s25+$0x0] =	vst.idx.msk $0xffff, v16;
	v15 =	vor.u32 v27, v5  }
0xa4: {  	v16 =	vmul.f32 $8.000000000e+00, v19;
	[tilespmem:v11+s25+$0x0] =	vst.idx.msk $0xffff, v17;
	v11 =	vor.u32 v27, v6  }
0xa5: {  	v17 =	vmul.f32 $8.000000000e+00, v20;
	[tilespmem:v12+s25+$0x0] =	vst.idx.msk $0xffff, v18;
	v12 =	vor.u32 v27, v7  }
0xa6: {  	v18 =	vmul.f32 $8.000000000e+00, v21;
	[tilespmem:v13+s25+$0x0] =	vst.idx.msk $0xffff, v16;
	v13 =	vor.u32 v27, v8  }
0xa7: {  	v16 =	vmul.f32 $8.000000000e+00, v22;
	[tilespmem:v14+s25+$0x0] =	vst.idx.msk $0xffff, v17;
	v14 =	vor.u32 v27, v9  }
0xa8: {  	v20 =	vor.u32 $0x2430, v1;
	v17 =	vmul.f32 $8.000000000e+00, v23;
	[tilespmem:v15+s25+$0x0] =	vst.idx.msk $0xffff, v18;
	v15 =	vor.u32 v27, v10  }
0xa9: {  	v20 =	vor.u32 v20, v0;
	v21 =	vor.u32 $0x2830, v1;
	v18 =	vmul.f32 $8.000000000e+00, v24;
	[tilespmem:v11+s25+$0x0] =	vst.idx.msk $0xffff, v16  }
0xaa: {  	v19 =	vmul.f32 $8.000000000e+00, v25;
	v21 =	vor.u32 v21, v0;
	v22 =	vor.u32 $0x2C30, v1;
	[tilespmem:v12+s25+$0x0] =	vst.idx.msk $0xffff, v17  }
0xab: {  	v22 =	vor.u32 v22, v0;
	v23 =	vor.u32 $0x3030, v1;
	v17 =	vmul.f32 $8.000000000e+00, v26;
	[tilespmem:v13+s25+$0x0] =	vst.idx.msk $0xffff, v18  }
0xac: {  	v23 =	vor.u32 v23, v0;
	v24 =	vor.u32 $0x3430, v1;
	v11 =	vld [tilespmem:$0x1FF60];
	[tilespmem:v14+s25+$0x0] =	vst.idx.msk $0xffff, v19  }
0xad: {  	v25 =	vor.u32 $0x3830, v1;
	v24 =	vor.u32 v24, v0;
	[tilespmem:v15+s25+$0x0] =	vst.idx.msk $0xffff, v17  }
0xae: {  	v25 =	vor.u32 v25, v0;
	v16 =	vor.u32 $0x430, v1;
	v20 =	vld.idx.msk [tilespmem:v20+s18+$0x0], $0xffff  }
0xaf: {  	v12 =	vor.u32 v16, v0;
	v16 =	vor.u32 $0x830, v1;
	v21 =	vld.idx.msk [tilespmem:v21+s18+$0x0], $0xffff  }
0xb0: {  	v13 =	vor.u32 v16, v0;
	v22 =	vld.idx.msk [tilespmem:v22+s18+$0x0], $0xffff  }
0xb1: {  	v26 =	vor.u32 $0x3C30, v1;
	v11 =	vor.u32 v11, v0;
	v23 =	vld.idx.msk [tilespmem:v23+s18+$0x0], $0xffff  }
0xb2: {  	v16 =	vor.u32 $0xC30, v1;
	v26 =	vor.u32 v26, v0;
	v24 =	vld.idx.msk [tilespmem:v24+s18+$0x0], $0xffff  }
0xb3: {  	v18 =	vor.u32 $0x1C30, v1;
	v14 =	vor.u32 v16, v0;
	v25 =	vld.idx.msk [tilespmem:v25+s18+$0x0], $0xffff  }
0xb4: {  	v16 =	vor.u32 $0x1030, v1;
	v18 =	vor.u32 v18, v0;
	v12 =	vld.idx.msk [tilespmem:v12+s18+$0x0], $0xffff  }
0xb5: {  	v15 =	vor.u32 v16, v0;
	v16 =	vor.u32 $0x1430, v1;
	v13 =	vld.idx.msk [tilespmem:v13+s18+$0x0], $0xffff  }
0xb6: {  	v17 =	vor.u32 $0x1830, v1;
	v16 =	vor.u32 v16, v0;
	v11 =	vld.idx.msk [tilespmem:v11+s18+$0x0], $0xffff  }
0xb7: {  	v27 =	vor.u32 $0x6000, v3;
	v19 =	vor.u32 $0x2030, v1;
	v17 =	vor.u32 v17, v0;
	v26 =	vld.idx.msk [tilespmem:v26+s18+$0x0], $0xffff  }
0xb8: {  	v28 =	vor.u32 v27, v2;
	v19 =	vor.u32 v19, v0;
	v14 =	vld.idx.msk [tilespmem:v14+s18+$0x0], $0xffff  }
0xb9: {  	v29 =	vor.u32 v27, v4;
	v18 =	vld.idx.msk [tilespmem:v18+s18+$0x0], $0xffff  }
0xba: {  	v30 =	vor.u32 v27, v5;
	v15 =	vld.idx.msk [tilespmem:v15+s18+$0x0], $0xffff  }
0xbb: {  	v31 =	vor.u32 v27, v6;
	v16 =	vld.idx.msk [tilespmem:v16+s18+$0x0], $0xffff;
	v11 =	vmul.f32 $8.000000000e+00, v11  }
0xbc: {  	v32 =	vor.u32 v27, v7;
	v17 =	vld.idx.msk [tilespmem:v17+s18+$0x0], $0xffff;
	v12 =	vmul.f32 $8.000000000e+00, v12  }
0xbd: {  	v19 =	vld.idx.msk [tilespmem:v19+s18+$0x0], $0xffff;
	v13 =	vmul.f32 $8.000000000e+00, v13;
	[tilespmem:v28+s25+$0x0] =	vst.idx.msk $0xffff, v11;
	v11 =	vor.u32 v27, v8  }
0xbe: {  	v14 =	vmul.f32 $8.000000000e+00, v14;
	[tilespmem:v29+s25+$0x0] =	vst.idx.msk $0xffff, v12;
	v12 =	vor.u32 v27, v9  }
0xbf: {  	v15 =	vmul.f32 $8.000000000e+00, v15;
	[tilespmem:v30+s25+$0x0] =	vst.idx.msk $0xffff, v13;
	v13 =	vor.u32 v27, v10;
	v27 =	vor.u32 $0x6400, v3  }
0xc0: {  	v16 =	vmul.f32 $8.000000000e+00, v16;
	[tilespmem:v31+s25+$0x0] =	vst.idx.msk $0xffff, v14;
	v14 =	vor.u32 v27, v2  }
0xc1: {  	v17 =	vmul.f32 $8.000000000e+00, v17;
	[tilespmem:v32+s25+$0x0] =	vst.idx.msk $0xffff, v15;
	v15 =	vor.u32 v27, v4  }
0xc2: {  	v18 =	vmul.f32 $8.000000000e+00, v18;
	[tilespmem:v11+s25+$0x0] =	vst.idx.msk $0xffff, v16;
	v11 =	vor.u32 v27, v5  }
0xc3: {  	v16 =	vmul.f32 $8.000000000e+00, v19;
	[tilespmem:v12+s25+$0x0] =	vst.idx.msk $0xffff, v17;
	v12 =	vor.u32 v27, v6  }
0xc4: {  	v17 =	vmul.f32 $8.000000000e+00, v20;
	[tilespmem:v13+s25+$0x0] =	vst.idx.msk $0xffff, v18;
	v13 =	vor.u32 v27, v7  }
0xc5: {  	v18 =	vmul.f32 $8.000000000e+00, v21;
	[tilespmem:v14+s25+$0x0] =	vst.idx.msk $0xffff, v16;
	v14 =	vor.u32 v27, v8  }
0xc6: {  	v16 =	vmul.f32 $8.000000000e+00, v22;
	[tilespmem:v15+s25+$0x0] =	vst.idx.msk $0xffff, v17;
	v15 =	vor.u32 v27, v9  }
0xc7: {  	v17 =	vmul.f32 $8.000000000e+00, v23;
	[tilespmem:v11+s25+$0x0] =	vst.idx.msk $0xffff, v18;
	v11 =	vor.u32 v27, v10;
	v18 =	vor.u32 $0x4000, v1  }
0xc8: {  	v19 =	vmul.f32 $8.000000000e+00, v24;
	v20 =	vor.u32 $0x6400, v1;
	[tilespmem:v12+s25+$0x0] =	vst.idx.msk $0xffff, v16;
	v12 =	vor.u32 v18, v0  }
0xc9: {  	v20 =	vor.u32 v20, v0;
	v21 =	vor.u32 $0x6800, v1;
	v18 =	vmul.f32 $8.000000000e+00, v25;
	[tilespmem:v13+s25+$0x0] =	vst.idx.msk $0xffff, v17  }
0xca: {  	v21 =	vor.u32 v21, v0;
	v22 =	vor.u32 $0x6C00, v1;
	v17 =	vmul.f32 $8.000000000e+00, v26;
	[tilespmem:v14+s25+$0x0] =	vst.idx.msk $0xffff, v19  }
0xcb: {  	v22 =	vor.u32 v22, v0;
	v23 =	vor.u32 $0x7000, v1;
	[tilespmem:v15+s25+$0x0] =	vst.idx.msk $0xffff, v18  }
0xcc: {  	v24 =	vor.u32 $0x7400, v1;
	v23 =	vor.u32 v23, v0;
	[tilespmem:v11+s25+$0x0] =	vst.idx.msk $0xffff, v17  }
0xcd: {  	v24 =	vor.u32 v24, v0;
	v16 =	vor.u32 $0x4400, v1;
	v12 =	vld.idx.msk [tilespmem:v12+s18+$0x0], $0xffff  }
0xce: {  	v25 =	vor.u32 $0x7800, v1;
	v13 =	vor.u32 v16, v0;
	v20 =	vld.idx.msk [tilespmem:v20+s18+$0x0], $0xffff  }
0xcf: {  	v16 =	vor.u32 $0x4800, v1;
	v25 =	vor.u32 v25, v0;
	v21 =	vld.idx.msk [tilespmem:v21+s18+$0x0], $0xffff  }
0xd0: {  	v26 =	vor.u32 $0x7C00, v1;
	v14 =	vor.u32 v16, v0;
	v22 =	vld.idx.msk [tilespmem:v22+s18+$0x0], $0xffff  }
0xd1: {  	v16 =	vor.u32 $0x4C00, v1;
	v26 =	vor.u32 v26, v0;
	v23 =	vld.idx.msk [tilespmem:v23+s18+$0x0], $0xffff  }
0xd2: {  	v19 =	vor.u32 $0x6000, v1;
	v15 =	vor.u32 v16, v0;
	v24 =	vld.idx.msk [tilespmem:v24+s18+$0x0], $0xffff  }
0xd3: {  	v16 =	vor.u32 $0x5000, v1;
	v19 =	vor.u32 v19, v0;
	v13 =	vld.idx.msk [tilespmem:v13+s18+$0x0], $0xffff  }
0xd4: {  	v11 =	vor.u32 v16, v0;
	v16 =	vor.u32 $0x5400, v1;
	v25 =	vld.idx.msk [tilespmem:v25+s18+$0x0], $0xffff  }
0xd5: {  	v17 =	vor.u32 $0x5800, v1;
	v16 =	vor.u32 v16, v0;
	v14 =	vld.idx.msk [tilespmem:v14+s18+$0x0], $0xffff  }
0xd6: {  	v27 =	vor.u32 $0x800, v3;
	v18 =	vor.u32 $0x5C00, v1;
	v17 =	vor.u32 v17, v0;
	v26 =	vld.idx.msk [tilespmem:v26+s18+$0x0], $0xffff  }
0xd7: {  	v28 =	vor.u32 v27, v2;
	v18 =	vor.u32 v18, v0;
	v15 =	vld.idx.msk [tilespmem:v15+s18+$0x0], $0xffff  }
0xd8: {  	v29 =	vor.u32 v27, v4;
	v19 =	vld.idx.msk [tilespmem:v19+s18+$0x0], $0xffff  }
0xd9: {  	v30 =	vor.u32 v27, v5;
	v11 =	vld.idx.msk [tilespmem:v11+s18+$0x0], $0xffff  }
0xda: {  	v31 =	vor.u32 v27, v6;
	v16 =	vld.idx.msk [tilespmem:v16+s18+$0x0], $0xffff;
	v12 =	vmul.f32 $8.000000000e+00, v12  }
0xdb: {  	v32 =	vor.u32 v27, v7;
	v17 =	vld.idx.msk [tilespmem:v17+s18+$0x0], $0xffff;
	v13 =	vmul.f32 $8.000000000e+00, v13  }
0xdc: {  	v18 =	vld.idx.msk [tilespmem:v18+s18+$0x0], $0xffff;
	v14 =	vmul.f32 $8.000000000e+00, v14;
	[tilespmem:v28+s25+$0x0] =	vst.idx.msk $0xffff, v12;
	v12 =	vor.u32 v27, v8  }
0xdd: {  	v15 =	vmul.f32 $8.000000000e+00, v15;
	[tilespmem:v29+s25+$0x0] =	vst.idx.msk $0xffff, v13;
	v13 =	vor.u32 v27, v9  }
0xde: {  	v11 =	vmul.f32 $8.000000000e+00, v11;
	[tilespmem:v30+s25+$0x0] =	vst.idx.msk $0xffff, v14;
	v14 =	vor.u32 v27, v10;
	v27 =	vor.u32 $0xC00, v3  }
0xdf: {  	v16 =	vmul.f32 $8.000000000e+00, v16;
	[tilespmem:v31+s25+$0x0] =	vst.idx.msk $0xffff, v15;
	v15 =	vor.u32 v27, v2  }
0xe0: {  	v17 =	vmul.f32 $8.000000000e+00, v17;
	[tilespmem:v32+s25+$0x0] =	vst.idx.msk $0xffff, v11;
	v11 =	vor.u32 v27, v4  }
0xe1: {  	v18 =	vmul.f32 $8.000000000e+00, v18;
	[tilespmem:v12+s25+$0x0] =	vst.idx.msk $0xffff, v16;
	v12 =	vor.u32 v27, v5  }
0xe2: {  	v16 =	vmul.f32 $8.000000000e+00, v19;
	[tilespmem:v13+s25+$0x0] =	vst.idx.msk $0xffff, v17;
	v13 =	vor.u32 v27, v6  }
0xe3: {  	v17 =	vmul.f32 $8.000000000e+00, v20;
	[tilespmem:v14+s25+$0x0] =	vst.idx.msk $0xffff, v18;
	v14 =	vor.u32 v27, v7  }
0xe4: {  	v18 =	vmul.f32 $8.000000000e+00, v21;
	[tilespmem:v15+s25+$0x0] =	vst.idx.msk $0xffff, v16;
	v15 =	vor.u32 v27, v8  }
0xe5: {  	v16 =	vmul.f32 $8.000000000e+00, v22;
	[tilespmem:v11+s25+$0x0] =	vst.idx.msk $0xffff, v17;
	v11 =	vor.u32 v27, v9  }
0xe6: {  	v17 =	vmul.f32 $8.000000000e+00, v23;
	[tilespmem:v12+s25+$0x0] =	vst.idx.msk $0xffff, v18;
	v12 =	vor.u32 v27, v10;
	v18 =	vor.u32 $0x4010, v1  }
0xe7: {  	v19 =	vmul.f32 $8.000000000e+00, v24;
	v20 =	vor.u32 $0x6410, v1;
	[tilespmem:v13+s25+$0x0] =	vst.idx.msk $0xffff, v16;
	v13 =	vor.u32 v18, v0  }
0xe8: {  	v20 =	vor.u32 v20, v0;
	v21 =	vor.u32 $0x6810, v1;
	v18 =	vmul.f32 $8.000000000e+00, v25;
	[tilespmem:v14+s25+$0x0] =	vst.idx.msk $0xffff, v17  }
0xe9: {  	v21 =	vor.u32 v21, v0;
	v22 =	vor.u32 $0x6C10, v1;
	v17 =	vmul.f32 $8.000000000e+00, v26;
	[tilespmem:v15+s25+$0x0] =	vst.idx.msk $0xffff, v19  }
0xea: {  	v22 =	vor.u32 v22, v0;
	v23 =	vor.u32 $0x7010, v1;
	[tilespmem:v11+s25+$0x0] =	vst.idx.msk $0xffff, v18  }
0xeb: {  	v24 =	vor.u32 $0x7410, v1;
	v23 =	vor.u32 v23, v0;
	[tilespmem:v12+s25+$0x0] =	vst.idx.msk $0xffff, v17  }
0xec: {  	v24 =	vor.u32 v24, v0;
	v16 =	vor.u32 $0x4410, v1;
	v13 =	vld.idx.msk [tilespmem:v13+s18+$0x0], $0xffff  }
0xed: {  	v25 =	vor.u32 $0x7810, v1;
	v14 =	vor.u32 v16, v0;
	v20 =	vld.idx.msk [tilespmem:v20+s18+$0x0], $0xffff  }
0xee: {  	v16 =	vor.u32 $0x4810, v1;
	v25 =	vor.u32 v25, v0;
	v21 =	vld.idx.msk [tilespmem:v21+s18+$0x0], $0xffff  }
0xef: {  	v26 =	vor.u32 $0x7C10, v1;
	v15 =	vor.u32 v16, v0;
	v22 =	vld.idx.msk [tilespmem:v22+s18+$0x0], $0xffff  }
0xf0: {  	v16 =	vor.u32 $0x4C10, v1;
	v26 =	vor.u32 v26, v0;
	v23 =	vld.idx.msk [tilespmem:v23+s18+$0x0], $0xffff  }
0xf1: {  	v19 =	vor.u32 $0x6010, v1;
	v11 =	vor.u32 v16, v0;
	v24 =	vld.idx.msk [tilespmem:v24+s18+$0x0], $0xffff  }
0xf2: {  	v16 =	vor.u32 $0x5010, v1;
	v19 =	vor.u32 v19, v0;
	v14 =	vld.idx.msk [tilespmem:v14+s18+$0x0], $0xffff  }
0xf3: {  	v12 =	vor.u32 v16, v0;
	v16 =	vor.u32 $0x5410, v1;
	v25 =	vld.idx.msk [tilespmem:v25+s18+$0x0], $0xffff  }
0xf4: {  	v17 =	vor.u32 $0x5810, v1;
	v16 =	vor.u32 v16, v0;
	v15 =	vld.idx.msk [tilespmem:v15+s18+$0x0], $0xffff  }
0xf5: {  	v27 =	vor.u32 $0x2800, v3;
	v18 =	vor.u32 $0x5C10, v1;
	v17 =	vor.u32 v17, v0;
	v26 =	vld.idx.msk [tilespmem:v26+s18+$0x0], $0xffff  }
0xf6: {  	v28 =	vor.u32 v27, v2;
	v18 =	vor.u32 v18, v0;
	v11 =	vld.idx.msk [tilespmem:v11+s18+$0x0], $0xffff  }
0xf7: {  	v29 =	vor.u32 v27, v4;
	v19 =	vld.idx.msk [tilespmem:v19+s18+$0x0], $0xffff  }
0xf8: {  	v30 =	vor.u32 v27, v5;
	v12 =	vld.idx.msk [tilespmem:v12+s18+$0x0], $0xffff  }
0xf9: {  	v31 =	vor.u32 v27, v6;
	v16 =	vld.idx.msk [tilespmem:v16+s18+$0x0], $0xffff;
	v13 =	vmul.f32 $8.000000000e+00, v13  }
0xfa: {  	v32 =	vor.u32 v27, v7;
	v17 =	vld.idx.msk [tilespmem:v17+s18+$0x0], $0xffff;
	v14 =	vmul.f32 $8.000000000e+00, v14  }
0xfb: {  	v18 =	vld.idx.msk [tilespmem:v18+s18+$0x0], $0xffff;
	v15 =	vmul.f32 $8.000000000e+00, v15;
	[tilespmem:v28+s25+$0x0] =	vst.idx.msk $0xffff, v13;
	v13 =	vor.u32 v27, v8  }
0xfc: {  	v11 =	vmul.f32 $8.000000000e+00, v11;
	[tilespmem:v29+s25+$0x0] =	vst.idx.msk $0xffff, v14;
	v14 =	vor.u32 v27, v9  }
0xfd: {  	v12 =	vmul.f32 $8.000000000e+00, v12;
	[tilespmem:v30+s25+$0x0] =	vst.idx.msk $0xffff, v15;
	v15 =	vor.u32 v27, v10;
	v27 =	vor.u32 $0x2C00, v3  }
0xfe: {  	v16 =	vmul.f32 $8.000000000e+00, v16;
	[tilespmem:v31+s25+$0x0] =	vst.idx.msk $0xffff, v11;
	v11 =	vor.u32 v27, v2  }
0xff: {  	v17 =	vmul.f32 $8.000000000e+00, v17;
	[tilespmem:v32+s25+$0x0] =	vst.idx.msk $0xffff, v12;
	v12 =	vor.u32 v27, v4  }
0x100: {  	v18 =	vmul.f32 $8.000000000e+00, v18;
	[tilespmem:v13+s25+$0x0] =	vst.idx.msk $0xffff, v16;
	v13 =	vor.u32 v27, v5  }
0x101: {  	v16 =	vmul.f32 $8.000000000e+00, v19;
	[tilespmem:v14+s25+$0x0] =	vst.idx.msk $0xffff, v17;
	v14 =	vor.u32 v27, v6  }
0x102: {  	v17 =	vmul.f32 $8.000000000e+00, v20;
	[tilespmem:v15+s25+$0x0] =	vst.idx.msk $0xffff, v18;
	v15 =	vor.u32 v27, v7  }
0x103: {  	v18 =	vmul.f32 $8.000000000e+00, v21;
	[tilespmem:v11+s25+$0x0] =	vst.idx.msk $0xffff, v16;
	v11 =	vor.u32 v27, v8  }
0x104: {  	v16 =	vmul.f32 $8.000000000e+00, v22;
	[tilespmem:v12+s25+$0x0] =	vst.idx.msk $0xffff, v17;
	v12 =	vor.u32 v27, v9  }
0x105: {  	v17 =	vmul.f32 $8.000000000e+00, v23;
	[tilespmem:v13+s25+$0x0] =	vst.idx.msk $0xffff, v18;
	v13 =	vor.u32 v27, v10;
	v18 =	vor.u32 $0x4020, v1  }
0x106: {  	v19 =	vmul.f32 $8.000000000e+00, v24;
	v20 =	vor.u32 $0x6420, v1;
	[tilespmem:v14+s25+$0x0] =	vst.idx.msk $0xffff, v16;
	v14 =	vor.u32 v18, v0  }
0x107: {  	v20 =	vor.u32 v20, v0;
	v21 =	vor.u32 $0x6820, v1;
	v18 =	vmul.f32 $8.000000000e+00, v25;
	[tilespmem:v15+s25+$0x0] =	vst.idx.msk $0xffff, v17  }
0x108: {  	v21 =	vor.u32 v21, v0;
	v22 =	vor.u32 $0x6C20, v1;
	v17 =	vmul.f32 $8.000000000e+00, v26;
	[tilespmem:v11+s25+$0x0] =	vst.idx.msk $0xffff, v19  }
0x109: {  	v22 =	vor.u32 v22, v0;
	v23 =	vor.u32 $0x7020, v1;
	[tilespmem:v12+s25+$0x0] =	vst.idx.msk $0xffff, v18  }
0x10a: {  	v24 =	vor.u32 $0x7420, v1;
	v23 =	vor.u32 v23, v0;
	[tilespmem:v13+s25+$0x0] =	vst.idx.msk $0xffff, v17  }
0x10b: {  	v24 =	vor.u32 v24, v0;
	v16 =	vor.u32 $0x4420, v1;
	v14 =	vld.idx.msk [tilespmem:v14+s18+$0x0], $0xffff  }
0x10c: {  	v25 =	vor.u32 $0x7820, v1;
	v15 =	vor.u32 v16, v0;
	v20 =	vld.idx.msk [tilespmem:v20+s18+$0x0], $0xffff  }
0x10d: {  	v16 =	vor.u32 $0x4820, v1;
	v25 =	vor.u32 v25, v0;
	v21 =	vld.idx.msk [tilespmem:v21+s18+$0x0], $0xffff  }
0x10e: {  	v26 =	vor.u32 $0x7C20, v1;
	v11 =	vor.u32 v16, v0;
	v22 =	vld.idx.msk [tilespmem:v22+s18+$0x0], $0xffff  }
0x10f: {  	v16 =	vor.u32 $0x4C20, v1;
	v26 =	vor.u32 v26, v0;
	v23 =	vld.idx.msk [tilespmem:v23+s18+$0x0], $0xffff  }
0x110: {  	v19 =	vor.u32 $0x6020, v1;
	v12 =	vor.u32 v16, v0;
	v24 =	vld.idx.msk [tilespmem:v24+s18+$0x0], $0xffff  }
0x111: {  	v16 =	vor.u32 $0x5020, v1;
	v19 =	vor.u32 v19, v0;
	v15 =	vld.idx.msk [tilespmem:v15+s18+$0x0], $0xffff  }
0x112: {  	v13 =	vor.u32 v16, v0;
	v16 =	vor.u32 $0x5420, v1;
	v25 =	vld.idx.msk [tilespmem:v25+s18+$0x0], $0xffff  }
0x113: {  	v17 =	vor.u32 $0x5820, v1;
	v16 =	vor.u32 v16, v0;
	v11 =	vld.idx.msk [tilespmem:v11+s18+$0x0], $0xffff  }
0x114: {  	v27 =	vor.u32 $0x4800, v3;
	v18 =	vor.u32 $0x5C20, v1;
	v17 =	vor.u32 v17, v0;
	v26 =	vld.idx.msk [tilespmem:v26+s18+$0x0], $0xffff  }
0x115: {  	v28 =	vor.u32 v27, v2;
	v18 =	vor.u32 v18, v0;
	v12 =	vld.idx.msk [tilespmem:v12+s18+$0x0], $0xffff  }
0x116: {  	v29 =	vor.u32 v27, v4;
	v19 =	vld.idx.msk [tilespmem:v19+s18+$0x0], $0xffff  }
0x117: {  	v30 =	vor.u32 v27, v5;
	v13 =	vld.idx.msk [tilespmem:v13+s18+$0x0], $0xffff  }
0x118: {  	v31 =	vor.u32 v27, v6;
	v16 =	vld.idx.msk [tilespmem:v16+s18+$0x0], $0xffff;
	v14 =	vmul.f32 $8.000000000e+00, v14  }
0x119: {  	v32 =	vor.u32 v27, v7;
	v17 =	vld.idx.msk [tilespmem:v17+s18+$0x0], $0xffff;
	v15 =	vmul.f32 $8.000000000e+00, v15  }
0x11a: {  	v18 =	vld.idx.msk [tilespmem:v18+s18+$0x0], $0xffff;
	[tilespmem:v28+s25+$0x0] =	vst.idx.msk $0xffff, v14;
	v11 =	vmul.f32 $8.000000000e+00, v11;
	v14 =	vor.u32 v27, v8  }
0x11b: {  	v12 =	vmul.f32 $8.000000000e+00, v12;
	[tilespmem:v29+s25+$0x0] =	vst.idx.msk $0xffff, v15;
	v15 =	vor.u32 v27, v9  }
0x11c: {  	v13 =	vmul.f32 $8.000000000e+00, v13;
	[tilespmem:v30+s25+$0x0] =	vst.idx.msk $0xffff, v11;
	v11 =	vor.u32 v27, v10;
	v27 =	vor.u32 $0x4C00, v3  }
0x11d: {  	v16 =	vmul.f32 $8.000000000e+00, v16;
	[tilespmem:v31+s25+$0x0] =	vst.idx.msk $0xffff, v12;
	v12 =	vor.u32 v27, v2  }
0x11e: {  	v17 =	vmul.f32 $8.000000000e+00, v17;
	[tilespmem:v32+s25+$0x0] =	vst.idx.msk $0xffff, v13;
	v13 =	vor.u32 v27, v4  }
0x11f: {  	v18 =	vmul.f32 $8.000000000e+00, v18;
	[tilespmem:v14+s25+$0x0] =	vst.idx.msk $0xffff, v16;
	v14 =	vor.u32 v27, v5  }
0x120: {  	v16 =	vmul.f32 $8.000000000e+00, v19;
	[tilespmem:v15+s25+$0x0] =	vst.idx.msk $0xffff, v17;
	v15 =	vor.u32 v27, v6  }
0x121: {  	v17 =	vmul.f32 $8.000000000e+00, v20;
	[tilespmem:v11+s25+$0x0] =	vst.idx.msk $0xffff, v18;
	v11 =	vor.u32 v27, v7  }
0x122: {  	v18 =	vmul.f32 $8.000000000e+00, v21;
	[tilespmem:v12+s25+$0x0] =	vst.idx.msk $0xffff, v16;
	v12 =	vor.u32 v27, v8  }
0x123: {  	v16 =	vmul.f32 $8.000000000e+00, v22;
	[tilespmem:v13+s25+$0x0] =	vst.idx.msk $0xffff, v17;
	v13 =	vor.u32 v27, v9  }
0x124: {  	v17 =	vmul.f32 $8.000000000e+00, v23;
	[tilespmem:v14+s25+$0x0] =	vst.idx.msk $0xffff, v18;
	v14 =	vor.u32 v27, v10;
	v18 =	vor.u32 $0x4030, v1  }
0x125: {  	v19 =	vmul.f32 $8.000000000e+00, v24;
	v20 =	vor.u32 $0x6430, v1;
	[tilespmem:v15+s25+$0x0] =	vst.idx.msk $0xffff, v16;
	v15 =	vor.u32 v18, v0  }
0x126: {  	v20 =	vor.u32 v20, v0;
	v21 =	vor.u32 $0x6830, v1;
	v18 =	vmul.f32 $8.000000000e+00, v25;
	[tilespmem:v11+s25+$0x0] =	vst.idx.msk $0xffff, v17  }
0x127: {  	v21 =	vor.u32 v21, v0;
	v22 =	vor.u32 $0x6C30, v1;
	v17 =	vmul.f32 $8.000000000e+00, v26;
	[tilespmem:v12+s25+$0x0] =	vst.idx.msk $0xffff, v19  }
0x128: {  	v22 =	vor.u32 v22, v0;
	v23 =	vor.u32 $0x7030, v1;
	[tilespmem:v13+s25+$0x0] =	vst.idx.msk $0xffff, v18  }
0x129: {  	v24 =	vor.u32 $0x7430, v1;
	v23 =	vor.u32 v23, v0;
	[tilespmem:v14+s25+$0x0] =	vst.idx.msk $0xffff, v17  }
0x12a: {  	v24 =	vor.u32 v24, v0;
	v16 =	vor.u32 $0x4430, v1;
	v15 =	vld.idx.msk [tilespmem:v15+s18+$0x0], $0xffff  }
0x12b: {  	v25 =	vor.u32 $0x7830, v1;
	v11 =	vor.u32 v16, v0;
	v20 =	vld.idx.msk [tilespmem:v20+s18+$0x0], $0xffff  }
0x12c: {  	v16 =	vor.u32 $0x4830, v1;
	v25 =	vor.u32 v25, v0;
	v21 =	vld.idx.msk [tilespmem:v21+s18+$0x0], $0xffff  }
0x12d: {  	v12 =	vor.u32 v16, v0;
	v16 =	vor.u32 $0x4C30, v1;
	v22 =	vld.idx.msk [tilespmem:v22+s18+$0x0], $0xffff  }
0x12e: {  	v19 =	vor.u32 $0x6030, v1;
	v13 =	vor.u32 v16, v0;
	v23 =	vld.idx.msk [tilespmem:v23+s18+$0x0], $0xffff  }
0x12f: {  	v16 =	vor.u32 $0x5030, v1;
	v19 =	vor.u32 v19, v0;
	v24 =	vld.idx.msk [tilespmem:v24+s18+$0x0], $0xffff  }
0x130: {  	v18 =	vor.u32 $0x5C30, v1;
	v14 =	vor.u32 v16, v0;
	v11 =	vld.idx.msk [tilespmem:v11+s18+$0x0], $0xffff  }
0x131: {  	v16 =	vor.u32 $0x5430, v1;
	v18 =	vor.u32 v18, v0;
	v25 =	vld.idx.msk [tilespmem:v25+s18+$0x0], $0xffff  }
0x132: {  	v26 =	vor.u32 $0x7C30, v1;
	v17 =	vor.u32 $0x5830, v1;
	v16 =	vor.u32 v16, v0;
	v12 =	vld.idx.msk [tilespmem:v12+s18+$0x0], $0xffff  }
0x133: {  	v17 =	vor.u32 v17, v0;
	v0 =	vor.u32 v26, v0;
	v26 =	vor.u32 $0x6800, v3;
	v13 =	vld.idx.msk [tilespmem:v13+s18+$0x0], $0xffff  }
0x134: {  	v27 =	vor.u32 v26, v2;
	v19 =	vld.idx.msk [tilespmem:v19+s18+$0x0], $0xffff  }
0x135: {  	v28 =	vor.u32 v26, v4;
	v14 =	vld.idx.msk [tilespmem:v14+s18+$0x0], $0xffff  }
0x136: {  	v29 =	vor.u32 v26, v5;
	v18 =	vld.idx.msk [tilespmem:v18+s18+$0x0], $0xffff  }
0x137: {  	v30 =	vor.u32 v26, v6;
	v16 =	vld.idx.msk [tilespmem:v16+s18+$0x0], $0xffff;
	v15 =	vmul.f32 $8.000000000e+00, v15  }
0x138: {  	v31 =	vor.u32 v26, v7;
	v17 =	vld.idx.msk [tilespmem:v17+s18+$0x0], $0xffff;
	v11 =	vmul.f32 $8.000000000e+00, v11  }
0x139: {  	v0 =	vld.idx.msk [tilespmem:v0+s18+$0x0], $0xffff;
	[tilespmem:v27+s25+$0x0] =	vst.idx.msk $0xffff, v15;
	v12 =	vmul.f32 $8.000000000e+00, v12;
	v15 =	vor.u32 v26, v8  }
0x13a: {  	[tilespmem:v28+s25+$0x0] =	vst.idx.msk $0xffff, v11;
	v11 =	vmul.f32 $8.000000000e+00, v13;
	v13 =	vor.u32 v26, v9  }
0x13b: {  	v3 =	vor.u32 $0x6C00, v3;
	[tilespmem:v29+s25+$0x0] =	vst.idx.msk $0xffff, v12;
	v12 =	vmul.f32 $8.000000000e+00, v14;
	v14 =	vor.u32 v26, v10  }
0x13c: {  	v2 =	vor.u32 v3, v2;
	[tilespmem:v30+s25+$0x0] =	vst.idx.msk $0xffff, v11;
	v11 =	vmul.f32 $8.000000000e+00, v16  }
0x13d: {  	v4 =	vor.u32 v3, v4;
	[tilespmem:v31+s25+$0x0] =	vst.idx.msk $0xffff, v12;
	v12 =	vmul.f32 $8.000000000e+00, v17  }
0x13e: {  	v5 =	vor.u32 v3, v5;
	v6 =	vor.u32 v3, v6;
	[tilespmem:v15+s25+$0x0] =	vst.idx.msk $0xffff, v11;
	v11 =	vmul.f32 $8.000000000e+00, v18  }
0x13f: {  	v7 =	vor.u32 v3, v7;
	v31 =	vmovc v37;
	v37 =	vmov v41;
	[tilespmem:v13+s25+$0x0] =	vst.idx.msk $0xffff, v12;
	v12 =	vmul.f32 $8.000000000e+00, v19  }
0x140: {  	v41 =	vmovc v42;
	v42 =	vmovc v45;
	v45 =	vmov v46;
	v46 =	vmov v48;
	v48 =	vld [tilespmem:$0x1FFF0];
	[tilespmem:v14+s25+$0x0] =	vst.idx.msk $0xffff, v11;
	v11 =	vmul.f32 $8.000000000e+00, v20  }
0x141: {  	v8 =	vor.u32 v3, v8;
	v15 =	vld [tilespmem:$0x1FFB0];
	[tilespmem:v2+s25+$0x0] =	vst.idx.msk $0xffff, v12;
	v2 =	vmul.f32 $8.000000000e+00, v21  }
0x142: {  	v32 =	vmul.f32 $8.000000000e+00, v22;
	v9 =	vor.u32 v3, v9;
	v18 =	vld [tilespmem:$0x1FFC0];
	[tilespmem:v4+s25+$0x0] =	vst.idx.msk $0xffff, v11  }
0x143: {  	p0 =	sne.s32 s16, $0xF;
	v13 =	vld [tilespmem:$0x1FF90];
	[tilespmem:v5+s25+$0x0] =	vst.idx.msk $0xffff, v2;
	v2 =	vor.u32 v3, v10;
	v3 =	vmul.f32 $8.000000000e+00, v23  }
.Ltmp0:
0x144: {  	v14 =	vld [tilespmem:$0x1FFA0];
	[tilespmem:v6+s25+$0x0] =	vst.idx.msk $0xffff, v32;
	v32 =	vmul.f32 $8.000000000e+00, v24;
	(pc) =	sbr.rel @p0 .LBB2_3-.Ltmp0, $4  }
0x145: {  	v20 =	vld [tilespmem:$0x1FFD0];
	[tilespmem:v7+s25+$0x0] =	vst.idx.msk $0xffff, v3;
	v3 =	vmul.f32 $8.000000000e+00, v25  }
0x146: {  	v0 =	vmul.f32 $8.000000000e+00, v0;
	v12 =	vld [tilespmem:$0x1FF80];
	[tilespmem:v8+s25+$0x0] =	vst.idx.msk $0xffff, v32  }
0x147: {  	v25 =	vld [tilespmem:$0x1FFE0];
	[tilespmem:v9+s25+$0x0] =	vst.idx.msk $0xffff, v3  }
0x148: {  	s16 =	sadd.s32 $0x1, s16;
	v22 =	vlaneseq.u32;
	v9 =	vld [tilespmem:$0x1FF70];
	[tilespmem:v2+s25+$0x0] =	vst.idx.msk $0xffff, v0  }
0x149: {  	s16 =	sshll.u32 s19, $0x12  }
0x14a: {  	s2 =	sor.u32 s2, s16  }
0x14b: {  	s21 =	rddreg [dreg:$0x2];
	s2 =	sshrl.u32 s2, $0x3  }
0x14c: {  	s16 =	sadd.s32 s21, s2  }
0x14d: {  	[hbm4b:s16+s3] =	stream.linear.scatter [tilespmem:s25], [sflag:$0x2], $0x1000, $0x38;
	[tilespmem:$0x10200] =	vst v63  }
0x14e: {  	s19 =	sadd.s32 s2, s7  }
0x14f: {  	[hbm4b:s19+s3] =	stream.linear.scatter [tilespmem:s26], [sflag:$0x2], $0x1000, $0x38;
	[tilespmem:$0x10200] =	vst v63  }
0x150: {  	s20 =	sadd.s32 s2, s8  }
0x151: {  	[hbm4b:s20+s3] =	stream.linear.scatter [tilespmem:s28], [sflag:$0x2], $0x1000, $0x38;
	[tilespmem:$0x10200] =	vst v63  }
0x152: {  	s21 =	sadd.s32 s2, s9  }
0x153: {  	[hbm4b:s21+s3] =	stream.linear.scatter [tilespmem:s29], [sflag:$0x2], $0x1000, $0x38;
	[tilespmem:$0x10200] =	vst v63  }
0x154: {  	s19 =	sadd.s32 s2, s10  }
0x155: {  	[hbm4b:s19+s3] =	stream.linear.scatter [tilespmem:s30], [sflag:$0x2], $0x1000, $0x38;
	[tilespmem:$0x10200] =	vst v63  }
0x156: {  	s20 =	sadd.s32 s2, s11  }
0x157: {  	[hbm4b:s20+s3] =	stream.linear.scatter [tilespmem:s31], [sflag:$0x2], $0x1000, $0x38;
	[tilespmem:$0x10200] =	vst v63  }
0x158: {  	s21 =	sadd.s32 s2, s12  }
0x159: {  	[hbm4b:s21+s3] =	stream.linear.scatter [tilespmem:s1], [sflag:$0x2], $0x1000, $0x38;
	[tilespmem:$0x10200] =	vst v63  }
0x15a: {  	s2 =	sadd.s32 s2, s13  }
0x15b: {  	[hbm4b:s2+s3] =	stream.linear.scatter [tilespmem:s4], [sflag:$0x2], $0x1000, $0x38;
	[tilespmem:$0x10200] =	vst v63  }
0x15c: {  	_ =	swait.ge [sflag:s14], $0x1000  }
0x15d: {  	[sflag:s14] =	ssyncset.done $0x0  }
0x15e: {  	[sflag:s14] =	ssyncadd.s32 $0xFFFFF000  }
0x15f: {  	_ =	swait.ge [sflag:s14], $0x1000  }
0x160: {  	[sflag:s14] =	ssyncset.done $0x0  }
0x161: {  	[sflag:s14] =	ssyncadd.s32 $0xFFFFF000  }
0x162: {  	_ =	swait.ge [sflag:s14], $0x1000  }
0x163: {  	[sflag:s14] =	ssyncset.done $0x0  }
0x164: {  	[sflag:s14] =	ssyncadd.s32 $0xFFFFF000  }
0x165: {  	_ =	swait.ge [sflag:s14], $0x1000  }
0x166: {  	[sflag:s14] =	ssyncset.done $0x0  }
0x167: {  	[sflag:s14] =	ssyncadd.s32 $0xFFFFF000  }
0x168: {  	_ =	swait.ge [sflag:s14], $0x1000  }
0x169: {  	[sflag:s14] =	ssyncset.done $0x0  }
0x16a: {  	[sflag:s14] =	ssyncadd.s32 $0xFFFFF000  }
0x16b: {  	_ =	swait.ge [sflag:s14], $0x1000  }
0x16c: {  	[sflag:s14] =	ssyncset.done $0x0  }
0x16d: {  	s0 =	sadd.s32 $0x1, s0;
	[sflag:s14] =	ssyncadd.s32 $0xFFFFF000  }
0x16e: {  	p0 =	sne.s32 s0, $0x32;
	_ =	swait.ge [sflag:s14], $0x1000  }
.Ltmp1:
0x16f: {  	[sflag:s14] =	ssyncset.done $0x0;
	(pc) =	sbr.rel @p0 .LBB2_2-.Ltmp1, $4  }
0x170: {  	[sflag:s14] =	ssyncadd.s32 $0xFFFFF000  }
0x171: {  	_ =	swait.ge [sflag:s14], $0x1000  }
0x172: {  	[sflag:s14] =	ssyncset.done $0x0  }
0x173: {  	[sflag:s14] =	ssyncadd.s32 $0xFFFFF000  }
0x174: {  	s2 =	rddreg [dreg:$0x5]  }
0x175: {  	s0 =	rddreg [dreg:$0x4];
	s2 =	sadd.s32 $0x1, s2  }
0x176: {  	p0 =	sne.s32 s2, s0  }
.Ltmp2:
0x177: {  	_ = 	snop;
	(pc) =	sbr.rel @p0 .LBB2_1-.Ltmp2, $1  }
0x178: {  	_ =	sdelay $0x3  }
0x179: {  	_ =	sfence.sel $0x180000  }
0x17a: {  	[bflag:$0x0] =	sbarrier.arrive $0xFFFF  }
0x17b: {  	_ =	strace $0x90000047  }
0x17c: {  	s0 =	stileid.u32;
	[bflag:$0x2] =	sbarrier.arrive $0xFFFF  }
0x17d: {  	p0 =	sne.s32 s0, $0x0;
	s0 =	rddreg [dreg:$0x3]  }
0x17e: {  	s0 =	sadd.s32 @!p0 $0x100000, s0  }
0x17f: {  	[sflag:s0] =	ssyncadd.tile.s32 @!p0 $0x1;
	_ =	shalt  }
.Lfunc_end2:
_tile_overlayer_lowered:
.L_overlay_start_2:
0x180: {  	(tag) =	ssettag $0x2  }
0x181: {  	s0 =	rddreg [dreg:$0x0];
	s2 =	stileid.u32  }
0x182: {  	s1 =	rddreg [dreg:$0x1];
	p0 =	sne.s32 s2, $0x0  }
0x183: {  	s3 =	rddreg [dreg:$0x2];
	[bflag:$0x3] =	sbarrier.arrive $0xFFFF;
	s2 =	simm.s32 @!p0 $0x1C03  }
0x184: {  	[timem:s3], [sflag:s2] =	dma.local @!p0 [hbm:s0], s1  }
0x185: {  	s0 =	simm.s32 @!p0 $0x3  }
0x186: {  	_ =	swait.ge @!p0 [sflag:s0], s1  }
0x187: {  	s1 =	ssub.s32 @!p0 $0x0, s1;
	[sflag:s0] =	ssyncset.done @!p0 $0x0  }
0x188: {  	[sflag:s0] =	ssyncadd.s32 @!p0 s1  }
0x189: {  	[bflag:$0x3] =	sbarrier.arrive $0xFFFF  }
0x18a: {  	_ =	shalt  }

</sc_bundles>
